<compile_context>
chip_gen: v7x
topology: tpu7x:2x2x1
jax: 0.10.2.dev20260603
libtpu: 0.0.44.dev20260713+nightly
codegen_flags: <defaults>
</compile_context>

<pallas_src>
import functools

import jax
import jax.numpy as jnp
from jax import lax
from jax.experimental import pallas as pl
from jax.experimental.pallas import tpu as pltpu
from jax.experimental.pallas import tpu_sc as plsc

B = 16384
D = 32
PACK = 4
NUM_WORKERS = 32
BPW = B // NUM_WORKERS
CHUNK = 128
PASSES = 2
RPP = BPW // PASSES
CPP = RPP // CHUNK
GPP = RPP // 16


def _sc_body(uids, iids, utab, itab, out, ids_v, idx_i, rows_u, rows_i,
             out_v, sem):
    wid = lax.axis_index("s") * 2 + lax.axis_index("c")
    base = wid * BPW

    cp_u = pltpu.async_copy(uids.at[pl.ds(base, BPW)], ids_v.at[0], sem)
    cp_i = pltpu.async_copy(iids.at[pl.ds(base, BPW)], ids_v.at[1], sem)
    cp_u.wait()
    cp_i.wait()

    for c in range(BPW // 16):
        vi = ids_v[1, pl.ds(c * 16, 16)] >> 2
        idx_i[c // 8, pl.ds((c % 8) * 16, 16)] = vi

    lane = lax.iota(jnp.int32, 16)

    for p in range(PASSES):
        item_copies = []
        for j in range(CPP):
            item_copies.append(pltpu.async_copy(
                itab.at[idx_i.at[p * CPP + j]],
                rows_i.at[pl.ds(j * CHUNK, CHUNK)], sem))

        def fetch(g, carry):
            off = g * 16
            vu = ids_v[0, pl.ds(p * RPP + off, 16)]
            for k in range(16):
                pltpu.async_copy(utab.at[pl.ds(vu[k], 1)],
                                 rows_u.at[pl.ds(off + k, 1)], sem)
            return carry

        lax.fori_loop(0, GPP, fetch, 0)
        pltpu.make_async_copy(utab.at[pl.ds(0, RPP)], rows_u, sem).wait()
        for cpy in item_copies:
            cpy.wait()

        def group(g, carry):
            off = p * RPP + g * 16
            row = g * 16 + lane
            si = (ids_v[1, pl.ds(off, 16)] & 3) * D
            acc = jnp.zeros((16,), jnp.float32)
            for d in range(D):
                col = jnp.full((16,), d, jnp.int32)
                u = plsc.load_gather(rows_u, [row, col])
                v = plsc.load_gather(rows_i, [row, si + d])
                acc = acc + u * v
            plsc.store_scatter(out_v, [off + lane], acc)
            return carry

        lax.fori_loop(0, GPP, group, 0)

    pltpu.sync_copy(out_v, out.at[pl.ds(base, BPW)])


@jax.jit
def _mf_scores(user_ids, item_ids, user_table, item_table):
    mesh = plsc.VectorSubcoreMesh(core_axis_name="c", subcore_axis_name="s")
    kern = functools.partial(
        pl.kernel,
        mesh=mesh,
        out_type=jax.ShapeDtypeStruct((B,), jnp.float32),
        scratch_types=[
            pltpu.VMEM((2, BPW), jnp.int32),
            pltpu.VMEM((BPW // CHUNK, CHUNK), jnp.int32),
            pltpu.VMEM((RPP, D), jnp.float32),
            pltpu.VMEM((RPP, PACK * D), jnp.float32),
            pltpu.VMEM((BPW,), jnp.float32),
            pltpu.SemaphoreType.DMA,
        ],
        compiler_params=pltpu.CompilerParams(needs_layout_passes=False),
    )(_sc_body)
    it = item_table.reshape(item_table.shape[0] // PACK, PACK * D)
    return kern(user_ids.astype(jnp.int32), item_ids.astype(jnp.int32),
                user_table, it)


def kernel(user_ids, item_ids, user_table, item_table):
    return _mf_scores(user_ids, item_ids, user_table, item_table)

# --- scband reference (transcript-rebuilt; emitter-appended) ---
"""Pipeline reference for scband-matrix-factorization-29515015258275 (READ-ONLY COPY).

The authoritative reference and input builder live on the scoring server;
editing this copy changes nothing except your own understanding.
"""

import jax, jax.numpy as jnp
import numpy as np

NUM_USERS = 1000000
NUM_ITEMS = 1000000
EMB_SIZE = 32
BATCH = 16384


def setup_inputs(seed: int = 0) -> dict:
    key = jax.random.key(seed)
    k1, k2, k3, k4 = jax.random.split(key, 4)
    user_ids = jax.random.randint(k1, (BATCH,), 0, NUM_USERS, dtype=jnp.int64 if jax.config.jax_enable_x64 else jnp.int32)
    item_ids = jax.random.randint(k2, (BATCH,), 0, NUM_ITEMS, dtype=jnp.int64 if jax.config.jax_enable_x64 else jnp.int32)
    user_table = jax.random.normal(k3, (NUM_USERS, EMB_SIZE), dtype=jnp.float32) * 0.05
    item_table = jax.random.normal(k4, (NUM_ITEMS, EMB_SIZE), dtype=jnp.float32) * 0.05
    return {"user_ids": user_ids, "item_ids": item_ids, "user_table": user_table, "item_table": item_table}


def reference(user_ids, item_ids, user_table, item_table):
    # user_emb lookup -> gather rows
    user_vecs = jnp.take(user_table, user_ids, axis=0)   # [B, emb_size]
    item_vecs = jnp.take(item_table, item_ids, axis=0)   # [B, emb_size]
    # elementwise product then sum over embedding dim (dot product per row)
    return (user_vecs * item_vecs).sum(axis=1)           # [B]

if __name__ == "__main__":
    import jax
    _d = setup_inputs()
    print(jax.jit(kernel)(*tuple(_d.values())))

</pallas_src>

<mosaic_0001>
#map = affine_map<(d0, d1) -> (0)>
#map1 = affine_map<(d0, d1) -> (0, 0)>
module attributes {stable_mosaic.version = 14 : i64} {
  func.func @_sc_body(%arg0: i32, %arg1: i32, %arg2: memref<16384xi32, #tpu.memory_space<hbm>>, %arg3: memref<16384xi32, #tpu.memory_space<hbm>>, %arg4: memref<1000000x32xf32, #tpu.memory_space<hbm>>, %arg5: memref<250000x128xf32, #tpu.memory_space<hbm>>, %arg6: memref<16384xf32, #tpu.memory_space<hbm>>, %arg7: memref<2x512xi32, #tpu.memory_space<vmem>>, %arg8: memref<4x128xi32, #tpu.memory_space<vmem>>, %arg9: memref<256x32xf32, #tpu.memory_space<vmem>>, %arg10: memref<256x128xf32, #tpu.memory_space<vmem>>, %arg11: memref<512xf32, #tpu.memory_space<vmem>>, %arg12: memref<!tpu.dma_semaphore, #tpu.memory_space<semaphore_mem>>) attributes {dimension_semantics = [#tpu.dimension_semantics<core_parallel>, #tpu.dimension_semantics<subcore_parallel>], iteration_bounds = array<i64: 2, 16>, scalar_prefetch = 0 : i64, scratch_operands = 6 : i64, tpu.core_type = #tpu.core_type<sc_vector_subcore>, window_params = [{transform_indices = #map}, {transform_indices = #map}, {transform_indices = #map1}, {transform_indices = #map1}, {transform_indices = #map}]} {
    %mul3A = arith.constant 2 : i32
    %mul3A_0 = arith.muli %arg1, %mul3A : i32
    %add3A = arith.addi %mul3A_0, %arg0 : i32
    %mul3A_1 = arith.constant 512 : i32
    %mul3A_2 = arith.muli %add3A, %mul3A_1 : i32
    %dma_start3A = arith.constant 0 : i32
    %dma_start3A_3 = arith.constant 0 : i32
    %dma_start3A_4 = tpu.memref_slice %arg7[%dma_start3A, %dma_start3A_3] : memref<2x512xi32, #tpu.memory_space<vmem>> -> memref<1x512xi32, #tpu.memory_space<vmem>>
    %dma_start3A_5 = tpu.memref_squeeze %dma_start3A_4 : memref<1x512xi32, #tpu.memory_space<vmem>> -> memref<512xi32, #tpu.memory_space<vmem>>
    %dma_start3A_6 = tpu.memref_slice %arg2[%mul3A_2] : memref<16384xi32, #tpu.memory_space<hbm>> -> memref<512xi32, #tpu.memory_space<hbm>>
    %dma_start3A_7 = arith.constant 0 : i32
    %dma_start3A_8 = tpu.memref_slice %arg7[%dma_start3A, %dma_start3A_7] : memref<2x512xi32, #tpu.memory_space<vmem>> -> memref<1x512xi32, #tpu.memory_space<vmem>>
    %dma_start3A_9 = tpu.memref_squeeze %dma_start3A_8 : memref<1x512xi32, #tpu.memory_space<vmem>> -> memref<512xi32, #tpu.memory_space<vmem>>
    %dma_start3A_10 = tpu.memref_slice %arg2[%mul3A_2] : memref<16384xi32, #tpu.memory_space<hbm>> -> memref<512xi32, #tpu.memory_space<hbm>>
    tpu.enqueue_dma source(%dma_start3A_10 : memref<512xi32, #tpu.memory_space<hbm>>) target(%dma_start3A_9 : memref<512xi32, #tpu.memory_space<vmem>>) target_semaphore(%arg12 : memref<!tpu.dma_semaphore, #tpu.memory_space<semaphore_mem>>)
    %dma_start3A_11 = arith.constant 1 : i32
    %dma_start3A_12 = arith.constant 0 : i32
    %dma_start3A_13 = tpu.memref_slice %arg7[%dma_start3A_11, %dma_start3A_12] : memref<2x512xi32, #tpu.memory_space<vmem>> -> memref<1x512xi32, #tpu.memory_space<vmem>>
    %dma_start3A_14 = tpu.memref_squeeze %dma_start3A_13 : memref<1x512xi32, #tpu.memory_space<vmem>> -> memref<512xi32, #tpu.memory_space<vmem>>
    %dma_start3A_15 = tpu.memref_slice %arg3[%mul3A_2] : memref<16384xi32, #tpu.memory_space<hbm>> -> memref<512xi32, #tpu.memory_space<hbm>>
    %dma_start3A_16 = arith.constant 0 : i32
    %dma_start3A_17 = tpu.memref_slice %arg7[%dma_start3A_11, %dma_start3A_16] : memref<2x512xi32, #tpu.memory_space<vmem>> -> memref<1x512xi32, #tpu.memory_space<vmem>>
    %dma_start3A_18 = tpu.memref_squeeze %dma_start3A_17 : memref<1x512xi32, #tpu.memory_space<vmem>> -> memref<512xi32, #tpu.memory_space<vmem>>
    %dma_start3A_19 = tpu.memref_slice %arg3[%mul3A_2] : memref<16384xi32, #tpu.memory_space<hbm>> -> memref<512xi32, #tpu.memory_space<hbm>>
    tpu.enqueue_dma source(%dma_start3A_19 : memref<512xi32, #tpu.memory_space<hbm>>) target(%dma_start3A_18 : memref<512xi32, #tpu.memory_space<vmem>>) target_semaphore(%arg12 : memref<!tpu.dma_semaphore, #tpu.memory_space<semaphore_mem>>)
    %dma_wait3A = arith.constant 0 : i32
    %dma_wait3A_20 = arith.constant 0 : i32
    %dma_wait3A_21 = tpu.memref_slice %arg7[%dma_wait3A, %dma_wait3A_20] : memref<2x512xi32, #tpu.memory_space<vmem>> -> memref<1x512xi32, #tpu.memory_space<vmem>>
    %dma_wait3A_22 = tpu.memref_squeeze %dma_wait3A_21 : memref<1x512xi32, #tpu.memory_space<vmem>> -> memref<512xi32, #tpu.memory_space<vmem>>
    %dma_wait3A_23 = tpu.memref_slice %arg2[%mul3A_2] : memref<16384xi32, #tpu.memory_space<hbm>> -> memref<512xi32, #tpu.memory_space<hbm>>
    %dma_wait3A_24 = arith.constant 0 : i32
    %dma_wait3A_25 = tpu.memref_slice %arg7[%dma_wait3A, %dma_wait3A_24] : memref<2x512xi32, #tpu.memory_space<vmem>> -> memref<1x512xi32, #tpu.memory_space<vmem>>
    %dma_wait3A_26 = tpu.memref_squeeze %dma_wait3A_25 : memref<1x512xi32, #tpu.memory_space<vmem>> -> memref<512xi32, #tpu.memory_space<vmem>>
    %dma_wait3A_27 = tpu.memref_slice %arg2[%mul3A_2] : memref<16384xi32, #tpu.memory_space<hbm>> -> memref<512xi32, #tpu.memory_space<hbm>>
    tpu.wait_dma2 semaphore(%arg12 : memref<!tpu.dma_semaphore, #tpu.memory_space<semaphore_mem>>) src(%dma_wait3A_27 : memref<512xi32, #tpu.memory_space<hbm>>) dst(%dma_wait3A_26 : memref<512xi32, #tpu.memory_space<vmem>>)
    %dma_wait3A_28 = arith.constant 1 : i32
    %dma_wait3A_29 = arith.constant 0 : i32
    %dma_wait3A_30 = tpu.memref_slice %arg7[%dma_wait3A_28, %dma_wait3A_29] : memref<2x512xi32, #tpu.memory_space<vmem>> -> memref<1x512xi32, #tpu.memory_space<vmem>>
    %dma_wait3A_31 = tpu.memref_squeeze %dma_wait3A_30 : memref<1x512xi32, #tpu.memory_space<vmem>> -> memref<512xi32, #tpu.memory_space<vmem>>
    %dma_wait3A_32 = tpu.memref_slice %arg3[%mul3A_2] : memref<16384xi32, #tpu.memory_space<hbm>> -> memref<512xi32, #tpu.memory_space<hbm>>
    %dma_wait3A_33 = arith.constant 0 : i32
    %dma_wait3A_34 = tpu.memref_slice %arg7[%dma_wait3A_28, %dma_wait3A_33] : memref<2x512xi32, #tpu.memory_space<vmem>> -> memref<1x512xi32, #tpu.memory_space<vmem>>
    %dma_wait3A_35 = tpu.memref_squeeze %dma_wait3A_34 : memref<1x512xi32, #tpu.memory_space<vmem>> -> memref<512xi32, #tpu.memory_space<vmem>>
    %dma_wait3A_36 = tpu.memref_slice %arg3[%mul3A_2] : memref<16384xi32, #tpu.memory_space<hbm>> -> memref<512xi32, #tpu.memory_space<hbm>>
    tpu.wait_dma2 semaphore(%arg12 : memref<!tpu.dma_semaphore, #tpu.memory_space<semaphore_mem>>) src(%dma_wait3A_36 : memref<512xi32, #tpu.memory_space<hbm>>) dst(%dma_wait3A_35 : memref<512xi32, #tpu.memory_space<vmem>>)
    %get3A = arith.constant 1 : i32
    %get3A_37 = arith.index_cast %get3A : i32 to index
    %get3A_38 = arith.constant 0 : index
    %get3A_39 = tpu.vector_load %arg7[%get3A_37, %get3A_38] {strides = array<i32>} : memref<2x512xi32, #tpu.memory_space<vmem>>, vector<16xi32>,
    %shift_right_arithmetic3A = arith.constant 2 : i32
    %shift_right_arithmetic3A_40 = vector.broadcast %shift_right_arithmetic3A : i32 to vector<16xi32>
    %shift_right_arithmetic3A_41 = arith.shrsi %get3A_39, %shift_right_arithmetic3A_40 : vector<16xi32>
    %swap3A = arith.constant 0 : i32
    %swap3A_42 = arith.index_cast %swap3A : i32 to index
    %swap3A_43 = arith.constant 0 : index
    %swap3A_44 = tpu.vector_load %arg8[%swap3A_42, %swap3A_43] {strides = array<i32>} : memref<4x128xi32, #tpu.memory_space<vmem>>, vector<16xi32>,
    tpu.vector_store %arg8[%swap3A_42, %swap3A_43], %shift_right_arithmetic3A_41 {strides = array<i32>} : memref<4x128xi32, #tpu.memory_space<vmem>>, vector<16xi32>,
    %get3A_45 = arith.constant 1 : i32
    %get3A_46 = arith.index_cast %get3A_45 : i32 to index
    %get3A_47 = arith.constant 16 : index
    %get3A_48 = tpu.vector_load %arg7[%get3A_46, %get3A_47] {strides = array<i32>} : memref<2x512xi32, #tpu.memory_space<vmem>>, vector<16xi32>,
    %shift_right_arithmetic3A_49 = arith.constant 2 : i32
    %shift_right_arithmetic3A_50 = vector.broadcast %shift_right_arithmetic3A_49 : i32 to vector<16xi32>
    %shift_right_arithmetic3A_51 = arith.shrsi %get3A_48, %shift_right_arithmetic3A_50 : vector<16xi32>
    %swap3A_52 = arith.constant 0 : i32
    %swap3A_53 = arith.index_cast %swap3A_52 : i32 to index
    %swap3A_54 = arith.constant 16 : index
    %swap3A_55 = tpu.vector_load %arg8[%swap3A_53, %swap3A_54] {strides = array<i32>} : memref<4x128xi32, #tpu.memory_space<vmem>>, vector<16xi32>,
    tpu.vector_store %arg8[%swap3A_53, %swap3A_54], %shift_right_arithmetic3A_51 {strides = array<i32>} : memref<4x128xi32, #tpu.memory_space<vmem>>, vector<16xi32>,
    %get3A_56 = arith.constant 1 : i32
    %get3A_57 = arith.index_cast %get3A_56 : i32 to index
    %get3A_58 = arith.constant 32 : index
    %get3A_59 = tpu.vector_load %arg7[%get3A_57, %get3A_58] {strides = array<i32>} : memref<2x512xi32, #tpu.memory_space<vmem>>, vector<16xi32>,
    %shift_right_arithmetic3A_60 = arith.constant 2 : i32
    %shift_right_arithmetic3A_61 = vector.broadcast %shift_right_arithmetic3A_60 : i32 to vector<16xi32>
    %shift_right_arithmetic3A_62 = arith.shrsi %get3A_59, %shift_right_arithmetic3A_61 : vector<16xi32>
    %swap3A_63 = arith.constant 0 : i32
    %swap3A_64 = arith.index_cast %swap3A_63 : i32 to index
    %swap3A_65 = arith.constant 32 : index
    %swap3A_66 = tpu.vector_load %arg8[%swap3A_64, %swap3A_65] {strides = array<i32>} : memref<4x128xi32, #tpu.memory_space<vmem>>, vector<16xi32>,
    tpu.vector_store %arg8[%swap3A_64, %swap3A_65], %shift_right_arithmetic3A_62 {strides = array<i32>} : memref<4x128xi32, #tpu.memory_space<vmem>>, vector<16xi32>,
    %get3A_67 = arith.constant 1 : i32
    %get3A_68 = arith.index_cast %get3A_67 : i32 to index
    %get3A_69 = arith.constant 48 : index
    %get3A_70 = tpu.vector_load %arg7[%get3A_68, %get3A_69] {strides = array<i32>} : memref<2x512xi32, #tpu.memory_space<vmem>>, vector<16xi32>,
    %shift_right_arithmetic3A_71 = arith.constant 2 : i32
    %shift_right_arithmetic3A_72 = vector.broadcast %shift_right_arithmetic3A_71 : i32 to vector<16xi32>
    %shift_right_arithmetic3A_73 = arith.shrsi %get3A_70, %shift_right_arithmetic3A_72 : vector<16xi32>
    %swap3A_74 = arith.constant 0 : i32
    %swap3A_75 = arith.index_cast %swap3A_74 : i32 to index
    %swap3A_76 = arith.constant 48 : index
    %swap3A_77 = tpu.vector_load %arg8[%swap3A_75, %swap3A_76] {strides = array<i32>} : memref<4x128xi32, #tpu.memory_space<vmem>>, vector<16xi32>,
    tpu.vector_store %arg8[%swap3A_75, %swap3A_76], %shift_right_arithmetic3A_73 {strides = array<i32>} : memref<4x128xi32, #tpu.memory_space<vmem>>, vector<16xi32>,
    %get3A_78 = arith.constant 1 : i32
    %get3A_79 = arith.index_cast %get3A_78 : i32 to index
    %get3A_80 = arith.constant 64 : index
    %get3A_81 = tpu.vector_load %arg7[%get3A_79, %get3A_80] {strides = array<i32>} : memref<2x512xi32, #tpu.memory_space<vmem>>, vector<16xi32>,
    %shift_right_arithmetic3A_82 = arith.constant 2 : i32
    %shift_right_arithmetic3A_83 = vector.broadcast %shift_right_arithmetic3A_82 : i32 to vector<16xi32>
    %shift_right_arithmetic3A_84 = arith.shrsi %get3A_81, %shift_right_arithmetic3A_83 : vector<16xi32>
    %swap3A_85 = arith.constant 0 : i32
    %swap3A_86 = arith.index_cast %swap3A_85 : i32 to index
    %swap3A_87 = arith.constant 64 : index
    %swap3A_88 = tpu.vector_load %arg8[%swap3A_86, %swap3A_87] {strides = array<i32>} : memref<4x128xi32, #tpu.memory_space<vmem>>, vector<16xi32>,
    tpu.vector_store %arg8[%swap3A_86, %swap3A_87], %shift_right_arithmetic3A_84 {strides = array<i32>} : memref<4x128xi32, #tpu.memory_space<vmem>>, vector<16xi32>,
    %get3A_89 = arith.constant 1 : i32
    %get3A_90 = arith.index_cast %get3A_89 : i32 to index
    %get3A_91 = arith.constant 80 : index
    %get3A_92 = tpu.vector_load %arg7[%get3A_90, %get3A_91] {strides = array<i32>} : memref<2x512xi32, #tpu.memory_space<vmem>>, vector<16xi32>,
    %shift_right_arithmetic3A_93 = arith.constant 2 : i32
    %shift_right_arithmetic3A_94 = vector.broadcast %shift_right_arithmetic3A_93 : i32 to vector<16xi32>
    %shift_right_arithmetic3A_95 = arith.shrsi %get3A_92, %shift_right_arithmetic3A_94 : vector<16xi32>
    %swap3A_96 = arith.constant 0 : i32
    %swap3A_97 = arith.index_cast %swap3A_96 : i32 to index
    %swap3A_98 = arith.constant 80 : index
    %swap3A_99 = tpu.vector_load %arg8[%swap3A_97, %swap3A_98] {strides = array<i32>} : memref<4x128xi32, #tpu.memory_space<vmem>>, vector<16xi32>,
    tpu.vector_store %arg8[%swap3A_97, %swap3A_98], %shift_right_arithmetic3A_95 {strides = array<i32>} : memref<4x128xi32, #tpu.memory_space<vmem>>, vector<16xi32>,
    %get3A_100 = arith.constant 1 : i32
    %get3A_101 = arith.index_cast %get3A_100 : i32 to index
    %get3A_102 = arith.constant 96 : index
    %get3A_103 = tpu.vector_load %arg7[%get3A_101, %get3A_102] {strides = array<i32>} : memref<2x512xi32, #tpu.memory_space<vmem>>, vector<16xi32>,
    %shift_right_arithmetic3A_104 = arith.constant 2 : i32
    %shift_right_arithmetic3A_105 = vector.broadcast %shift_right_arithmetic3A_104 : i32 to vector<16xi32>
    %shift_right_arithmetic3A_106 = arith.shrsi %get3A_103, %shift_right_arithmetic3A_105 : vector<16xi32>
    %swap3A_107 = arith.constant 0 : i32
    %swap3A_108 = arith.index_cast %swap3A_107 : i32 to index
    %swap3A_109 = arith.constant 96 : index
    %swap3A_110 = tpu.vector_load %arg8[%swap3A_108, %swap3A_109] {strides = array<i32>} : memref<4x128xi32, #tpu.memory_space<vmem>>, vector<16xi32>,
    tpu.vector_store %arg8[%swap3A_108, %swap3A_109], %shift_right_arithmetic3A_106 {strides = array<i32>} : memref<4x128xi32, #tpu.memory_space<vmem>>, vector<16xi32>,
    %get3A_111 = arith.constant 1 : i32
    %get3A_112 = arith.index_cast %get3A_111 : i32 to index
    %get3A_113 = arith.constant 112 : index
    %get3A_114 = tpu.vector_load %arg7[%get3A_112, %get3A_113] {strides = array<i32>} : memref<2x512xi32, #tpu.memory_space<vmem>>, vector<16xi32>,
    %shift_right_arithmetic3A_115 = arith.constant 2 : i32
    %shift_right_arithmetic3A_116 = vector.broadcast %shift_right_arithmetic3A_115 : i32 to vector<16xi32>
    %shift_right_arithmetic3A_117 = arith.shrsi %get3A_114, %shift_right_arithmetic3A_116 : vector<16xi32>
    %swap3A_118 = arith.constant 0 : i32
    %swap3A_119 = arith.index_cast %swap3A_118 : i32 to index
    %swap3A_120 = arith.constant 112 : index
    %swap3A_121 = tpu.vector_load %arg8[%swap3A_119, %swap3A_120] {strides = array<i32>} : memref<4x128xi32, #tpu.memory_space<vmem>>, vector<16xi32>,
    tpu.vector_store %arg8[%swap3A_119, %swap3A_120], %shift_right_arithmetic3A_117 {strides = array<i32>} : memref<4x128xi32, #tpu.memory_space<vmem>>, vector<16xi32>,
    %get3A_122 = arith.constant 1 : i32
    %get3A_123 = arith.index_cast %get3A_122 : i32 to index
    %get3A_124 = arith.constant 128 : index
    %get3A_125 = tpu.vector_load %arg7[%get3A_123, %get3A_124] {strides = array<i32>} : memref<2x512xi32, #tpu.memory_space<vmem>>, vector<16xi32>,
    %shift_right_arithmetic3A_126 = arith.constant 2 : i32
    %shift_right_arithmetic3A_127 = vector.broadcast %shift_right_arithmetic3A_126 : i32 to vector<16xi32>
    %shift_right_arithmetic3A_128 = arith.shrsi %get3A_125, %shift_right_arithmetic3A_127 : vector<16xi32>
    %swap3A_129 = arith.constant 1 : i32
    %swap3A_130 = arith.index_cast %swap3A_129 : i32 to index
    %swap3A_131 = arith.constant 0 : index
    %swap3A_132 = tpu.vector_load %arg8[%swap3A_130, %swap3A_131] {strides = array<i32>} : memref<4x128xi32, #tpu.memory_space<vmem>>, vector<16xi32>,
    tpu.vector_store %arg8[%swap3A_130, %swap3A_131], %shift_right_arithmetic3A_128 {strides = array<i32>} : memref<4x128xi32, #tpu.memory_space<vmem>>, vector<16xi32>,
    %get3A_133 = arith.constant 1 : i32
    %get3A_134 = arith.index_cast %get3A_133 : i32 to index
    %get3A_135 = arith.constant 144 : index
    %get3A_136 = tpu.vector_load %arg7[%get3A_134, %get3A_135] {strides = array<i32>} : memref<2x512xi32, #tpu.memory_space<vmem>>, vector<16xi32>,
    %shift_right_arithmetic3A_137 = arith.constant 2 : i32
    %shift_right_arithmetic3A_138 = vector.broadcast %shift_right_arithmetic3A_137 : i32 to vector<16xi32>
    %shift_right_arithmetic3A_139 = arith.shrsi %get3A_136, %shift_right_arithmetic3A_138 : vector<16xi32>
    %swap3A_140 = arith.constant 1 : i32
    %swap3A_141 = arith.index_cast %swap3A_140 : i32 to index
    %swap3A_142 = arith.constant 16 : index
    %swap3A_143 = tpu.vector_load %arg8[%swap3A_141, %swap3A_142] {strides = array<i32>} : memref<4x128xi32, #tpu.memory_space<vmem>>, vector<16xi32>,
    tpu.vector_store %arg8[%swap3A_141, %swap3A_142], %shift_right_arithmetic3A_139 {strides = array<i32>} : memref<4x128xi32, #tpu.memory_space<vmem>>, vector<16xi32>,
    %get3A_144 = arith.constant 1 : i32
    %get3A_145 = arith.index_cast %get3A_144 : i32 to index
    %get3A_146 = arith.constant 160 : index
    %get3A_147 = tpu.vector_load %arg7[%get3A_145, %get3A_146] {strides = array<i32>} : memref<2x512xi32, #tpu.memory_space<vmem>>, vector<16xi32>,
    %shift_right_arithmetic3A_148 = arith.constant 2 : i32
    %shift_right_arithmetic3A_149 = vector.broadcast %shift_right_arithmetic3A_148 : i32 to vector<16xi32>
    %shift_right_arithmetic3A_150 = arith.shrsi %get3A_147, %shift_right_arithmetic3A_149 : vector<16xi32>
    %swap3A_151 = arith.constant 1 : i32
    %swap3A_152 = arith.index_cast %swap3A_151 : i32 to index
    %swap3A_153 = arith.constant 32 : index
    %swap3A_154 = tpu.vector_load %arg8[%swap3A_152, %swap3A_153] {strides = array<i32>} : memref<4x128xi32, #tpu.memory_space<vmem>>, vector<16xi32>,
    tpu.vector_store %arg8[%swap3A_152, %swap3A_153], %shift_right_arithmetic3A_150 {strides = array<i32>} : memref<4x128xi32, #tpu.memory_space<vmem>>, vector<16xi32>,
    %get3A_155 = arith.constant 1 : i32
    %get3A_156 = arith.index_cast %get3A_155 : i32 to index
    %get3A_157 = arith.constant 176 : index
    %get3A_158 = tpu.vector_load %arg7[%get3A_156, %get3A_157] {strides = array<i32>} : memref<2x512xi32, #tpu.memory_space<vmem>>, vector<16xi32>,
    %shift_right_arithmetic3A_159 = arith.constant 2 : i32
    %shift_right_arithmetic3A_160 = vector.broadcast %shift_right_arithmetic3A_159 : i32 to vector<16xi32>
    %shift_right_arithmetic3A_161 = arith.shrsi %get3A_158, %shift_right_arithmetic3A_160 : vector<16xi32>
    %swap3A_162 = arith.constant 1 : i32
    %swap3A_163 = arith.index_cast %swap3A_162 : i32 to index
    %swap3A_164 = arith.constant 48 : index
    %swap3A_165 = tpu.vector_load %arg8[%swap3A_163, %swap3A_164] {strides = array<i32>} : memref<4x128xi32, #tpu.memory_space<vmem>>, vector<16xi32>,
    tpu.vector_store %arg8[%swap3A_163, %swap3A_164], %shift_right_arithmetic3A_161 {strides = array<i32>} : memref<4x128xi32, #tpu.memory_space<vmem>>, vector<16xi32>,
    %get3A_166 = arith.constant 1 : i32
    %get3A_167 = arith.index_cast %get3A_166 : i32 to index
    %get3A_168 = arith.constant 192 : index
    %get3A_169 = tpu.vector_load %arg7[%get3A_167, %get3A_168] {strides = array<i32>} : memref<2x512xi32, #tpu.memory_space<vmem>>, vector<16xi32>,
    %shift_right_arithmetic3A_170 = arith.constant 2 : i32
    %shift_right_arithmetic3A_171 = vector.broadcast %shift_right_arithmetic3A_170 : i32 to vector<16xi32>
    %shift_right_arithmetic3A_172 = arith.shrsi %get3A_169, %shift_right_arithmetic3A_171 : vector<16xi32>
    %swap3A_173 = arith.constant 1 : i32
    %swap3A_174 = arith.index_cast %swap3A_173 : i32 to index
    %swap3A_175 = arith.constant 64 : index
    %swap3A_176 = tpu.vector_load %arg8[%swap3A_174, %swap3A_175] {strides = array<i32>} : memref<4x128xi32, #tpu.memory_space<vmem>>, vector<16xi32>,
    tpu.vector_store %arg8[%swap3A_174, %swap3A_175], %shift_right_arithmetic3A_172 {strides = array<i32>} : memref<4x128xi32, #tpu.memory_space<vmem>>, vector<16xi32>,
    %get3A_177 = arith.constant 1 : i32
    %get3A_178 = arith.index_cast %get3A_177 : i32 to index
    %get3A_179 = arith.constant 208 : index
    %get3A_180 = tpu.vector_load %arg7[%get3A_178, %get3A_179] {strides = array<i32>} : memref<2x512xi32, #tpu.memory_space<vmem>>, vector<16xi32>,
    %shift_right_arithmetic3A_181 = arith.constant 2 : i32
    %shift_right_arithmetic3A_182 = vector.broadcast %shift_right_arithmetic3A_181 : i32 to vector<16xi32>
    %shift_right_arithmetic3A_183 = arith.shrsi %get3A_180, %shift_right_arithmetic3A_182 : vector<16xi32>
    %swap3A_184 = arith.constant 1 : i32
    %swap3A_185 = arith.index_cast %swap3A_184 : i32 to index
    %swap3A_186 = arith.constant 80 : index
    %swap3A_187 = tpu.vector_load %arg8[%swap3A_185, %swap3A_186] {strides = array<i32>} : memref<4x128xi32, #tpu.memory_space<vmem>>, vector<16xi32>,
    tpu.vector_store %arg8[%swap3A_185, %swap3A_186], %shift_right_arithmetic3A_183 {strides = array<i32>} : memref<4x128xi32, #tpu.memory_space<vmem>>, vector<16xi32>,
    %get3A_188 = arith.constant 1 : i32
    %get3A_189 = arith.index_cast %get3A_188 : i32 to index
    %get3A_190 = arith.constant 224 : index
    %get3A_191 = tpu.vector_load %arg7[%get3A_189, %get3A_190] {strides = array<i32>} : memref<2x512xi32, #tpu.memory_space<vmem>>, vector<16xi32>,
    %shift_right_arithmetic3A_192 = arith.constant 2 : i32
    %shift_right_arithmetic3A_193 = vector.broadcast %shift_right_arithmetic3A_192 : i32 to vector<16xi32>
    %shift_right_arithmetic3A_194 = arith.shrsi %get3A_191, %shift_right_arithmetic3A_193 : vector<16xi32>
    %swap3A_195 = arith.constant 1 : i32
    %swap3A_196 = arith.index_cast %swap3A_195 : i32 to index
    %swap3A_197 = arith.constant 96 : index
    %swap3A_198 = tpu.vector_load %arg8[%swap3A_196, %swap3A_197] {strides = array<i32>} : memref<4x128xi32, #tpu.memory_space<vmem>>, vector<16xi32>,
    tpu.vector_store %arg8[%swap3A_196, %swap3A_197], %shift_right_arithmetic3A_194 {strides = array<i32>} : memref<4x128xi32, #tpu.memory_space<vmem>>, vector<16xi32>,
    %get3A_199 = arith.constant 1 : i32
    %get3A_200 = arith.index_cast %get3A_199 : i32 to index
    %get3A_201 = arith.constant 240 : index
    %get3A_202 = tpu.vector_load %arg7[%get3A_200, %get3A_201] {strides = array<i32>} : memref<2x512xi32, #tpu.memory_space<vmem>>, vector<16xi32>,
    %shift_right_arithmetic3A_203 = arith.constant 2 : i32
    %shift_right_arithmetic3A_204 = vector.broadcast %shift_right_arithmetic3A_203 : i32 to vector<16xi32>
    %shift_right_arithmetic3A_205 = arith.shrsi %get3A_202, %shift_right_arithmetic3A_204 : vector<16xi32>
    %swap3A_206 = arith.constant 1 : i32
    %swap3A_207 = arith.index_cast %swap3A_206 : i32 to index
    %swap3A_208 = arith.constant 112 : index
    %swap3A_209 = tpu.vector_load %arg8[%swap3A_207, %swap3A_208] {strides = array<i32>} : memref<4x128xi32, #tpu.memory_space<vmem>>, vector<16xi32>,
    tpu.vector_store %arg8[%swap3A_207, %swap3A_208], %shift_right_arithmetic3A_205 {strides = array<i32>} : memref<4x128xi32, #tpu.memory_space<vmem>>, vector<16xi32>,
    %get3A_210 = arith.constant 1 : i32
    %get3A_211 = arith.index_cast %get3A_210 : i32 to index
    %get3A_212 = arith.constant 256 : index
    %get3A_213 = tpu.vector_load %arg7[%get3A_211, %get3A_212] {strides = array<i32>} : memref<2x512xi32, #tpu.memory_space<vmem>>, vector<16xi32>,
    %shift_right_arithmetic3A_214 = arith.constant 2 : i32
    %shift_right_arithmetic3A_215 = vector.broadcast %shift_right_arithmetic3A_214 : i32 to vector<16xi32>
    %shift_right_arithmetic3A_216 = arith.shrsi %get3A_213, %shift_right_arithmetic3A_215 : vector<16xi32>
    %swap3A_217 = arith.constant 2 : i32
    %swap3A_218 = arith.index_cast %swap3A_217 : i32 to index
    %swap3A_219 = arith.constant 0 : index
    %swap3A_220 = tpu.vector_load %arg8[%swap3A_218, %swap3A_219] {strides = array<i32>} : memref<4x128xi32, #tpu.memory_space<vmem>>, vector<16xi32>,
    tpu.vector_store %arg8[%swap3A_218, %swap3A_219], %shift_right_arithmetic3A_216 {strides = array<i32>} : memref<4x128xi32, #tpu.memory_space<vmem>>, vector<16xi32>,
    %get3A_221 = arith.constant 1 : i32
    %get3A_222 = arith.index_cast %get3A_221 : i32 to index
    %get3A_223 = arith.constant 272 : index
    %get3A_224 = tpu.vector_load %arg7[%get3A_222, %get3A_223] {strides = array<i32>} : memref<2x512xi32, #tpu.memory_space<vmem>>, vector<16xi32>,
    %shift_right_arithmetic3A_225 = arith.constant 2 : i32
    %shift_right_arithmetic3A_226 = vector.broadcast %shift_right_arithmetic3A_225 : i32 to vector<16xi32>
    %shift_right_arithmetic3A_227 = arith.shrsi %get3A_224, %shift_right_arithmetic3A_226 : vector<16xi32>
    %swap3A_228 = arith.constant 2 : i32
    %swap3A_229 = arith.index_cast %swap3A_228 : i32 to index
    %swap3A_230 = arith.constant 16 : index
    %swap3A_231 = tpu.vector_load %arg8[%swap3A_229, %swap3A_230] {strides = array<i32>} : memref<4x128xi32, #tpu.memory_space<vmem>>, vector<16xi32>,
    tpu.vector_store %arg8[%swap3A_229, %swap3A_230], %shift_right_arithmetic3A_227 {strides = array<i32>} : memref<4x128xi32, #tpu.memory_space<vmem>>, vector<16xi32>,
    %get3A_232 = arith.constant 1 : i32
    %get3A_233 = arith.index_cast %get3A_232 : i32 to index
    %get3A_234 = arith.constant 288 : index
    %get3A_235 = tpu.vector_load %arg7[%get3A_233, %get3A_234] {strides = array<i32>} : memref<2x512xi32, #tpu.memory_space<vmem>>, vector<16xi32>,
    %shift_right_arithmetic3A_236 = arith.constant 2 : i32
    %shift_right_arithmetic3A_237 = vector.broadcast %shift_right_arithmetic3A_236 : i32 to vector<16xi32>
    %shift_right_arithmetic3A_238 = arith.shrsi %get3A_235, %shift_right_arithmetic3A_237 : vector<16xi32>
    %swap3A_239 = arith.constant 2 : i32
    %swap3A_240 = arith.index_cast %swap3A_239 : i32 to index
    %swap3A_241 = arith.constant 32 : index
    %swap3A_242 = tpu.vector_load %arg8[%swap3A_240, %swap3A_241] {strides = array<i32>} : memref<4x128xi32, #tpu.memory_space<vmem>>, vector<16xi32>,
    tpu.vector_store %arg8[%swap3A_240, %swap3A_241], %shift_right_arithmetic3A_238 {strides = array<i32>} : memref<4x128xi32, #tpu.memory_space<vmem>>, vector<16xi32>,
    %get3A_243 = arith.constant 1 : i32
    %get3A_244 = arith.index_cast %get3A_243 : i32 to index
    %get3A_245 = arith.constant 304 : index
    %get3A_246 = tpu.vector_load %arg7[%get3A_244, %get3A_245] {strides = array<i32>} : memref<2x512xi32, #tpu.memory_space<vmem>>, vector<16xi32>,
    %shift_right_arithmetic3A_247 = arith.constant 2 : i32
    %shift_right_arithmetic3A_248 = vector.broadcast %shift_right_arithmetic3A_247 : i32 to vector<16xi32>
    %shift_right_arithmetic3A_249 = arith.shrsi %get3A_246, %shift_right_arithmetic3A_248 : vector<16xi32>
    %swap3A_250 = arith.constant 2 : i32
    %swap3A_251 = arith.index_cast %swap3A_250 : i32 to index
    %swap3A_252 = arith.constant 48 : index
    %swap3A_253 = tpu.vector_load %arg8[%swap3A_251, %swap3A_252] {strides = array<i32>} : memref<4x128xi32, #tpu.memory_space<vmem>>, vector<16xi32>,
    tpu.vector_store %arg8[%swap3A_251, %swap3A_252], %shift_right_arithmetic3A_249 {strides = array<i32>} : memref<4x128xi32, #tpu.memory_space<vmem>>, vector<16xi32>,
    %get3A_254 = arith.constant 1 : i32
    %get3A_255 = arith.index_cast %get3A_254 : i32 to index
    %get3A_256 = arith.constant 320 : index
    %get3A_257 = tpu.vector_load %arg7[%get3A_255, %get3A_256] {strides = array<i32>} : memref<2x512xi32, #tpu.memory_space<vmem>>, vector<16xi32>,
    %shift_right_arithmetic3A_258 = arith.constant 2 : i32
    %shift_right_arithmetic3A_259 = vector.broadcast %shift_right_arithmetic3A_258 : i32 to vector<16xi32>
    %shift_right_arithmetic3A_260 = arith.shrsi %get3A_257, %shift_right_arithmetic3A_259 : vector<16xi32>
    %swap3A_261 = arith.constant 2 : i32
    %swap3A_262 = arith.index_cast %swap3A_261 : i32 to index
    %swap3A_263 = arith.constant 64 : index
    %swap3A_264 = tpu.vector_load %arg8[%swap3A_262, %swap3A_263] {strides = array<i32>} : memref<4x128xi32, #tpu.memory_space<vmem>>, vector<16xi32>,
    tpu.vector_store %arg8[%swap3A_262, %swap3A_263], %shift_right_arithmetic3A_260 {strides = array<i32>} : memref<4x128xi32, #tpu.memory_space<vmem>>, vector<16xi32>,
    %get3A_265 = arith.constant 1 : i32
    %get3A_266 = arith.index_cast %get3A_265 : i32 to index
    %get3A_267 = arith.constant 336 : index
    %get3A_268 = tpu.vector_load %arg7[%get3A_266, %get3A_267] {strides = array<i32>} : memref<2x512xi32, #tpu.memory_space<vmem>>, vector<16xi32>,
    %shift_right_arithmetic3A_269 = arith.constant 2 : i32
    %shift_right_arithmetic3A_270 = vector.broadcast %shift_right_arithmetic3A_269 : i32 to vector<16xi32>
    %shift_right_arithmetic3A_271 = arith.shrsi %get3A_268, %shift_right_arithmetic3A_270 : vector<16xi32>
    %swap3A_272 = arith.constant 2 : i32
    %swap3A_273 = arith.index_cast %swap3A_272 : i32 to index
    %swap3A_274 = arith.constant 80 : index
    %swap3A_275 = tpu.vector_load %arg8[%swap3A_273, %swap3A_274] {strides = array<i32>} : memref<4x128xi32, #tpu.memory_space<vmem>>, vector<16xi32>,
    tpu.vector_store %arg8[%swap3A_273, %swap3A_274], %shift_right_arithmetic3A_271 {strides = array<i32>} : memref<4x128xi32, #tpu.memory_space<vmem>>, vector<16xi32>,
    %get3A_276 = arith.constant 1 : i32
    %get3A_277 = arith.index_cast %get3A_276 : i32 to index
    %get3A_278 = arith.constant 352 : index
    %get3A_279 = tpu.vector_load %arg7[%get3A_277, %get3A_278] {strides = array<i32>} : memref<2x512xi32, #tpu.memory_space<vmem>>, vector<16xi32>,
    %shift_right_arithmetic3A_280 = arith.constant 2 : i32
    %shift_right_arithmetic3A_281 = vector.broadcast %shift_right_arithmetic3A_280 : i32 to vector<16xi32>
    %shift_right_arithmetic3A_282 = arith.shrsi %get3A_279, %shift_right_arithmetic3A_281 : vector<16xi32>
    %swap3A_283 = arith.constant 2 : i32
    %swap3A_284 = arith.index_cast %swap3A_283 : i32 to index
    %swap3A_285 = arith.constant 96 : index
    %swap3A_286 = tpu.vector_load %arg8[%swap3A_284, %swap3A_285] {strides = array<i32>} : memref<4x128xi32, #tpu.memory_space<vmem>>, vector<16xi32>,
    tpu.vector_store %arg8[%swap3A_284, %swap3A_285], %shift_right_arithmetic3A_282 {strides = array<i32>} : memref<4x128xi32, #tpu.memory_space<vmem>>, vector<16xi32>,
    %get3A_287 = arith.constant 1 : i32
    %get3A_288 = arith.index_cast %get3A_287 : i32 to index
    %get3A_289 = arith.constant 368 : index
    %get3A_290 = tpu.vector_load %arg7[%get3A_288, %get3A_289] {strides = array<i32>} : memref<2x512xi32, #tpu.memory_space<vmem>>, vector<16xi32>,
    %shift_right_arithmetic3A_291 = arith.constant 2 : i32
    %shift_right_arithmetic3A_292 = vector.broadcast %shift_right_arithmetic3A_291 : i32 to vector<16xi32>
    %shift_right_arithmetic3A_293 = arith.shrsi %get3A_290, %shift_right_arithmetic3A_292 : vector<16xi32>
    %swap3A_294 = arith.constant 2 : i32
    %swap3A_295 = arith.index_cast %swap3A_294 : i32 to index
    %swap3A_296 = arith.constant 112 : index
    %swap3A_297 = tpu.vector_load %arg8[%swap3A_295, %swap3A_296] {strides = array<i32>} : memref<4x128xi32, #tpu.memory_space<vmem>>, vector<16xi32>,
    tpu.vector_store %arg8[%swap3A_295, %swap3A_296], %shift_right_arithmetic3A_293 {strides = array<i32>} : memref<4x128xi32, #tpu.memory_space<vmem>>, vector<16xi32>,
    %get3A_298 = arith.constant 1 : i32
    %get3A_299 = arith.index_cast %get3A_298 : i32 to index
    %get3A_300 = arith.constant 384 : index
    %get3A_301 = tpu.vector_load %arg7[%get3A_299, %get3A_300] {strides = array<i32>} : memref<2x512xi32, #tpu.memory_space<vmem>>, vector<16xi32>,
    %shift_right_arithmetic3A_302 = arith.constant 2 : i32
    %shift_right_arithmetic3A_303 = vector.broadcast %shift_right_arithmetic3A_302 : i32 to vector<16xi32>
    %shift_right_arithmetic3A_304 = arith.shrsi %get3A_301, %shift_right_arithmetic3A_303 : vector<16xi32>
    %swap3A_305 = arith.constant 3 : i32
    %swap3A_306 = arith.index_cast %swap3A_305 : i32 to index
    %swap3A_307 = arith.constant 0 : index
    %swap3A_308 = tpu.vector_load %arg8[%swap3A_306, %swap3A_307] {strides = array<i32>} : memref<4x128xi32, #tpu.memory_space<vmem>>, vector<16xi32>,
    tpu.vector_store %arg8[%swap3A_306, %swap3A_307], %shift_right_arithmetic3A_304 {strides = array<i32>} : memref<4x128xi32, #tpu.memory_space<vmem>>, vector<16xi32>,
    %get3A_309 = arith.constant 1 : i32
    %get3A_310 = arith.index_cast %get3A_309 : i32 to index
    %get3A_311 = arith.constant 400 : index
    %get3A_312 = tpu.vector_load %arg7[%get3A_310, %get3A_311] {strides = array<i32>} : memref<2x512xi32, #tpu.memory_space<vmem>>, vector<16xi32>,
    %shift_right_arithmetic3A_313 = arith.constant 2 : i32
    %shift_right_arithmetic3A_314 = vector.broadcast %shift_right_arithmetic3A_313 : i32 to vector<16xi32>
    %shift_right_arithmetic3A_315 = arith.shrsi %get3A_312, %shift_right_arithmetic3A_314 : vector<16xi32>
    %swap3A_316 = arith.constant 3 : i32
    %swap3A_317 = arith.index_cast %swap3A_316 : i32 to index
    %swap3A_318 = arith.constant 16 : index
    %swap3A_319 = tpu.vector_load %arg8[%swap3A_317, %swap3A_318] {strides = array<i32>} : memref<4x128xi32, #tpu.memory_space<vmem>>, vector<16xi32>,
    tpu.vector_store %arg8[%swap3A_317, %swap3A_318], %shift_right_arithmetic3A_315 {strides = array<i32>} : memref<4x128xi32, #tpu.memory_space<vmem>>, vector<16xi32>,
    %get3A_320 = arith.constant 1 : i32
    %get3A_321 = arith.index_cast %get3A_320 : i32 to index
    %get3A_322 = arith.constant 416 : index
    %get3A_323 = tpu.vector_load %arg7[%get3A_321, %get3A_322] {strides = array<i32>} : memref<2x512xi32, #tpu.memory_space<vmem>>, vector<16xi32>,
    %shift_right_arithmetic3A_324 = arith.constant 2 : i32
    %shift_right_arithmetic3A_325 = vector.broadcast %shift_right_arithmetic3A_324 : i32 to vector<16xi32>
    %shift_right_arithmetic3A_326 = arith.shrsi %get3A_323, %shift_right_arithmetic3A_325 : vector<16xi32>
    %swap3A_327 = arith.constant 3 : i32
    %swap3A_328 = arith.index_cast %swap3A_327 : i32 to index
    %swap3A_329 = arith.constant 32 : index
    %swap3A_330 = tpu.vector_load %arg8[%swap3A_328, %swap3A_329] {strides = array<i32>} : memref<4x128xi32, #tpu.memory_space<vmem>>, vector<16xi32>,
    tpu.vector_store %arg8[%swap3A_328, %swap3A_329], %shift_right_arithmetic3A_326 {strides = array<i32>} : memref<4x128xi32, #tpu.memory_space<vmem>>, vector<16xi32>,
    %get3A_331 = arith.constant 1 : i32
    %get3A_332 = arith.index_cast %get3A_331 : i32 to index
    %get3A_333 = arith.constant 432 : index
    %get3A_334 = tpu.vector_load %arg7[%get3A_332, %get3A_333] {strides = array<i32>} : memref<2x512xi32, #tpu.memory_space<vmem>>, vector<16xi32>,
    %shift_right_arithmetic3A_335 = arith.constant 2 : i32
    %shift_right_arithmetic3A_336 = vector.broadcast %shift_right_arithmetic3A_335 : i32 to vector<16xi32>
    %shift_right_arithmetic3A_337 = arith.shrsi %get3A_334, %shift_right_arithmetic3A_336 : vector<16xi32>
    %swap3A_338 = arith.constant 3 : i32
    %swap3A_339 = arith.index_cast %swap3A_338 : i32 to index
    %swap3A_340 = arith.constant 48 : index
    %swap3A_341 = tpu.vector_load %arg8[%swap3A_339, %swap3A_340] {strides = array<i32>} : memref<4x128xi32, #tpu.memory_space<vmem>>, vector<16xi32>,
    tpu.vector_store %arg8[%swap3A_339, %swap3A_340], %shift_right_arithmetic3A_337 {strides = array<i32>} : memref<4x128xi32, #tpu.memory_space<vmem>>, vector<16xi32>,
    %get3A_342 = arith.constant 1 : i32
    %get3A_343 = arith.index_cast %get3A_342 : i32 to index
    %get3A_344 = arith.constant 448 : index
    %get3A_345 = tpu.vector_load %arg7[%get3A_343, %get3A_344] {strides = array<i32>} : memref<2x512xi32, #tpu.memory_space<vmem>>, vector<16xi32>,
    %shift_right_arithmetic3A_346 = arith.constant 2 : i32
    %shift_right_arithmetic3A_347 = vector.broadcast %shift_right_arithmetic3A_346 : i32 to vector<16xi32>
    %shift_right_arithmetic3A_348 = arith.shrsi %get3A_345, %shift_right_arithmetic3A_347 : vector<16xi32>
    %swap3A_349 = arith.constant 3 : i32
    %swap3A_350 = arith.index_cast %swap3A_349 : i32 to index
    %swap3A_351 = arith.constant 64 : index
    %swap3A_352 = tpu.vector_load %arg8[%swap3A_350, %swap3A_351] {strides = array<i32>} : memref<4x128xi32, #tpu.memory_space<vmem>>, vector<16xi32>,
    tpu.vector_store %arg8[%swap3A_350, %swap3A_351], %shift_right_arithmetic3A_348 {strides = array<i32>} : memref<4x128xi32, #tpu.memory_space<vmem>>, vector<16xi32>,
    %get3A_353 = arith.constant 1 : i32
    %get3A_354 = arith.index_cast %get3A_353 : i32 to index
    %get3A_355 = arith.constant 464 : index
    %get3A_356 = tpu.vector_load %arg7[%get3A_354, %get3A_355] {strides = array<i32>} : memref<2x512xi32, #tpu.memory_space<vmem>>, vector<16xi32>,
    %shift_right_arithmetic3A_357 = arith.constant 2 : i32
    %shift_right_arithmetic3A_358 = vector.broadcast %shift_right_arithmetic3A_357 : i32 to vector<16xi32>
    %shift_right_arithmetic3A_359 = arith.shrsi %get3A_356, %shift_right_arithmetic3A_358 : vector<16xi32>
    %swap3A_360 = arith.constant 3 : i32
    %swap3A_361 = arith.index_cast %swap3A_360 : i32 to index
    %swap3A_362 = arith.constant 80 : index
    %swap3A_363 = tpu.vector_load %arg8[%swap3A_361, %swap3A_362] {strides = array<i32>} : memref<4x128xi32, #tpu.memory_space<vmem>>, vector<16xi32>,
    tpu.vector_store %arg8[%swap3A_361, %swap3A_362], %shift_right_arithmetic3A_359 {strides = array<i32>} : memref<4x128xi32, #tpu.memory_space<vmem>>, vector<16xi32>,
    %get3A_364 = arith.constant 1 : i32
    %get3A_365 = arith.index_cast %get3A_364 : i32 to index
    %get3A_366 = arith.constant 480 : index
    %get3A_367 = tpu.vector_load %arg7[%get3A_365, %get3A_366] {strides = array<i32>} : memref<2x512xi32, #tpu.memory_space<vmem>>, vector<16xi32>,
    %shift_right_arithmetic3A_368 = arith.constant 2 : i32
    %shift_right_arithmetic3A_369 = vector.broadcast %shift_right_arithmetic3A_368 : i32 to vector<16xi32>
    %shift_right_arithmetic3A_370 = arith.shrsi %get3A_367, %shift_right_arithmetic3A_369 : vector<16xi32>
    %swap3A_371 = arith.constant 3 : i32
    %swap3A_372 = arith.index_cast %swap3A_371 : i32 to index
    %swap3A_373 = arith.constant 96 : index
    %swap3A_374 = tpu.vector_load %arg8[%swap3A_372, %swap3A_373] {strides = array<i32>} : memref<4x128xi32, #tpu.memory_space<vmem>>, vector<16xi32>,
    tpu.vector_store %arg8[%swap3A_372, %swap3A_373], %shift_right_arithmetic3A_370 {strides = array<i32>} : memref<4x128xi32, #tpu.memory_space<vmem>>, vector<16xi32>,
    %get3A_375 = arith.constant 1 : i32
    %get3A_376 = arith.index_cast %get3A_375 : i32 to index
    %get3A_377 = arith.constant 496 : index
    %get3A_378 = tpu.vector_load %arg7[%get3A_376, %get3A_377] {strides = array<i32>} : memref<2x512xi32, #tpu.memory_space<vmem>>, vector<16xi32>,
    %shift_right_arithmetic3A_379 = arith.constant 2 : i32
    %shift_right_arithmetic3A_380 = vector.broadcast %shift_right_arithmetic3A_379 : i32 to vector<16xi32>
    %shift_right_arithmetic3A_381 = arith.shrsi %get3A_378, %shift_right_arithmetic3A_380 : vector<16xi32>
    %swap3A_382 = arith.constant 3 : i32
    %swap3A_383 = arith.index_cast %swap3A_382 : i32 to index
    %swap3A_384 = arith.constant 112 : index
    %swap3A_385 = tpu.vector_load %arg8[%swap3A_383, %swap3A_384] {strides = array<i32>} : memref<4x128xi32, #tpu.memory_space<vmem>>, vector<16xi32>,
    tpu.vector_store %arg8[%swap3A_383, %swap3A_384], %shift_right_arithmetic3A_381 {strides = array<i32>} : memref<4x128xi32, #tpu.memory_space<vmem>>, vector<16xi32>,
    %iota3A = tpu.iota {dimensions = array<i32: 0>} : vector<16xi32>
    %dma_start3A_386 = arith.constant 0 : i32
    %dma_start3A_387 = arith.constant 0 : i32
    %dma_start3A_388 = arith.constant 0 : i32
    %dma_start3A_389 = tpu.memref_slice %arg10[%dma_start3A_387, %dma_start3A_388] : memref<256x128xf32, #tpu.memory_space<vmem>> -> memref<128x128xf32, #tpu.memory_space<vmem>>
    %dma_start3A_390 = arith.constant 0 : i32
    %dma_start3A_391 = tpu.memref_slice %arg8[%dma_start3A_386, %dma_start3A_390] : memref<4x128xi32, #tpu.memory_space<vmem>> -> memref<1x128xi32, #tpu.memory_space<vmem>>
    %dma_start3A_392 = tpu.memref_squeeze %dma_start3A_391 : memref<1x128xi32, #tpu.memory_space<vmem>> -> memref<128xi32, #tpu.memory_space<vmem>>
    %dma_start3A_393 = arith.constant 0 : i32
    %dma_start3A_394 = arith.constant 0 : i32
    %dma_start3A_395 = tpu.memref_slice %arg5[%dma_start3A_393, %dma_start3A_394] : memref<250000x128xf32, #tpu.memory_space<hbm>> -> memref<250000x128xf32, #tpu.memory_space<hbm>>
    tpu.enqueue_indirect_dma source(%dma_start3A_395 : memref<250000x128xf32, #tpu.memory_space<hbm>>) target(%dma_start3A_389 : memref<128x128xf32, #tpu.memory_space<vmem>>) offsets(%dma_start3A_392 : memref<128xi32, #tpu.memory_space<vmem>>) semaphore(%arg12 : memref<!tpu.dma_semaphore, #tpu.memory_space<semaphore_mem>>)
    %dma_start3A_396 = arith.constant 1 : i32
    %dma_start3A_397 = arith.constant 128 : i32
    %dma_start3A_398 = arith.constant 0 : i32
    %dma_start3A_399 = tpu.memref_slice %arg10[%dma_start3A_397, %dma_start3A_398] : memref<256x128xf32, #tpu.memory_space<vmem>> -> memref<128x128xf32, #tpu.memory_space<vmem>>
    %dma_start3A_400 = arith.constant 0 : i32
    %dma_start3A_401 = tpu.memref_slice %arg8[%dma_start3A_396, %dma_start3A_400] : memref<4x128xi32, #tpu.memory_space<vmem>> -> memref<1x128xi32, #tpu.memory_space<vmem>>
    %dma_start3A_402 = tpu.memref_squeeze %dma_start3A_401 : memref<1x128xi32, #tpu.memory_space<vmem>> -> memref<128xi32, #tpu.memory_space<vmem>>
    %dma_start3A_403 = arith.constant 0 : i32
    %dma_start3A_404 = arith.constant 0 : i32
    %dma_start3A_405 = tpu.memref_slice %arg5[%dma_start3A_403, %dma_start3A_404] : memref<250000x128xf32, #tpu.memory_space<hbm>> -> memref<250000x128xf32, #tpu.memory_space<hbm>>
    tpu.enqueue_indirect_dma source(%dma_start3A_405 : memref<250000x128xf32, #tpu.memory_space<hbm>>) target(%dma_start3A_399 : memref<128x128xf32, #tpu.memory_space<vmem>>) offsets(%dma_start3A_402 : memref<128xi32, #tpu.memory_space<vmem>>) semaphore(%arg12 : memref<!tpu.dma_semaphore, #tpu.memory_space<semaphore_mem>>)
    %scan3A = arith.constant 0 : i32
    %scan3A_406 = arith.constant 0 : i32
    %scan3A_407 = arith.constant 16 : i32
    %scan3A_408 = arith.addi %scan3A_406, %scan3A_407 : i32
    %scan3A_409 = arith.constant 1 : i32
    scf.for %scan3A_501 = %scan3A_406 to %scan3A_408 step %scan3A_409  : i32 {
      %mul3A_502 = arith.constant 16 : i32
      %mul3A_503 = arith.muli %scan3A_501, %mul3A_502 : i32
      %add3A_504 = arith.constant 0 : i32
      %add3A_505 = arith.addi %add3A_504, %mul3A_503 : i32
      %get3A_506 = arith.constant 0 : i32
      %get3A_507 = arith.index_cast %get3A_506 : i32 to index
      %get3A_508 = arith.index_cast %add3A_505 : i32 to index
      %get3A_509 = tpu.vector_load %arg7[%get3A_507, %get3A_508] {strides = array<i32>} : memref<2x512xi32, #tpu.memory_space<vmem>>, vector<16xi32>,
      %slice3A = vector.extract_strided_slice %get3A_509 {offsets = [0], sizes = [1], strides = [1]} : vector<16xi32> to vector<1xi32>
      %squeeze3A = vector.extract %slice3A[0] : i32 from vector<1xi32>
      %add3A_510 = arith.constant 0 : i32
      %add3A_511 = arith.addi %mul3A_503, %add3A_510 : i32
      %dma_start3A_512 = arith.constant 0 : i32
      %dma_start3A_513 = tpu.memref_slice %arg9[%add3A_511, %dma_start3A_512] : memref<256x32xf32, #tpu.memory_space<vmem>> -> memref<1x32xf32, #tpu.memory_space<vmem>>
      %dma_start3A_514 = arith.constant 0 : i32
      %dma_start3A_515 = tpu.memref_slice %arg4[%squeeze3A, %dma_start3A_514] : memref<1000000x32xf32, #tpu.memory_space<hbm>> -> memref<1x32xf32, #tpu.memory_space<hbm>>
      %dma_start3A_516 = arith.constant 0 : i32
      %dma_start3A_517 = tpu.memref_slice %arg9[%add3A_511, %dma_start3A_516] : memref<256x32xf32, #tpu.memory_space<vmem>> -> memref<1x32xf32, #tpu.memory_space<vmem>>
      %dma_start3A_518 = arith.constant 0 : i32
      %dma_start3A_519 = tpu.memref_slice %arg4[%squeeze3A, %dma_start3A_518] : memref<1000000x32xf32, #tpu.memory_space<hbm>> -> memref<1x32xf32, #tpu.memory_space<hbm>>
      tpu.enqueue_dma source(%dma_start3A_519 : memref<1x32xf32, #tpu.memory_space<hbm>>) target(%dma_start3A_517 : memref<1x32xf32, #tpu.memory_space<vmem>>) target_semaphore(%arg12 : memref<!tpu.dma_semaphore, #tpu.memory_space<semaphore_mem>>)
      %slice3A_520 = vector.extract_strided_slice %get3A_509 {offsets = [1], sizes = [1], strides = [1]} : vector<16xi32> to vector<1xi32>
      %squeeze3A_521 = vector.extract %slice3A_520[0] : i32 from vector<1xi32>
      %add3A_522 = arith.constant 1 : i32
      %add3A_523 = arith.addi %mul3A_503, %add3A_522 : i32
      %dma_start3A_524 = arith.constant 0 : i32
      %dma_start3A_525 = tpu.memref_slice %arg9[%add3A_523, %dma_start3A_524] : memref<256x32xf32, #tpu.memory_space<vmem>> -> memref<1x32xf32, #tpu.memory_space<vmem>>
      %dma_start3A_526 = arith.constant 0 : i32
      %dma_start3A_527 = tpu.memref_slice %arg4[%squeeze3A_521, %dma_start3A_526] : memref<1000000x32xf32, #tpu.memory_space<hbm>> -> memref<1x32xf32, #tpu.memory_space<hbm>>
      %dma_start3A_528 = arith.constant 0 : i32
      %dma_start3A_529 = tpu.memref_slice %arg9[%add3A_523, %dma_start3A_528] : memref<256x32xf32, #tpu.memory_space<vmem>> -> memref<1x32xf32, #tpu.memory_space<vmem>>
      %dma_start3A_530 = arith.constant 0 : i32
      %dma_start3A_531 = tpu.memref_slice %arg4[%squeeze3A_521, %dma_start3A_530] : memref<1000000x32xf32, #tpu.memory_space<hbm>> -> memref<1x32xf32, #tpu.memory_space<hbm>>
      tpu.enqueue_dma source(%dma_start3A_531 : memref<1x32xf32, #tpu.memory_space<hbm>>) target(%dma_start3A_529 : memref<1x32xf32, #tpu.memory_space<vmem>>) target_semaphore(%arg12 : memref<!tpu.dma_semaphore, #tpu.memory_space<semaphore_mem>>)
      %slice3A_532 = vector.extract_strided_slice %get3A_509 {offsets = [2], sizes = [1], strides = [1]} : vector<16xi32> to vector<1xi32>
      %squeeze3A_533 = vector.extract %slice3A_532[0] : i32 from vector<1xi32>
      %add3A_534 = arith.constant 2 : i32
      %add3A_535 = arith.addi %mul3A_503, %add3A_534 : i32
      %dma_start3A_536 = arith.constant 0 : i32
      %dma_start3A_537 = tpu.memref_slice %arg9[%add3A_535, %dma_start3A_536] : memref<256x32xf32, #tpu.memory_space<vmem>> -> memref<1x32xf32, #tpu.memory_space<vmem>>
      %dma_start3A_538 = arith.constant 0 : i32
      %dma_start3A_539 = tpu.memref_slice %arg4[%squeeze3A_533, %dma_start3A_538] : memref<1000000x32xf32, #tpu.memory_space<hbm>> -> memref<1x32xf32, #tpu.memory_space<hbm>>
      %dma_start3A_540 = arith.constant 0 : i32
      %dma_start3A_541 = tpu.memref_slice %arg9[%add3A_535, %dma_start3A_540] : memref<256x32xf32, #tpu.memory_space<vmem>> -> memref<1x32xf32, #tpu.memory_space<vmem>>
      %dma_start3A_542 = arith.constant 0 : i32
      %dma_start3A_543 = tpu.memref_slice %arg4[%squeeze3A_533, %dma_start3A_542] : memref<1000000x32xf32, #tpu.memory_space<hbm>> -> memref<1x32xf32, #tpu.memory_space<hbm>>
      tpu.enqueue_dma source(%dma_start3A_543 : memref<1x32xf32, #tpu.memory_space<hbm>>) target(%dma_start3A_541 : memref<1x32xf32, #tpu.memory_space<vmem>>) target_semaphore(%arg12 : memref<!tpu.dma_semaphore, #tpu.memory_space<semaphore_mem>>)
      %slice3A_544 = vector.extract_strided_slice %get3A_509 {offsets = [3], sizes = [1], strides = [1]} : vector<16xi32> to vector<1xi32>
      %squeeze3A_545 = vector.extract %slice3A_544[0] : i32 from vector<1xi32>
      %add3A_546 = arith.constant 3 : i32
      %add3A_547 = arith.addi %mul3A_503, %add3A_546 : i32
      %dma_start3A_548 = arith.constant 0 : i32
      %dma_start3A_549 = tpu.memref_slice %arg9[%add3A_547, %dma_start3A_548] : memref<256x32xf32, #tpu.memory_space<vmem>> -> memref<1x32xf32, #tpu.memory_space<vmem>>
      %dma_start3A_550 = arith.constant 0 : i32
      %dma_start3A_551 = tpu.memref_slice %arg4[%squeeze3A_545, %dma_start3A_550] : memref<1000000x32xf32, #tpu.memory_space<hbm>> -> memref<1x32xf32, #tpu.memory_space<hbm>>
      %dma_start3A_552 = arith.constant 0 : i32
      %dma_start3A_553 = tpu.memref_slice %arg9[%add3A_547, %dma_start3A_552] : memref<256x32xf32, #tpu.memory_space<vmem>> -> memref<1x32xf32, #tpu.memory_space<vmem>>
      %dma_start3A_554 = arith.constant 0 : i32
      %dma_start3A_555 = tpu.memref_slice %arg4[%squeeze3A_545, %dma_start3A_554] : memref<1000000x32xf32, #tpu.memory_space<hbm>> -> memref<1x32xf32, #tpu.memory_space<hbm>>
      tpu.enqueue_dma source(%dma_start3A_555 : memref<1x32xf32, #tpu.memory_space<hbm>>) target(%dma_start3A_553 : memref<1x32xf32, #tpu.memory_space<vmem>>) target_semaphore(%arg12 : memref<!tpu.dma_semaphore, #tpu.memory_space<semaphore_mem>>)
      %slice3A_556 = vector.extract_strided_slice %get3A_509 {offsets = [4], sizes = [1], strides = [1]} : vector<16xi32> to vector<1xi32>
      %squeeze3A_557 = vector.extract %slice3A_556[0] : i32 from vector<1xi32>
      %add3A_558 = arith.constant 4 : i32
      %add3A_559 = arith.addi %mul3A_503, %add3A_558 : i32
      %dma_start3A_560 = arith.constant 0 : i32
      %dma_start3A_561 = tpu.memref_slice %arg9[%add3A_559, %dma_start3A_560] : memref<256x32xf32, #tpu.memory_space<vmem>> -> memref<1x32xf32, #tpu.memory_space<vmem>>
      %dma_start3A_562 = arith.constant 0 : i32
      %dma_start3A_563 = tpu.memref_slice %arg4[%squeeze3A_557, %dma_start3A_562] : memref<1000000x32xf32, #tpu.memory_space<hbm>> -> memref<1x32xf32, #tpu.memory_space<hbm>>
      %dma_start3A_564 = arith.constant 0 : i32
      %dma_start3A_565 = tpu.memref_slice %arg9[%add3A_559, %dma_start3A_564] : memref<256x32xf32, #tpu.memory_space<vmem>> -> memref<1x32xf32, #tpu.memory_space<vmem>>
      %dma_start3A_566 = arith.constant 0 : i32
      %dma_start3A_567 = tpu.memref_slice %arg4[%squeeze3A_557, %dma_start3A_566] : memref<1000000x32xf32, #tpu.memory_space<hbm>> -> memref<1x32xf32, #tpu.memory_space<hbm>>
      tpu.enqueue_dma source(%dma_start3A_567 : memref<1x32xf32, #tpu.memory_space<hbm>>) target(%dma_start3A_565 : memref<1x32xf32, #tpu.memory_space<vmem>>) target_semaphore(%arg12 : memref<!tpu.dma_semaphore, #tpu.memory_space<semaphore_mem>>)
      %slice3A_568 = vector.extract_strided_slice %get3A_509 {offsets = [5], sizes = [1], strides = [1]} : vector<16xi32> to vector<1xi32>
      %squeeze3A_569 = vector.extract %slice3A_568[0] : i32 from vector<1xi32>
      %add3A_570 = arith.constant 5 : i32
      %add3A_571 = arith.addi %mul3A_503, %add3A_570 : i32
      %dma_start3A_572 = arith.constant 0 : i32
      %dma_start3A_573 = tpu.memref_slice %arg9[%add3A_571, %dma_start3A_572] : memref<256x32xf32, #tpu.memory_space<vmem>> -> memref<1x32xf32, #tpu.memory_space<vmem>>
      %dma_start3A_574 = arith.constant 0 : i32
      %dma_start3A_575 = tpu.memref_slice %arg4[%squeeze3A_569, %dma_start3A_574] : memref<1000000x32xf32, #tpu.memory_space<hbm>> -> memref<1x32xf32, #tpu.memory_space<hbm>>
      %dma_start3A_576 = arith.constant 0 : i32
      %dma_start3A_577 = tpu.memref_slice %arg9[%add3A_571, %dma_start3A_576] : memref<256x32xf32, #tpu.memory_space<vmem>> -> memref<1x32xf32, #tpu.memory_space<vmem>>
      %dma_start3A_578 = arith.constant 0 : i32
      %dma_start3A_579 = tpu.memref_slice %arg4[%squeeze3A_569, %dma_start3A_578] : memref<1000000x32xf32, #tpu.memory_space<hbm>> -> memref<1x32xf32, #tpu.memory_space<hbm>>
      tpu.enqueue_dma source(%dma_start3A_579 : memref<1x32xf32, #tpu.memory_space<hbm>>) target(%dma_start3A_577 : memref<1x32xf32, #tpu.memory_space<vmem>>) target_semaphore(%arg12 : memref<!tpu.dma_semaphore, #tpu.memory_space<semaphore_mem>>)
      %slice3A_580 = vector.extract_strided_slice %get3A_509 {offsets = [6], sizes = [1], strides = [1]} : vector<16xi32> to vector<1xi32>
      %squeeze3A_581 = vector.extract %slice3A_580[0] : i32 from vector<1xi32>
      %add3A_582 = arith.constant 6 : i32
      %add3A_583 = arith.addi %mul3A_503, %add3A_582 : i32
      %dma_start3A_584 = arith.constant 0 : i32
      %dma_start3A_585 = tpu.memref_slice %arg9[%add3A_583, %dma_start3A_584] : memref<256x32xf32, #tpu.memory_space<vmem>> -> memref<1x32xf32, #tpu.memory_space<vmem>>
      %dma_start3A_586 = arith.constant 0 : i32
      %dma_start3A_587 = tpu.memref_slice %arg4[%squeeze3A_581, %dma_start3A_586] : memref<1000000x32xf32, #tpu.memory_space<hbm>> -> memref<1x32xf32, #tpu.memory_space<hbm>>
      %dma_start3A_588 = arith.constant 0 : i32
      %dma_start3A_589 = tpu.memref_slice %arg9[%add3A_583, %dma_start3A_588] : memref<256x32xf32, #tpu.memory_space<vmem>> -> memref<1x32xf32, #tpu.memory_space<vmem>>
      %dma_start3A_590 = arith.constant 0 : i32
      %dma_start3A_591 = tpu.memref_slice %arg4[%squeeze3A_581, %dma_start3A_590] : memref<1000000x32xf32, #tpu.memory_space<hbm>> -> memref<1x32xf32, #tpu.memory_space<hbm>>
      tpu.enqueue_dma source(%dma_start3A_591 : memref<1x32xf32, #tpu.memory_space<hbm>>) target(%dma_start3A_589 : memref<1x32xf32, #tpu.memory_space<vmem>>) target_semaphore(%arg12 : memref<!tpu.dma_semaphore, #tpu.memory_space<semaphore_mem>>)
      %slice3A_592 = vector.extract_strided_slice %get3A_509 {offsets = [7], sizes = [1], strides = [1]} : vector<16xi32> to vector<1xi32>
      %squeeze3A_593 = vector.extract %slice3A_592[0] : i32 from vector<1xi32>
      %add3A_594 = arith.constant 7 : i32
      %add3A_595 = arith.addi %mul3A_503, %add3A_594 : i32
      %dma_start3A_596 = arith.constant 0 : i32
      %dma_start3A_597 = tpu.memref_slice %arg9[%add3A_595, %dma_start3A_596] : memref<256x32xf32, #tpu.memory_space<vmem>> -> memref<1x32xf32, #tpu.memory_space<vmem>>
      %dma_start3A_598 = arith.constant 0 : i32
      %dma_start3A_599 = tpu.memref_slice %arg4[%squeeze3A_593, %dma_start3A_598] : memref<1000000x32xf32, #tpu.memory_space<hbm>> -> memref<1x32xf32, #tpu.memory_space<hbm>>
      %dma_start3A_600 = arith.constant 0 : i32
      %dma_start3A_601 = tpu.memref_slice %arg9[%add3A_595, %dma_start3A_600] : memref<256x32xf32, #tpu.memory_space<vmem>> -> memref<1x32xf32, #tpu.memory_space<vmem>>
      %dma_start3A_602 = arith.constant 0 : i32
      %dma_start3A_603 = tpu.memref_slice %arg4[%squeeze3A_593, %dma_start3A_602] : memref<1000000x32xf32, #tpu.memory_space<hbm>> -> memref<1x32xf32, #tpu.memory_space<hbm>>
      tpu.enqueue_dma source(%dma_start3A_603 : memref<1x32xf32, #tpu.memory_space<hbm>>) target(%dma_start3A_601 : memref<1x32xf32, #tpu.memory_space<vmem>>) target_semaphore(%arg12 : memref<!tpu.dma_semaphore, #tpu.memory_space<semaphore_mem>>)
      %slice3A_604 = vector.extract_strided_slice %get3A_509 {offsets = [8], sizes = [1], strides = [1]} : vector<16xi32> to vector<1xi32>
      %squeeze3A_605 = vector.extract %slice3A_604[0] : i32 from vector<1xi32>
      %add3A_606 = arith.constant 8 : i32
      %add3A_607 = arith.addi %mul3A_503, %add3A_606 : i32
      %dma_start3A_608 = arith.constant 0 : i32
      %dma_start3A_609 = tpu.memref_slice %arg9[%add3A_607, %dma_start3A_608] : memref<256x32xf32, #tpu.memory_space<vmem>> -> memref<1x32xf32, #tpu.memory_space<vmem>>
      %dma_start3A_610 = arith.constant 0 : i32
      %dma_start3A_611 = tpu.memref_slice %arg4[%squeeze3A_605, %dma_start3A_610] : memref<1000000x32xf32, #tpu.memory_space<hbm>> -> memref<1x32xf32, #tpu.memory_space<hbm>>
      %dma_start3A_612 = arith.constant 0 : i32
      %dma_start3A_613 = tpu.memref_slice %arg9[%add3A_607, %dma_start3A_612] : memref<256x32xf32, #tpu.memory_space<vmem>> -> memref<1x32xf32, #tpu.memory_space<vmem>>
      %dma_start3A_614 = arith.constant 0 : i32
      %dma_start3A_615 = tpu.memref_slice %arg4[%squeeze3A_605, %dma_start3A_614] : memref<1000000x32xf32, #tpu.memory_space<hbm>> -> memref<1x32xf32, #tpu.memory_space<hbm>>
      tpu.enqueue_dma source(%dma_start3A_615 : memref<1x32xf32, #tpu.memory_space<hbm>>) target(%dma_start3A_613 : memref<1x32xf32, #tpu.memory_space<vmem>>) target_semaphore(%arg12 : memref<!tpu.dma_semaphore, #tpu.memory_space<semaphore_mem>>)
      %slice3A_616 = vector.extract_strided_slice %get3A_509 {offsets = [9], sizes = [1], strides = [1]} : vector<16xi32> to vector<1xi32>
      %squeeze3A_617 = vector.extract %slice3A_616[0] : i32 from vector<1xi32>
      %add3A_618 = arith.constant 9 : i32
      %add3A_619 = arith.addi %mul3A_503, %add3A_618 : i32
      %dma_start3A_620 = arith.constant 0 : i32
      %dma_start3A_621 = tpu.memref_slice %arg9[%add3A_619, %dma_start3A_620] : memref<256x32xf32, #tpu.memory_space<vmem>> -> memref<1x32xf32, #tpu.memory_space<vmem>>
      %dma_start3A_622 = arith.constant 0 : i32
      %dma_start3A_623 = tpu.memref_slice %arg4[%squeeze3A_617, %dma_start3A_622] : memref<1000000x32xf32, #tpu.memory_space<hbm>> -> memref<1x32xf32, #tpu.memory_space<hbm>>
      %dma_start3A_624 = arith.constant 0 : i32
      %dma_start3A_625 = tpu.memref_slice %arg9[%add3A_619, %dma_start3A_624] : memref<256x32xf32, #tpu.memory_space<vmem>> -> memref<1x32xf32, #tpu.memory_space<vmem>>
      %dma_start3A_626 = arith.constant 0 : i32
      %dma_start3A_627 = tpu.memref_slice %arg4[%squeeze3A_617, %dma_start3A_626] : memref<1000000x32xf32, #tpu.memory_space<hbm>> -> memref<1x32xf32, #tpu.memory_space<hbm>>
      tpu.enqueue_dma source(%dma_start3A_627 : memref<1x32xf32, #tpu.memory_space<hbm>>) target(%dma_start3A_625 : memref<1x32xf32, #tpu.memory_space<vmem>>) target_semaphore(%arg12 : memref<!tpu.dma_semaphore, #tpu.memory_space<semaphore_mem>>)
      %slice3A_628 = vector.extract_strided_slice %get3A_509 {offsets = [10], sizes = [1], strides = [1]} : vector<16xi32> to vector<1xi32>
      %squeeze3A_629 = vector.extract %slice3A_628[0] : i32 from vector<1xi32>
      %add3A_630 = arith.constant 10 : i32
      %add3A_631 = arith.addi %mul3A_503, %add3A_630 : i32
      %dma_start3A_632 = arith.constant 0 : i32
      %dma_start3A_633 = tpu.memref_slice %arg9[%add3A_631, %dma_start3A_632] : memref<256x32xf32, #tpu.memory_space<vmem>> -> memref<1x32xf32, #tpu.memory_space<vmem>>
      %dma_start3A_634 = arith.constant 0 : i32
      %dma_start3A_635 = tpu.memref_slice %arg4[%squeeze3A_629, %dma_start3A_634] : memref<1000000x32xf32, #tpu.memory_space<hbm>> -> memref<1x32xf32, #tpu.memory_space<hbm>>
      %dma_start3A_636 = arith.constant 0 : i32
      %dma_start3A_637 = tpu.memref_slice %arg9[%add3A_631, %dma_start3A_636] : memref<256x32xf32, #tpu.memory_space<vmem>> -> memref<1x32xf32, #tpu.memory_space<vmem>>
      %dma_start3A_638 = arith.constant 0 : i32
      %dma_start3A_639 = tpu.memref_slice %arg4[%squeeze3A_629, %dma_start3A_638] : memref<1000000x32xf32, #tpu.memory_space<hbm>> -> memref<1x32xf32, #tpu.memory_space<hbm>>
      tpu.enqueue_dma source(%dma_start3A_639 : memref<1x32xf32, #tpu.memory_space<hbm>>) target(%dma_start3A_637 : memref<1x32xf32, #tpu.memory_space<vmem>>) target_semaphore(%arg12 : memref<!tpu.dma_semaphore, #tpu.memory_space<semaphore_mem>>)
      %slice3A_640 = vector.extract_strided_slice %get3A_509 {offsets = [11], sizes = [1], strides = [1]} : vector<16xi32> to vector<1xi32>
      %squeeze3A_641 = vector.extract %slice3A_640[0] : i32 from vector<1xi32>
      %add3A_642 = arith.constant 11 : i32
      %add3A_643 = arith.addi %mul3A_503, %add3A_642 : i32
      %dma_start3A_644 = arith.constant 0 : i32
      %dma_start3A_645 = tpu.memref_slice %arg9[%add3A_643, %dma_start3A_644] : memref<256x32xf32, #tpu.memory_space<vmem>> -> memref<1x32xf32, #tpu.memory_space<vmem>>
      %dma_start3A_646 = arith.constant 0 : i32
      %dma_start3A_647 = tpu.memref_slice %arg4[%squeeze3A_641, %dma_start3A_646] : memref<1000000x32xf32, #tpu.memory_space<hbm>> -> memref<1x32xf32, #tpu.memory_space<hbm>>
      %dma_start3A_648 = arith.constant 0 : i32
      %dma_start3A_649 = tpu.memref_slice %arg9[%add3A_643, %dma_start3A_648] : memref<256x32xf32, #tpu.memory_space<vmem>> -> memref<1x32xf32, #tpu.memory_space<vmem>>
      %dma_start3A_650 = arith.constant 0 : i32
      %dma_start3A_651 = tpu.memref_slice %arg4[%squeeze3A_641, %dma_start3A_650] : memref<1000000x32xf32, #tpu.memory_space<hbm>> -> memref<1x32xf32, #tpu.memory_space<hbm>>
      tpu.enqueue_dma source(%dma_start3A_651 : memref<1x32xf32, #tpu.memory_space<hbm>>) target(%dma_start3A_649 : memref<1x32xf32, #tpu.memory_space<vmem>>) target_semaphore(%arg12 : memref<!tpu.dma_semaphore, #tpu.memory_space<semaphore_mem>>)
      %slice3A_652 = vector.extract_strided_slice %get3A_509 {offsets = [12], sizes = [1], strides = [1]} : vector<16xi32> to vector<1xi32>
      %squeeze3A_653 = vector.extract %slice3A_652[0] : i32 from vector<1xi32>
      %add3A_654 = arith.constant 12 : i32
      %add3A_655 = arith.addi %mul3A_503, %add3A_654 : i32
      %dma_start3A_656 = arith.constant 0 : i32
      %dma_start3A_657 = tpu.memref_slice %arg9[%add3A_655, %dma_start3A_656] : memref<256x32xf32, #tpu.memory_space<vmem>> -> memref<1x32xf32, #tpu.memory_space<vmem>>
      %dma_start3A_658 = arith.constant 0 : i32
      %dma_start3A_659 = tpu.memref_slice %arg4[%squeeze3A_653, %dma_start3A_658] : memref<1000000x32xf32, #tpu.memory_space<hbm>> -> memref<1x32xf32, #tpu.memory_space<hbm>>
      %dma_start3A_660 = arith.constant 0 : i32
      %dma_start3A_661 = tpu.memref_slice %arg9[%add3A_655, %dma_start3A_660] : memref<256x32xf32, #tpu.memory_space<vmem>> -> memref<1x32xf32, #tpu.memory_space<vmem>>
      %dma_start3A_662 = arith.constant 0 : i32
      %dma_start3A_663 = tpu.memref_slice %arg4[%squeeze3A_653, %dma_start3A_662] : memref<1000000x32xf32, #tpu.memory_space<hbm>> -> memref<1x32xf32, #tpu.memory_space<hbm>>
      tpu.enqueue_dma source(%dma_start3A_663 : memref<1x32xf32, #tpu.memory_space<hbm>>) target(%dma_start3A_661 : memref<1x32xf32, #tpu.memory_space<vmem>>) target_semaphore(%arg12 : memref<!tpu.dma_semaphore, #tpu.memory_space<semaphore_mem>>)
      %slice3A_664 = vector.extract_strided_slice %get3A_509 {offsets = [13], sizes = [1], strides = [1]} : vector<16xi32> to vector<1xi32>
      %squeeze3A_665 = vector.extract %slice3A_664[0] : i32 from vector<1xi32>
      %add3A_666 = arith.constant 13 : i32
      %add3A_667 = arith.addi %mul3A_503, %add3A_666 : i32
      %dma_start3A_668 = arith.constant 0 : i32
      %dma_start3A_669 = tpu.memref_slice %arg9[%add3A_667, %dma_start3A_668] : memref<256x32xf32, #tpu.memory_space<vmem>> -> memref<1x32xf32, #tpu.memory_space<vmem>>
      %dma_start3A_670 = arith.constant 0 : i32
      %dma_start3A_671 = tpu.memref_slice %arg4[%squeeze3A_665, %dma_start3A_670] : memref<1000000x32xf32, #tpu.memory_space<hbm>> -> memref<1x32xf32, #tpu.memory_space<hbm>>
      %dma_start3A_672 = arith.constant 0 : i32
      %dma_start3A_673 = tpu.memref_slice %arg9[%add3A_667, %dma_start3A_672] : memref<256x32xf32, #tpu.memory_space<vmem>> -> memref<1x32xf32, #tpu.memory_space<vmem>>
      %dma_start3A_674 = arith.constant 0 : i32
      %dma_start3A_675 = tpu.memref_slice %arg4[%squeeze3A_665, %dma_start3A_674] : memref<1000000x32xf32, #tpu.memory_space<hbm>> -> memref<1x32xf32, #tpu.memory_space<hbm>>
      tpu.enqueue_dma source(%dma_start3A_675 : memref<1x32xf32, #tpu.memory_space<hbm>>) target(%dma_start3A_673 : memref<1x32xf32, #tpu.memory_space<vmem>>) target_semaphore(%arg12 : memref<!tpu.dma_semaphore, #tpu.memory_space<semaphore_mem>>)
      %slice3A_676 = vector.extract_strided_slice %get3A_509 {offsets = [14], sizes = [1], strides = [1]} : vector<16xi32> to vector<1xi32>
      %squeeze3A_677 = vector.extract %slice3A_676[0] : i32 from vector<1xi32>
      %add3A_678 = arith.constant 14 : i32
      %add3A_679 = arith.addi %mul3A_503, %add3A_678 : i32
      %dma_start3A_680 = arith.constant 0 : i32
      %dma_start3A_681 = tpu.memref_slice %arg9[%add3A_679, %dma_start3A_680] : memref<256x32xf32, #tpu.memory_space<vmem>> -> memref<1x32xf32, #tpu.memory_space<vmem>>
      %dma_start3A_682 = arith.constant 0 : i32
      %dma_start3A_683 = tpu.memref_slice %arg4[%squeeze3A_677, %dma_start3A_682] : memref<1000000x32xf32, #tpu.memory_space<hbm>> -> memref<1x32xf32, #tpu.memory_space<hbm>>
      %dma_start3A_684 = arith.constant 0 : i32
      %dma_start3A_685 = tpu.memref_slice %arg9[%add3A_679, %dma_start3A_684] : memref<256x32xf32, #tpu.memory_space<vmem>> -> memref<1x32xf32, #tpu.memory_space<vmem>>
      %dma_start3A_686 = arith.constant 0 : i32
      %dma_start3A_687 = tpu.memref_slice %arg4[%squeeze3A_677, %dma_start3A_686] : memref<1000000x32xf32, #tpu.memory_space<hbm>> -> memref<1x32xf32, #tpu.memory_space<hbm>>
      tpu.enqueue_dma source(%dma_start3A_687 : memref<1x32xf32, #tpu.memory_space<hbm>>) target(%dma_start3A_685 : memref<1x32xf32, #tpu.memory_space<vmem>>) target_semaphore(%arg12 : memref<!tpu.dma_semaphore, #tpu.memory_space<semaphore_mem>>)
      %slice3A_688 = vector.extract_strided_slice %get3A_509 {offsets = [15], sizes = [1], strides = [1]} : vector<16xi32> to vector<1xi32>
      %squeeze3A_689 = vector.extract %slice3A_688[0] : i32 from vector<1xi32>
      %add3A_690 = arith.constant 15 : i32
      %add3A_691 = arith.addi %mul3A_503, %add3A_690 : i32
      %dma_start3A_692 = arith.constant 0 : i32
      %dma_start3A_693 = tpu.memref_slice %arg9[%add3A_691, %dma_start3A_692] : memref<256x32xf32, #tpu.memory_space<vmem>> -> memref<1x32xf32, #tpu.memory_space<vmem>>
      %dma_start3A_694 = arith.constant 0 : i32
      %dma_start3A_695 = tpu.memref_slice %arg4[%squeeze3A_689, %dma_start3A_694] : memref<1000000x32xf32, #tpu.memory_space<hbm>> -> memref<1x32xf32, #tpu.memory_space<hbm>>
      %dma_start3A_696 = arith.constant 0 : i32
      %dma_start3A_697 = tpu.memref_slice %arg9[%add3A_691, %dma_start3A_696] : memref<256x32xf32, #tpu.memory_space<vmem>> -> memref<1x32xf32, #tpu.memory_space<vmem>>
      %dma_start3A_698 = arith.constant 0 : i32
      %dma_start3A_699 = tpu.memref_slice %arg4[%squeeze3A_689, %dma_start3A_698] : memref<1000000x32xf32, #tpu.memory_space<hbm>> -> memref<1x32xf32, #tpu.memory_space<hbm>>
      tpu.enqueue_dma source(%dma_start3A_699 : memref<1x32xf32, #tpu.memory_space<hbm>>) target(%dma_start3A_697 : memref<1x32xf32, #tpu.memory_space<vmem>>) target_semaphore(%arg12 : memref<!tpu.dma_semaphore, #tpu.memory_space<semaphore_mem>>)
    }
    %scan3A_410 = arith.constant 16 : i32
    %dma_wait3A_411 = arith.constant 0 : i32
    %dma_wait3A_412 = arith.constant 0 : i32
    %dma_wait3A_413 = tpu.memref_slice %arg4[%dma_wait3A_411, %dma_wait3A_412] : memref<1000000x32xf32, #tpu.memory_space<hbm>> -> memref<256x32xf32, #tpu.memory_space<hbm>>
    %dma_wait3A_414 = arith.constant 0 : i32
    %dma_wait3A_415 = arith.constant 0 : i32
    %dma_wait3A_416 = tpu.memref_slice %arg4[%dma_wait3A_414, %dma_wait3A_415] : memref<1000000x32xf32, #tpu.memory_space<hbm>> -> memref<256x32xf32, #tpu.memory_space<hbm>>
    tpu.wait_dma2 semaphore(%arg12 : memref<!tpu.dma_semaphore, #tpu.memory_space<semaphore_mem>>) src(%dma_wait3A_416 : memref<256x32xf32, #tpu.memory_space<hbm>>) dst(%arg9 : memref<256x32xf32, #tpu.memory_space<vmem>>)
    %dma_wait3A_417 = arith.constant 0 : i32
    %dma_wait3A_418 = arith.constant 0 : i32
    %dma_wait3A_419 = arith.constant 0 : i32
    %dma_wait3A_420 = tpu.memref_slice %arg10[%dma_wait3A_418, %dma_wait3A_419] : memref<256x128xf32, #tpu.memory_space<vmem>> -> memref<128x128xf32, #tpu.memory_space<vmem>>
    %dma_wait3A_421 = arith.constant 0 : i32
    %dma_wait3A_422 = tpu.memref_slice %arg8[%dma_wait3A_417, %dma_wait3A_421] : memref<4x128xi32, #tpu.memory_space<vmem>> -> memref<1x128xi32, #tpu.memory_space<vmem>>
    %dma_wait3A_423 = tpu.memref_squeeze %dma_wait3A_422 : memref<1x128xi32, #tpu.memory_space<vmem>> -> memref<128xi32, #tpu.memory_space<vmem>>
    %dma_wait3A_424 = arith.constant 0 : i32
    %dma_wait3A_425 = arith.constant 0 : i32
    %dma_wait3A_426 = tpu.memref_slice %arg5[%dma_wait3A_424, %dma_wait3A_425] : memref<250000x128xf32, #tpu.memory_space<hbm>> -> memref<250000x128xf32, #tpu.memory_space<hbm>>
    tpu.wait_indirect_dma semaphore(%arg12 : memref<!tpu.dma_semaphore, #tpu.memory_space<semaphore_mem>>) src(%dma_wait3A_426 : memref<250000x128xf32, #tpu.memory_space<hbm>>) dst(%dma_wait3A_420 : memref<128x128xf32, #tpu.memory_space<vmem>>)
    %dma_wait3A_427 = arith.constant 1 : i32
    %dma_wait3A_428 = arith.constant 128 : i32
    %dma_wait3A_429 = arith.constant 0 : i32
    %dma_wait3A_430 = tpu.memref_slice %arg10[%dma_wait3A_428, %dma_wait3A_429] : memref<256x128xf32, #tpu.memory_space<vmem>> -> memref<128x128xf32, #tpu.memory_space<vmem>>
    %dma_wait3A_431 = arith.constant 0 : i32
    %dma_wait3A_432 = tpu.memref_slice %arg8[%dma_wait3A_427, %dma_wait3A_431] : memref<4x128xi32, #tpu.memory_space<vmem>> -> memref<1x128xi32, #tpu.memory_space<vmem>>
    %dma_wait3A_433 = tpu.memref_squeeze %dma_wait3A_432 : memref<1x128xi32, #tpu.memory_space<vmem>> -> memref<128xi32, #tpu.memory_space<vmem>>
    %dma_wait3A_434 = arith.constant 0 : i32
    %dma_wait3A_435 = arith.constant 0 : i32
    %dma_wait3A_436 = tpu.memref_slice %arg5[%dma_wait3A_434, %dma_wait3A_435] : memref<250000x128xf32, #tpu.memory_space<hbm>> -> memref<250000x128xf32, #tpu.memory_space<hbm>>
    tpu.wait_indirect_dma semaphore(%arg12 : memref<!tpu.dma_semaphore, #tpu.memory_space<semaphore_mem>>) src(%dma_wait3A_436 : memref<250000x128xf32, #tpu.memory_space<hbm>>) dst(%dma_wait3A_430 : memref<128x128xf32, #tpu.memory_space<vmem>>)
    %scan3A_437 = arith.constant 0 : i32
    %scan3A_438 = arith.constant 0 : i32
    %scan3A_439 = arith.constant 16 : i32
    %scan3A_440 = arith.addi %scan3A_438, %scan3A_439 : i32
    %scan3A_441 = arith.constant 1 : i32
    scf.for %scan3A_501 = %scan3A_438 to %scan3A_440 step %scan3A_441  : i32 {
      %mul3A_502 = arith.constant 16 : i32
      %mul3A_503 = arith.muli %scan3A_501, %mul3A_502 : i32
      %add3A_504 = arith.constant 0 : i32
      %add3A_505 = arith.addi %add3A_504, %mul3A_503 : i32
      %mul3A_506 = arith.constant 16 : i32
      %mul3A_507 = arith.muli %scan3A_501, %mul3A_506 : i32
      %add3A_508 = vector.broadcast %mul3A_507 : i32 to vector<16xi32>
      %add3A_509 = arith.addi %add3A_508, %iota3A : vector<16xi32>
      %get3A_510 = arith.constant 1 : i32
      %get3A_511 = arith.index_cast %get3A_510 : i32 to index
      %get3A_512 = arith.index_cast %add3A_505 : i32 to index
      %get3A_513 = tpu.vector_load %arg7[%get3A_511, %get3A_512] {strides = array<i32>} : memref<2x512xi32, #tpu.memory_space<vmem>>, vector<16xi32>,
      %and3A = arith.constant 3 : i32
      %and3A_514 = vector.broadcast %and3A : i32 to vector<16xi32>
      %and3A_515 = arith.andi %get3A_513, %and3A_514 : vector<16xi32>
      %mul3A_516 = arith.constant 32 : i32
      %mul3A_517 = vector.broadcast %mul3A_516 : i32 to vector<16xi32>
      %mul3A_518 = arith.muli %and3A_515, %mul3A_517 : vector<16xi32>
      %broadcast_in_dim3A = arith.constant 0.000000e+00 : f32
      %broadcast_in_dim3A_519 = vector.broadcast %broadcast_in_dim3A : f32 to vector<16xf32>
      %broadcast_in_dim3A_520 = arith.constant 0 : i32
      %broadcast_in_dim3A_521 = vector.broadcast %broadcast_in_dim3A_520 : i32 to vector<16xi32>
      %gather3A = tpu.vector_load_idx %arg9[%add3A_509, %broadcast_in_dim3A_521] : memref<256x32xf32, #tpu.memory_space<vmem>>[vector<16xi32>, vector<16xi32>], vector<16xf32>,
      %add3A_522 = arith.constant 0 : i32
      %add3A_523 = vector.broadcast %add3A_522 : i32 to vector<16xi32>
      %add3A_524 = arith.addi %mul3A_518, %add3A_523 : vector<16xi32>
      %gather3A_525 = tpu.vector_load_idx %arg10[%add3A_509, %add3A_524] : memref<256x128xf32, #tpu.memory_space<vmem>>[vector<16xi32>, vector<16xi32>], vector<16xf32>,
      %mul3A_526 = arith.mulf %gather3A, %gather3A_525 : vector<16xf32>
      %add3A_527 = arith.addf %broadcast_in_dim3A_519, %mul3A_526 : vector<16xf32>
      %broadcast_in_dim3A_528 = arith.constant 1 : i32
      %broadcast_in_dim3A_529 = vector.broadcast %broadcast_in_dim3A_528 : i32 to vector<16xi32>
      %gather3A_530 = tpu.vector_load_idx %arg9[%add3A_509, %broadcast_in_dim3A_529] : memref<256x32xf32, #tpu.memory_space<vmem>>[vector<16xi32>, vector<16xi32>], vector<16xf32>,
      %add3A_531 = arith.constant 1 : i32
      %add3A_532 = vector.broadcast %add3A_531 : i32 to vector<16xi32>
      %add3A_533 = arith.addi %mul3A_518, %add3A_532 : vector<16xi32>
      %gather3A_534 = tpu.vector_load_idx %arg10[%add3A_509, %add3A_533] : memref<256x128xf32, #tpu.memory_space<vmem>>[vector<16xi32>, vector<16xi32>], vector<16xf32>,
      %mul3A_535 = arith.mulf %gather3A_530, %gather3A_534 : vector<16xf32>
      %add3A_536 = arith.addf %add3A_527, %mul3A_535 : vector<16xf32>
      %broadcast_in_dim3A_537 = arith.constant 2 : i32
      %broadcast_in_dim3A_538 = vector.broadcast %broadcast_in_dim3A_537 : i32 to vector<16xi32>
      %gather3A_539 = tpu.vector_load_idx %arg9[%add3A_509, %broadcast_in_dim3A_538] : memref<256x32xf32, #tpu.memory_space<vmem>>[vector<16xi32>, vector<16xi32>], vector<16xf32>,
      %add3A_540 = arith.constant 2 : i32
      %add3A_541 = vector.broadcast %add3A_540 : i32 to vector<16xi32>
      %add3A_542 = arith.addi %mul3A_518, %add3A_541 : vector<16xi32>
      %gather3A_543 = tpu.vector_load_idx %arg10[%add3A_509, %add3A_542] : memref<256x128xf32, #tpu.memory_space<vmem>>[vector<16xi32>, vector<16xi32>], vector<16xf32>,
      %mul3A_544 = arith.mulf %gather3A_539, %gather3A_543 : vector<16xf32>
      %add3A_545 = arith.addf %add3A_536, %mul3A_544 : vector<16xf32>
      %broadcast_in_dim3A_546 = arith.constant 3 : i32
      %broadcast_in_dim3A_547 = vector.broadcast %broadcast_in_dim3A_546 : i32 to vector<16xi32>
      %gather3A_548 = tpu.vector_load_idx %arg9[%add3A_509, %broadcast_in_dim3A_547] : memref<256x32xf32, #tpu.memory_space<vmem>>[vector<16xi32>, vector<16xi32>], vector<16xf32>,
      %add3A_549 = arith.constant 3 : i32
      %add3A_550 = vector.broadcast %add3A_549 : i32 to vector<16xi32>
      %add3A_551 = arith.addi %mul3A_518, %add3A_550 : vector<16xi32>
      %gather3A_552 = tpu.vector_load_idx %arg10[%add3A_509, %add3A_551] : memref<256x128xf32, #tpu.memory_space<vmem>>[vector<16xi32>, vector<16xi32>], vector<16xf32>,
      %mul3A_553 = arith.mulf %gather3A_548, %gather3A_552 : vector<16xf32>
      %add3A_554 = arith.addf %add3A_545, %mul3A_553 : vector<16xf32>
      %broadcast_in_dim3A_555 = arith.constant 4 : i32
      %broadcast_in_dim3A_556 = vector.broadcast %broadcast_in_dim3A_555 : i32 to vector<16xi32>
      %gather3A_557 = tpu.vector_load_idx %arg9[%add3A_509, %broadcast_in_dim3A_556] : memref<256x32xf32, #tpu.memory_space<vmem>>[vector<16xi32>, vector<16xi32>], vector<16xf32>,
      %add3A_558 = arith.constant 4 : i32
      %add3A_559 = vector.broadcast %add3A_558 : i32 to vector<16xi32>
      %add3A_560 = arith.addi %mul3A_518, %add3A_559 : vector<16xi32>
      %gather3A_561 = tpu.vector_load_idx %arg10[%add3A_509, %add3A_560] : memref<256x128xf32, #tpu.memory_space<vmem>>[vector<16xi32>, vector<16xi32>], vector<16xf32>,
      %mul3A_562 = arith.mulf %gather3A_557, %gather3A_561 : vector<16xf32>
      %add3A_563 = arith.addf %add3A_554, %mul3A_562 : vector<16xf32>
      %broadcast_in_dim3A_564 = arith.constant 5 : i32
      %broadcast_in_dim3A_565 = vector.broadcast %broadcast_in_dim3A_564 : i32 to vector<16xi32>
      %gather3A_566 = tpu.vector_load_idx %arg9[%add3A_509, %broadcast_in_dim3A_565] : memref<256x32xf32, #tpu.memory_space<vmem>>[vector<16xi32>, vector<16xi32>], vector<16xf32>,
      %add3A_567 = arith.constant 5 : i32
      %add3A_568 = vector.broadcast %add3A_567 : i32 to vector<16xi32>
      %add3A_569 = arith.addi %mul3A_518, %add3A_568 : vector<16xi32>
      %gather3A_570 = tpu.vector_load_idx %arg10[%add3A_509, %add3A_569] : memref<256x128xf32, #tpu.memory_space<vmem>>[vector<16xi32>, vector<16xi32>], vector<16xf32>,
      %mul3A_571 = arith.mulf %gather3A_566, %gather3A_570 : vector<16xf32>
      %add3A_572 = arith.addf %add3A_563, %mul3A_571 : vector<16xf32>
      %broadcast_in_dim3A_573 = arith.constant 6 : i32
      %broadcast_in_dim3A_574 = vector.broadcast %broadcast_in_dim3A_573 : i32 to vector<16xi32>
      %gather3A_575 = tpu.vector_load_idx %arg9[%add3A_509, %broadcast_in_dim3A_574] : memref<256x32xf32, #tpu.memory_space<vmem>>[vector<16xi32>, vector<16xi32>], vector<16xf32>,
      %add3A_576 = arith.constant 6 : i32
      %add3A_577 = vector.broadcast %add3A_576 : i32 to vector<16xi32>
      %add3A_578 = arith.addi %mul3A_518, %add3A_577 : vector<16xi32>
      %gather3A_579 = tpu.vector_load_idx %arg10[%add3A_509, %add3A_578] : memref<256x128xf32, #tpu.memory_space<vmem>>[vector<16xi32>, vector<16xi32>], vector<16xf32>,
      %mul3A_580 = arith.mulf %gather3A_575, %gather3A_579 : vector<16xf32>
      %add3A_581 = arith.addf %add3A_572, %mul3A_580 : vector<16xf32>
      %broadcast_in_dim3A_582 = arith.constant 7 : i32
      %broadcast_in_dim3A_583 = vector.broadcast %broadcast_in_dim3A_582 : i32 to vector<16xi32>
      %gather3A_584 = tpu.vector_load_idx %arg9[%add3A_509, %broadcast_in_dim3A_583] : memref<256x32xf32, #tpu.memory_space<vmem>>[vector<16xi32>, vector<16xi32>], vector<16xf32>,
      %add3A_585 = arith.constant 7 : i32
      %add3A_586 = vector.broadcast %add3A_585 : i32 to vector<16xi32>
      %add3A_587 = arith.addi %mul3A_518, %add3A_586 : vector<16xi32>
      %gather3A_588 = tpu.vector_load_idx %arg10[%add3A_509, %add3A_587] : memref<256x128xf32, #tpu.memory_space<vmem>>[vector<16xi32>, vector<16xi32>], vector<16xf32>,
      %mul3A_589 = arith.mulf %gather3A_584, %gather3A_588 : vector<16xf32>
      %add3A_590 = arith.addf %add3A_581, %mul3A_589 : vector<16xf32>
      %broadcast_in_dim3A_591 = arith.constant 8 : i32
      %broadcast_in_dim3A_592 = vector.broadcast %broadcast_in_dim3A_591 : i32 to vector<16xi32>
      %gather3A_593 = tpu.vector_load_idx %arg9[%add3A_509, %broadcast_in_dim3A_592] : memref<256x32xf32, #tpu.memory_space<vmem>>[vector<16xi32>, vector<16xi32>], vector<16xf32>,
      %add3A_594 = arith.constant 8 : i32
      %add3A_595 = vector.broadcast %add3A_594 : i32 to vector<16xi32>
      %add3A_596 = arith.addi %mul3A_518, %add3A_595 : vector<16xi32>
      %gather3A_597 = tpu.vector_load_idx %arg10[%add3A_509, %add3A_596] : memref<256x128xf32, #tpu.memory_space<vmem>>[vector<16xi32>, vector<16xi32>], vector<16xf32>,
      %mul3A_598 = arith.mulf %gather3A_593, %gather3A_597 : vector<16xf32>
      %add3A_599 = arith.addf %add3A_590, %mul3A_598 : vector<16xf32>
      %broadcast_in_dim3A_600 = arith.constant 9 : i32
      %broadcast_in_dim3A_601 = vector.broadcast %broadcast_in_dim3A_600 : i32 to vector<16xi32>
      %gather3A_602 = tpu.vector_load_idx %arg9[%add3A_509, %broadcast_in_dim3A_601] : memref<256x32xf32, #tpu.memory_space<vmem>>[vector<16xi32>, vector<16xi32>], vector<16xf32>,
      %add3A_603 = arith.constant 9 : i32
      %add3A_604 = vector.broadcast %add3A_603 : i32 to vector<16xi32>
      %add3A_605 = arith.addi %mul3A_518, %add3A_604 : vector<16xi32>
      %gather3A_606 = tpu.vector_load_idx %arg10[%add3A_509, %add3A_605] : memref<256x128xf32, #tpu.memory_space<vmem>>[vector<16xi32>, vector<16xi32>], vector<16xf32>,
      %mul3A_607 = arith.mulf %gather3A_602, %gather3A_606 : vector<16xf32>
      %add3A_608 = arith.addf %add3A_599, %mul3A_607 : vector<16xf32>
      %broadcast_in_dim3A_609 = arith.constant 10 : i32
      %broadcast_in_dim3A_610 = vector.broadcast %broadcast_in_dim3A_609 : i32 to vector<16xi32>
      %gather3A_611 = tpu.vector_load_idx %arg9[%add3A_509, %broadcast_in_dim3A_610] : memref<256x32xf32, #tpu.memory_space<vmem>>[vector<16xi32>, vector<16xi32>], vector<16xf32>,
      %add3A_612 = arith.constant 10 : i32
      %add3A_613 = vector.broadcast %add3A_612 : i32 to vector<16xi32>
      %add3A_614 = arith.addi %mul3A_518, %add3A_613 : vector<16xi32>
      %gather3A_615 = tpu.vector_load_idx %arg10[%add3A_509, %add3A_614] : memref<256x128xf32, #tpu.memory_space<vmem>>[vector<16xi32>, vector<16xi32>], vector<16xf32>,
      %mul3A_616 = arith.mulf %gather3A_611, %gather3A_615 : vector<16xf32>
      %add3A_617 = arith.addf %add3A_608, %mul3A_616 : vector<16xf32>
      %broadcast_in_dim3A_618 = arith.constant 11 : i32
      %broadcast_in_dim3A_619 = vector.broadcast %broadcast_in_dim3A_618 : i32 to vector<16xi32>
      %gather3A_620 = tpu.vector_load_idx %arg9[%add3A_509, %broadcast_in_dim3A_619] : memref<256x32xf32, #tpu.memory_space<vmem>>[vector<16xi32>, vector<16xi32>], vector<16xf32>,
      %add3A_621 = arith.constant 11 : i32
      %add3A_622 = vector.broadcast %add3A_621 : i32 to vector<16xi32>
      %add3A_623 = arith.addi %mul3A_518, %add3A_622 : vector<16xi32>
      %gather3A_624 = tpu.vector_load_idx %arg10[%add3A_509, %add3A_623] : memref<256x128xf32, #tpu.memory_space<vmem>>[vector<16xi32>, vector<16xi32>], vector<16xf32>,
      %mul3A_625 = arith.mulf %gather3A_620, %gather3A_624 : vector<16xf32>
      %add3A_626 = arith.addf %add3A_617, %mul3A_625 : vector<16xf32>
      %broadcast_in_dim3A_627 = arith.constant 12 : i32
      %broadcast_in_dim3A_628 = vector.broadcast %broadcast_in_dim3A_627 : i32 to vector<16xi32>
      %gather3A_629 = tpu.vector_load_idx %arg9[%add3A_509, %broadcast_in_dim3A_628] : memref<256x32xf32, #tpu.memory_space<vmem>>[vector<16xi32>, vector<16xi32>], vector<16xf32>,
      %add3A_630 = arith.constant 12 : i32
      %add3A_631 = vector.broadcast %add3A_630 : i32 to vector<16xi32>
      %add3A_632 = arith.addi %mul3A_518, %add3A_631 : vector<16xi32>
      %gather3A_633 = tpu.vector_load_idx %arg10[%add3A_509, %add3A_632] : memref<256x128xf32, #tpu.memory_space<vmem>>[vector<16xi32>, vector<16xi32>], vector<16xf32>,
      %mul3A_634 = arith.mulf %gather3A_629, %gather3A_633 : vector<16xf32>
      %add3A_635 = arith.addf %add3A_626, %mul3A_634 : vector<16xf32>
      %broadcast_in_dim3A_636 = arith.constant 13 : i32
      %broadcast_in_dim3A_637 = vector.broadcast %broadcast_in_dim3A_636 : i32 to vector<16xi32>
      %gather3A_638 = tpu.vector_load_idx %arg9[%add3A_509, %broadcast_in_dim3A_637] : memref<256x32xf32, #tpu.memory_space<vmem>>[vector<16xi32>, vector<16xi32>], vector<16xf32>,
      %add3A_639 = arith.constant 13 : i32
      %add3A_640 = vector.broadcast %add3A_639 : i32 to vector<16xi32>
      %add3A_641 = arith.addi %mul3A_518, %add3A_640 : vector<16xi32>
      %gather3A_642 = tpu.vector_load_idx %arg10[%add3A_509, %add3A_641] : memref<256x128xf32, #tpu.memory_space<vmem>>[vector<16xi32>, vector<16xi32>], vector<16xf32>,
      %mul3A_643 = arith.mulf %gather3A_638, %gather3A_642 : vector<16xf32>
      %add3A_644 = arith.addf %add3A_635, %mul3A_643 : vector<16xf32>
      %broadcast_in_dim3A_645 = arith.constant 14 : i32
      %broadcast_in_dim3A_646 = vector.broadcast %broadcast_in_dim3A_645 : i32 to vector<16xi32>
      %gather3A_647 = tpu.vector_load_idx %arg9[%add3A_509, %broadcast_in_dim3A_646] : memref<256x32xf32, #tpu.memory_space<vmem>>[vector<16xi32>, vector<16xi32>], vector<16xf32>,
      %add3A_648 = arith.constant 14 : i32
      %add3A_649 = vector.broadcast %add3A_648 : i32 to vector<16xi32>
      %add3A_650 = arith.addi %mul3A_518, %add3A_649 : vector<16xi32>
      %gather3A_651 = tpu.vector_load_idx %arg10[%add3A_509, %add3A_650] : memref<256x128xf32, #tpu.memory_space<vmem>>[vector<16xi32>, vector<16xi32>], vector<16xf32>,
      %mul3A_652 = arith.mulf %gather3A_647, %gather3A_651 : vector<16xf32>
      %add3A_653 = arith.addf %add3A_644, %mul3A_652 : vector<16xf32>
      %broadcast_in_dim3A_654 = arith.constant 15 : i32
      %broadcast_in_dim3A_655 = vector.broadcast %broadcast_in_dim3A_654 : i32 to vector<16xi32>
      %gather3A_656 = tpu.vector_load_idx %arg9[%add3A_509, %broadcast_in_dim3A_655] : memref<256x32xf32, #tpu.memory_space<vmem>>[vector<16xi32>, vector<16xi32>], vector<16xf32>,
      %add3A_657 = arith.constant 15 : i32
      %add3A_658 = vector.broadcast %add3A_657 : i32 to vector<16xi32>
      %add3A_659 = arith.addi %mul3A_518, %add3A_658 : vector<16xi32>
      %gather3A_660 = tpu.vector_load_idx %arg10[%add3A_509, %add3A_659] : memref<256x128xf32, #tpu.memory_space<vmem>>[vector<16xi32>, vector<16xi32>], vector<16xf32>,
      %mul3A_661 = arith.mulf %gather3A_656, %gather3A_660 : vector<16xf32>
      %add3A_662 = arith.addf %add3A_653, %mul3A_661 : vector<16xf32>
      %broadcast_in_dim3A_663 = arith.constant 16 : i32
      %broadcast_in_dim3A_664 = vector.broadcast %broadcast_in_dim3A_663 : i32 to vector<16xi32>
      %gather3A_665 = tpu.vector_load_idx %arg9[%add3A_509, %broadcast_in_dim3A_664] : memref<256x32xf32, #tpu.memory_space<vmem>>[vector<16xi32>, vector<16xi32>], vector<16xf32>,
      %add3A_666 = arith.constant 16 : i32
      %add3A_667 = vector.broadcast %add3A_666 : i32 to vector<16xi32>
      %add3A_668 = arith.addi %mul3A_518, %add3A_667 : vector<16xi32>
      %gather3A_669 = tpu.vector_load_idx %arg10[%add3A_509, %add3A_668] : memref<256x128xf32, #tpu.memory_space<vmem>>[vector<16xi32>, vector<16xi32>], vector<16xf32>,
      %mul3A_670 = arith.mulf %gather3A_665, %gather3A_669 : vector<16xf32>
      %add3A_671 = arith.addf %add3A_662, %mul3A_670 : vector<16xf32>
      %broadcast_in_dim3A_672 = arith.constant 17 : i32
      %broadcast_in_dim3A_673 = vector.broadcast %broadcast_in_dim3A_672 : i32 to vector<16xi32>
      %gather3A_674 = tpu.vector_load_idx %arg9[%add3A_509, %broadcast_in_dim3A_673] : memref<256x32xf32, #tpu.memory_space<vmem>>[vector<16xi32>, vector<16xi32>], vector<16xf32>,
      %add3A_675 = arith.constant 17 : i32
      %add3A_676 = vector.broadcast %add3A_675 : i32 to vector<16xi32>
      %add3A_677 = arith.addi %mul3A_518, %add3A_676 : vector<16xi32>
      %gather3A_678 = tpu.vector_load_idx %arg10[%add3A_509, %add3A_677] : memref<256x128xf32, #tpu.memory_space<vmem>>[vector<16xi32>, vector<16xi32>], vector<16xf32>,
      %mul3A_679 = arith.mulf %gather3A_674, %gather3A_678 : vector<16xf32>
      %add3A_680 = arith.addf %add3A_671, %mul3A_679 : vector<16xf32>
      %broadcast_in_dim3A_681 = arith.constant 18 : i32
      %broadcast_in_dim3A_682 = vector.broadcast %broadcast_in_dim3A_681 : i32 to vector<16xi32>
      %gather3A_683 = tpu.vector_load_idx %arg9[%add3A_509, %broadcast_in_dim3A_682] : memref<256x32xf32, #tpu.memory_space<vmem>>[vector<16xi32>, vector<16xi32>], vector<16xf32>,
      %add3A_684 = arith.constant 18 : i32
      %add3A_685 = vector.broadcast %add3A_684 : i32 to vector<16xi32>
      %add3A_686 = arith.addi %mul3A_518, %add3A_685 : vector<16xi32>
      %gather3A_687 = tpu.vector_load_idx %arg10[%add3A_509, %add3A_686] : memref<256x128xf32, #tpu.memory_space<vmem>>[vector<16xi32>, vector<16xi32>], vector<16xf32>,
      %mul3A_688 = arith.mulf %gather3A_683, %gather3A_687 : vector<16xf32>
      %add3A_689 = arith.addf %add3A_680, %mul3A_688 : vector<16xf32>
      %broadcast_in_dim3A_690 = arith.constant 19 : i32
      %broadcast_in_dim3A_691 = vector.broadcast %broadcast_in_dim3A_690 : i32 to vector<16xi32>
      %gather3A_692 = tpu.vector_load_idx %arg9[%add3A_509, %broadcast_in_dim3A_691] : memref<256x32xf32, #tpu.memory_space<vmem>>[vector<16xi32>, vector<16xi32>], vector<16xf32>,
      %add3A_693 = arith.constant 19 : i32
      %add3A_694 = vector.broadcast %add3A_693 : i32 to vector<16xi32>
      %add3A_695 = arith.addi %mul3A_518, %add3A_694 : vector<16xi32>
      %gather3A_696 = tpu.vector_load_idx %arg10[%add3A_509, %add3A_695] : memref<256x128xf32, #tpu.memory_space<vmem>>[vector<16xi32>, vector<16xi32>], vector<16xf32>,
      %mul3A_697 = arith.mulf %gather3A_692, %gather3A_696 : vector<16xf32>
      %add3A_698 = arith.addf %add3A_689, %mul3A_697 : vector<16xf32>
      %broadcast_in_dim3A_699 = arith.constant 20 : i32
      %broadcast_in_dim3A_700 = vector.broadcast %broadcast_in_dim3A_699 : i32 to vector<16xi32>
      %gather3A_701 = tpu.vector_load_idx %arg9[%add3A_509, %broadcast_in_dim3A_700] : memref<256x32xf32, #tpu.memory_space<vmem>>[vector<16xi32>, vector<16xi32>], vector<16xf32>,
      %add3A_702 = arith.constant 20 : i32
      %add3A_703 = vector.broadcast %add3A_702 : i32 to vector<16xi32>
      %add3A_704 = arith.addi %mul3A_518, %add3A_703 : vector<16xi32>
      %gather3A_705 = tpu.vector_load_idx %arg10[%add3A_509, %add3A_704] : memref<256x128xf32, #tpu.memory_space<vmem>>[vector<16xi32>, vector<16xi32>], vector<16xf32>,
      %mul3A_706 = arith.mulf %gather3A_701, %gather3A_705 : vector<16xf32>
      %add3A_707 = arith.addf %add3A_698, %mul3A_706 : vector<16xf32>
      %broadcast_in_dim3A_708 = arith.constant 21 : i32
      %broadcast_in_dim3A_709 = vector.broadcast %broadcast_in_dim3A_708 : i32 to vector<16xi32>
      %gather3A_710 = tpu.vector_load_idx %arg9[%add3A_509, %broadcast_in_dim3A_709] : memref<256x32xf32, #tpu.memory_space<vmem>>[vector<16xi32>, vector<16xi32>], vector<16xf32>,
      %add3A_711 = arith.constant 21 : i32
      %add3A_712 = vector.broadcast %add3A_711 : i32 to vector<16xi32>
      %add3A_713 = arith.addi %mul3A_518, %add3A_712 : vector<16xi32>
      %gather3A_714 = tpu.vector_load_idx %arg10[%add3A_509, %add3A_713] : memref<256x128xf32, #tpu.memory_space<vmem>>[vector<16xi32>, vector<16xi32>], vector<16xf32>,
      %mul3A_715 = arith.mulf %gather3A_710, %gather3A_714 : vector<16xf32>
      %add3A_716 = arith.addf %add3A_707, %mul3A_715 : vector<16xf32>
      %broadcast_in_dim3A_717 = arith.constant 22 : i32
      %broadcast_in_dim3A_718 = vector.broadcast %broadcast_in_dim3A_717 : i32 to vector<16xi32>
      %gather3A_719 = tpu.vector_load_idx %arg9[%add3A_509, %broadcast_in_dim3A_718] : memref<256x32xf32, #tpu.memory_space<vmem>>[vector<16xi32>, vector<16xi32>], vector<16xf32>,
      %add3A_720 = arith.constant 22 : i32
      %add3A_721 = vector.broadcast %add3A_720 : i32 to vector<16xi32>
      %add3A_722 = arith.addi %mul3A_518, %add3A_721 : vector<16xi32>
      %gather3A_723 = tpu.vector_load_idx %arg10[%add3A_509, %add3A_722] : memref<256x128xf32, #tpu.memory_space<vmem>>[vector<16xi32>, vector<16xi32>], vector<16xf32>,
      %mul3A_724 = arith.mulf %gather3A_719, %gather3A_723 : vector<16xf32>
      %add3A_725 = arith.addf %add3A_716, %mul3A_724 : vector<16xf32>
      %broadcast_in_dim3A_726 = arith.constant 23 : i32
      %broadcast_in_dim3A_727 = vector.broadcast %broadcast_in_dim3A_726 : i32 to vector<16xi32>
      %gather3A_728 = tpu.vector_load_idx %arg9[%add3A_509, %broadcast_in_dim3A_727] : memref<256x32xf32, #tpu.memory_space<vmem>>[vector<16xi32>, vector<16xi32>], vector<16xf32>,
      %add3A_729 = arith.constant 23 : i32
      %add3A_730 = vector.broadcast %add3A_729 : i32 to vector<16xi32>
      %add3A_731 = arith.addi %mul3A_518, %add3A_730 : vector<16xi32>
      %gather3A_732 = tpu.vector_load_idx %arg10[%add3A_509, %add3A_731] : memref<256x128xf32, #tpu.memory_space<vmem>>[vector<16xi32>, vector<16xi32>], vector<16xf32>,
      %mul3A_733 = arith.mulf %gather3A_728, %gather3A_732 : vector<16xf32>
      %add3A_734 = arith.addf %add3A_725, %mul3A_733 : vector<16xf32>
      %broadcast_in_dim3A_735 = arith.constant 24 : i32
      %broadcast_in_dim3A_736 = vector.broadcast %broadcast_in_dim3A_735 : i32 to vector<16xi32>
      %gather3A_737 = tpu.vector_load_idx %arg9[%add3A_509, %broadcast_in_dim3A_736] : memref<256x32xf32, #tpu.memory_space<vmem>>[vector<16xi32>, vector<16xi32>], vector<16xf32>,
      %add3A_738 = arith.constant 24 : i32
      %add3A_739 = vector.broadcast %add3A_738 : i32 to vector<16xi32>
      %add3A_740 = arith.addi %mul3A_518, %add3A_739 : vector<16xi32>
      %gather3A_741 = tpu.vector_load_idx %arg10[%add3A_509, %add3A_740] : memref<256x128xf32, #tpu.memory_space<vmem>>[vector<16xi32>, vector<16xi32>], vector<16xf32>,
      %mul3A_742 = arith.mulf %gather3A_737, %gather3A_741 : vector<16xf32>
      %add3A_743 = arith.addf %add3A_734, %mul3A_742 : vector<16xf32>
      %broadcast_in_dim3A_744 = arith.constant 25 : i32
      %broadcast_in_dim3A_745 = vector.broadcast %broadcast_in_dim3A_744 : i32 to vector<16xi32>
      %gather3A_746 = tpu.vector_load_idx %arg9[%add3A_509, %broadcast_in_dim3A_745] : memref<256x32xf32, #tpu.memory_space<vmem>>[vector<16xi32>, vector<16xi32>], vector<16xf32>,
      %add3A_747 = arith.constant 25 : i32
      %add3A_748 = vector.broadcast %add3A_747 : i32 to vector<16xi32>
      %add3A_749 = arith.addi %mul3A_518, %add3A_748 : vector<16xi32>
      %gather3A_750 = tpu.vector_load_idx %arg10[%add3A_509, %add3A_749] : memref<256x128xf32, #tpu.memory_space<vmem>>[vector<16xi32>, vector<16xi32>], vector<16xf32>,
      %mul3A_751 = arith.mulf %gather3A_746, %gather3A_750 : vector<16xf32>
      %add3A_752 = arith.addf %add3A_743, %mul3A_751 : vector<16xf32>
      %broadcast_in_dim3A_753 = arith.constant 26 : i32
      %broadcast_in_dim3A_754 = vector.broadcast %broadcast_in_dim3A_753 : i32 to vector<16xi32>
      %gather3A_755 = tpu.vector_load_idx %arg9[%add3A_509, %broadcast_in_dim3A_754] : memref<256x32xf32, #tpu.memory_space<vmem>>[vector<16xi32>, vector<16xi32>], vector<16xf32>,
      %add3A_756 = arith.constant 26 : i32
      %add3A_757 = vector.broadcast %add3A_756 : i32 to vector<16xi32>
      %add3A_758 = arith.addi %mul3A_518, %add3A_757 : vector<16xi32>
      %gather3A_759 = tpu.vector_load_idx %arg10[%add3A_509, %add3A_758] : memref<256x128xf32, #tpu.memory_space<vmem>>[vector<16xi32>, vector<16xi32>], vector<16xf32>,
      %mul3A_760 = arith.mulf %gather3A_755, %gather3A_759 : vector<16xf32>
      %add3A_761 = arith.addf %add3A_752, %mul3A_760 : vector<16xf32>
      %broadcast_in_dim3A_762 = arith.constant 27 : i32
      %broadcast_in_dim3A_763 = vector.broadcast %broadcast_in_dim3A_762 : i32 to vector<16xi32>
      %gather3A_764 = tpu.vector_load_idx %arg9[%add3A_509, %broadcast_in_dim3A_763] : memref<256x32xf32, #tpu.memory_space<vmem>>[vector<16xi32>, vector<16xi32>], vector<16xf32>,
      %add3A_765 = arith.constant 27 : i32
      %add3A_766 = vector.broadcast %add3A_765 : i32 to vector<16xi32>
      %add3A_767 = arith.addi %mul3A_518, %add3A_766 : vector<16xi32>
      %gather3A_768 = tpu.vector_load_idx %arg10[%add3A_509, %add3A_767] : memref<256x128xf32, #tpu.memory_space<vmem>>[vector<16xi32>, vector<16xi32>], vector<16xf32>,
      %mul3A_769 = arith.mulf %gather3A_764, %gather3A_768 : vector<16xf32>
      %add3A_770 = arith.addf %add3A_761, %mul3A_769 : vector<16xf32>
      %broadcast_in_dim3A_771 = arith.constant 28 : i32
      %broadcast_in_dim3A_772 = vector.broadcast %broadcast_in_dim3A_771 : i32 to vector<16xi32>
      %gather3A_773 = tpu.vector_load_idx %arg9[%add3A_509, %broadcast_in_dim3A_772] : memref<256x32xf32, #tpu.memory_space<vmem>>[vector<16xi32>, vector<16xi32>], vector<16xf32>,
      %add3A_774 = arith.constant 28 : i32
      %add3A_775 = vector.broadcast %add3A_774 : i32 to vector<16xi32>
      %add3A_776 = arith.addi %mul3A_518, %add3A_775 : vector<16xi32>
      %gather3A_777 = tpu.vector_load_idx %arg10[%add3A_509, %add3A_776] : memref<256x128xf32, #tpu.memory_space<vmem>>[vector<16xi32>, vector<16xi32>], vector<16xf32>,
      %mul3A_778 = arith.mulf %gather3A_773, %gather3A_777 : vector<16xf32>
      %add3A_779 = arith.addf %add3A_770, %mul3A_778 : vector<16xf32>
      %broadcast_in_dim3A_780 = arith.constant 29 : i32
      %broadcast_in_dim3A_781 = vector.broadcast %broadcast_in_dim3A_780 : i32 to vector<16xi32>
      %gather3A_782 = tpu.vector_load_idx %arg9[%add3A_509, %broadcast_in_dim3A_781] : memref<256x32xf32, #tpu.memory_space<vmem>>[vector<16xi32>, vector<16xi32>], vector<16xf32>,
      %add3A_783 = arith.constant 29 : i32
      %add3A_784 = vector.broadcast %add3A_783 : i32 to vector<16xi32>
      %add3A_785 = arith.addi %mul3A_518, %add3A_784 : vector<16xi32>
      %gather3A_786 = tpu.vector_load_idx %arg10[%add3A_509, %add3A_785] : memref<256x128xf32, #tpu.memory_space<vmem>>[vector<16xi32>, vector<16xi32>], vector<16xf32>,
      %mul3A_787 = arith.mulf %gather3A_782, %gather3A_786 : vector<16xf32>
      %add3A_788 = arith.addf %add3A_779, %mul3A_787 : vector<16xf32>
      %broadcast_in_dim3A_789 = arith.constant 30 : i32
      %broadcast_in_dim3A_790 = vector.broadcast %broadcast_in_dim3A_789 : i32 to vector<16xi32>
      %gather3A_791 = tpu.vector_load_idx %arg9[%add3A_509, %broadcast_in_dim3A_790] : memref<256x32xf32, #tpu.memory_space<vmem>>[vector<16xi32>, vector<16xi32>], vector<16xf32>,
      %add3A_792 = arith.constant 30 : i32
      %add3A_793 = vector.broadcast %add3A_792 : i32 to vector<16xi32>
      %add3A_794 = arith.addi %mul3A_518, %add3A_793 : vector<16xi32>
      %gather3A_795 = tpu.vector_load_idx %arg10[%add3A_509, %add3A_794] : memref<256x128xf32, #tpu.memory_space<vmem>>[vector<16xi32>, vector<16xi32>], vector<16xf32>,
      %mul3A_796 = arith.mulf %gather3A_791, %gather3A_795 : vector<16xf32>
      %add3A_797 = arith.addf %add3A_788, %mul3A_796 : vector<16xf32>
      %broadcast_in_dim3A_798 = arith.constant 31 : i32
      %broadcast_in_dim3A_799 = vector.broadcast %broadcast_in_dim3A_798 : i32 to vector<16xi32>
      %gather3A_800 = tpu.vector_load_idx %arg9[%add3A_509, %broadcast_in_dim3A_799] : memref<256x32xf32, #tpu.memory_space<vmem>>[vector<16xi32>, vector<16xi32>], vector<16xf32>,
      %add3A_801 = arith.constant 31 : i32
      %add3A_802 = vector.broadcast %add3A_801 : i32 to vector<16xi32>
      %add3A_803 = arith.addi %mul3A_518, %add3A_802 : vector<16xi32>
      %gather3A_804 = tpu.vector_load_idx %arg10[%add3A_509, %add3A_803] : memref<256x128xf32, #tpu.memory_space<vmem>>[vector<16xi32>, vector<16xi32>], vector<16xf32>,
      %mul3A_805 = arith.mulf %gather3A_800, %gather3A_804 : vector<16xf32>
      %add3A_806 = arith.addf %add3A_797, %mul3A_805 : vector<16xf32>
      %add3A_807 = vector.broadcast %add3A_505 : i32 to vector<16xi32>
      %add3A_808 = arith.addi %add3A_807, %iota3A : vector<16xi32>
      tpu.vector_store_idx %arg11[%add3A_808], %add3A_806 : memref<512xf32, #tpu.memory_space<vmem>>[vector<16xi32>], vector<16xf32>,
    }
    %scan3A_442 = arith.constant 16 : i32
    %dma_start3A_443 = arith.constant 2 : i32
    %dma_start3A_444 = arith.constant 0 : i32
    %dma_start3A_445 = arith.constant 0 : i32
    %dma_start3A_446 = tpu.memref_slice %arg10[%dma_start3A_444, %dma_start3A_445] : memref<256x128xf32, #tpu.memory_space<vmem>> -> memref<128x128xf32, #tpu.memory_space<vmem>>
    %dma_start3A_447 = arith.constant 0 : i32
    %dma_start3A_448 = tpu.memref_slice %arg8[%dma_start3A_443, %dma_start3A_447] : memref<4x128xi32, #tpu.memory_space<vmem>> -> memref<1x128xi32, #tpu.memory_space<vmem>>
    %dma_start3A_449 = tpu.memref_squeeze %dma_start3A_448 : memref<1x128xi32, #tpu.memory_space<vmem>> -> memref<128xi32, #tpu.memory_space<vmem>>
    %dma_start3A_450 = arith.constant 0 : i32
    %dma_start3A_451 = arith.constant 0 : i32
    %dma_start3A_452 = tpu.memref_slice %arg5[%dma_start3A_450, %dma_start3A_451] : memref<250000x128xf32, #tpu.memory_space<hbm>> -> memref<250000x128xf32, #tpu.memory_space<hbm>>
    tpu.enqueue_indirect_dma source(%dma_start3A_452 : memref<250000x128xf32, #tpu.memory_space<hbm>>) target(%dma_start3A_446 : memref<128x128xf32, #tpu.memory_space<vmem>>) offsets(%dma_start3A_449 : memref<128xi32, #tpu.memory_space<vmem>>) semaphore(%arg12 : memref<!tpu.dma_semaphore, #tpu.memory_space<semaphore_mem>>)
    %dma_start3A_453 = arith.constant 3 : i32
    %dma_start3A_454 = arith.constant 128 : i32
    %dma_start3A_455 = arith.constant 0 : i32
    %dma_start3A_456 = tpu.memref_slice %arg10[%dma_start3A_454, %dma_start3A_455] : memref<256x128xf32, #tpu.memory_space<vmem>> -> memref<128x128xf32, #tpu.memory_space<vmem>>
    %dma_start3A_457 = arith.constant 0 : i32
    %dma_start3A_458 = tpu.memref_slice %arg8[%dma_start3A_453, %dma_start3A_457] : memref<4x128xi32, #tpu.memory_space<vmem>> -> memref<1x128xi32, #tpu.memory_space<vmem>>
    %dma_start3A_459 = tpu.memref_squeeze %dma_start3A_458 : memref<1x128xi32, #tpu.memory_space<vmem>> -> memref<128xi32, #tpu.memory_space<vmem>>
    %dma_start3A_460 = arith.constant 0 : i32
    %dma_start3A_461 = arith.constant 0 : i32
    %dma_start3A_462 = tpu.memref_slice %arg5[%dma_start3A_460, %dma_start3A_461] : memref<250000x128xf32, #tpu.memory_space<hbm>> -> memref<250000x128xf32, #tpu.memory_space<hbm>>
    tpu.enqueue_indirect_dma source(%dma_start3A_462 : memref<250000x128xf32, #tpu.memory_space<hbm>>) target(%dma_start3A_456 : memref<128x128xf32, #tpu.memory_space<vmem>>) offsets(%dma_start3A_459 : memref<128xi32, #tpu.memory_space<vmem>>) semaphore(%arg12 : memref<!tpu.dma_semaphore, #tpu.memory_space<semaphore_mem>>)
    %scan3A_463 = arith.constant 0 : i32
    %scan3A_464 = arith.constant 0 : i32
    %scan3A_465 = arith.constant 16 : i32
    %scan3A_466 = arith.addi %scan3A_464, %scan3A_465 : i32
    %scan3A_467 = arith.constant 1 : i32
    scf.for %scan3A_501 = %scan3A_464 to %scan3A_466 step %scan3A_467  : i32 {
      %mul3A_502 = arith.constant 16 : i32
      %mul3A_503 = arith.muli %scan3A_501, %mul3A_502 : i32
      %add3A_504 = arith.constant 256 : i32
      %add3A_505 = arith.addi %add3A_504, %mul3A_503 : i32
      %get3A_506 = arith.constant 0 : i32
      %get3A_507 = arith.index_cast %get3A_506 : i32 to index
      %get3A_508 = arith.index_cast %add3A_505 : i32 to index
      %get3A_509 = tpu.vector_load %arg7[%get3A_507, %get3A_508] {strides = array<i32>} : memref<2x512xi32, #tpu.memory_space<vmem>>, vector<16xi32>,
      %slice3A = vector.extract_strided_slice %get3A_509 {offsets = [0], sizes = [1], strides = [1]} : vector<16xi32> to vector<1xi32>
      %squeeze3A = vector.extract %slice3A[0] : i32 from vector<1xi32>
      %add3A_510 = arith.constant 0 : i32
      %add3A_511 = arith.addi %mul3A_503, %add3A_510 : i32
      %dma_start3A_512 = arith.constant 0 : i32
      %dma_start3A_513 = tpu.memref_slice %arg9[%add3A_511, %dma_start3A_512] : memref<256x32xf32, #tpu.memory_space<vmem>> -> memref<1x32xf32, #tpu.memory_space<vmem>>
      %dma_start3A_514 = arith.constant 0 : i32
      %dma_start3A_515 = tpu.memref_slice %arg4[%squeeze3A, %dma_start3A_514] : memref<1000000x32xf32, #tpu.memory_space<hbm>> -> memref<1x32xf32, #tpu.memory_space<hbm>>
      %dma_start3A_516 = arith.constant 0 : i32
      %dma_start3A_517 = tpu.memref_slice %arg9[%add3A_511, %dma_start3A_516] : memref<256x32xf32, #tpu.memory_space<vmem>> -> memref<1x32xf32, #tpu.memory_space<vmem>>
      %dma_start3A_518 = arith.constant 0 : i32
      %dma_start3A_519 = tpu.memref_slice %arg4[%squeeze3A, %dma_start3A_518] : memref<1000000x32xf32, #tpu.memory_space<hbm>> -> memref<1x32xf32, #tpu.memory_space<hbm>>
      tpu.enqueue_dma source(%dma_start3A_519 : memref<1x32xf32, #tpu.memory_space<hbm>>) target(%dma_start3A_517 : memref<1x32xf32, #tpu.memory_space<vmem>>) target_semaphore(%arg12 : memref<!tpu.dma_semaphore, #tpu.memory_space<semaphore_mem>>)
      %slice3A_520 = vector.extract_strided_slice %get3A_509 {offsets = [1], sizes = [1], strides = [1]} : vector<16xi32> to vector<1xi32>
      %squeeze3A_521 = vector.extract %slice3A_520[0] : i32 from vector<1xi32>
      %add3A_522 = arith.constant 1 : i32
      %add3A_523 = arith.addi %mul3A_503, %add3A_522 : i32
      %dma_start3A_524 = arith.constant 0 : i32
      %dma_start3A_525 = tpu.memref_slice %arg9[%add3A_523, %dma_start3A_524] : memref<256x32xf32, #tpu.memory_space<vmem>> -> memref<1x32xf32, #tpu.memory_space<vmem>>
      %dma_start3A_526 = arith.constant 0 : i32
      %dma_start3A_527 = tpu.memref_slice %arg4[%squeeze3A_521, %dma_start3A_526] : memref<1000000x32xf32, #tpu.memory_space<hbm>> -> memref<1x32xf32, #tpu.memory_space<hbm>>
      %dma_start3A_528 = arith.constant 0 : i32
      %dma_start3A_529 = tpu.memref_slice %arg9[%add3A_523, %dma_start3A_528] : memref<256x32xf32, #tpu.memory_space<vmem>> -> memref<1x32xf32, #tpu.memory_space<vmem>>
      %dma_start3A_530 = arith.constant 0 : i32
      %dma_start3A_531 = tpu.memref_slice %arg4[%squeeze3A_521, %dma_start3A_530] : memref<1000000x32xf32, #tpu.memory_space<hbm>> -> memref<1x32xf32, #tpu.memory_space<hbm>>
      tpu.enqueue_dma source(%dma_start3A_531 : memref<1x32xf32, #tpu.memory_space<hbm>>) target(%dma_start3A_529 : memref<1x32xf32, #tpu.memory_space<vmem>>) target_semaphore(%arg12 : memref<!tpu.dma_semaphore, #tpu.memory_space<semaphore_mem>>)
      %slice3A_532 = vector.extract_strided_slice %get3A_509 {offsets = [2], sizes = [1], strides = [1]} : vector<16xi32> to vector<1xi32>
      %squeeze3A_533 = vector.extract %slice3A_532[0] : i32 from vector<1xi32>
      %add3A_534 = arith.constant 2 : i32
      %add3A_535 = arith.addi %mul3A_503, %add3A_534 : i32
      %dma_start3A_536 = arith.constant 0 : i32
      %dma_start3A_537 = tpu.memref_slice %arg9[%add3A_535, %dma_start3A_536] : memref<256x32xf32, #tpu.memory_space<vmem>> -> memref<1x32xf32, #tpu.memory_space<vmem>>
      %dma_start3A_538 = arith.constant 0 : i32
      %dma_start3A_539 = tpu.memref_slice %arg4[%squeeze3A_533, %dma_start3A_538] : memref<1000000x32xf32, #tpu.memory_space<hbm>> -> memref<1x32xf32, #tpu.memory_space<hbm>>
      %dma_start3A_540 = arith.constant 0 : i32
      %dma_start3A_541 = tpu.memref_slice %arg9[%add3A_535, %dma_start3A_540] : memref<256x32xf32, #tpu.memory_space<vmem>> -> memref<1x32xf32, #tpu.memory_space<vmem>>
      %dma_start3A_542 = arith.constant 0 : i32
      %dma_start3A_543 = tpu.memref_slice %arg4[%squeeze3A_533, %dma_start3A_542] : memref<1000000x32xf32, #tpu.memory_space<hbm>> -> memref<1x32xf32, #tpu.memory_space<hbm>>
      tpu.enqueue_dma source(%dma_start3A_543 : memref<1x32xf32, #tpu.memory_space<hbm>>) target(%dma_start3A_541 : memref<1x32xf32, #tpu.memory_space<vmem>>) target_semaphore(%arg12 : memref<!tpu.dma_semaphore, #tpu.memory_space<semaphore_mem>>)
      %slice3A_544 = vector.extract_strided_slice %get3A_509 {offsets = [3], sizes = [1], strides = [1]} : vector<16xi32> to vector<1xi32>
      %squeeze3A_545 = vector.extract %slice3A_544[0] : i32 from vector<1xi32>
      %add3A_546 = arith.constant 3 : i32
      %add3A_547 = arith.addi %mul3A_503, %add3A_546 : i32
      %dma_start3A_548 = arith.constant 0 : i32
      %dma_start3A_549 = tpu.memref_slice %arg9[%add3A_547, %dma_start3A_548] : memref<256x32xf32, #tpu.memory_space<vmem>> -> memref<1x32xf32, #tpu.memory_space<vmem>>
      %dma_start3A_550 = arith.constant 0 : i32
      %dma_start3A_551 = tpu.memref_slice %arg4[%squeeze3A_545, %dma_start3A_550] : memref<1000000x32xf32, #tpu.memory_space<hbm>> -> memref<1x32xf32, #tpu.memory_space<hbm>>
      %dma_start3A_552 = arith.constant 0 : i32
      %dma_start3A_553 = tpu.memref_slice %arg9[%add3A_547, %dma_start3A_552] : memref<256x32xf32, #tpu.memory_space<vmem>> -> memref<1x32xf32, #tpu.memory_space<vmem>>
      %dma_start3A_554 = arith.constant 0 : i32
      %dma_start3A_555 = tpu.memref_slice %arg4[%squeeze3A_545, %dma_start3A_554] : memref<1000000x32xf32, #tpu.memory_space<hbm>> -> memref<1x32xf32, #tpu.memory_space<hbm>>
      tpu.enqueue_dma source(%dma_start3A_555 : memref<1x32xf32, #tpu.memory_space<hbm>>) target(%dma_start3A_553 : memref<1x32xf32, #tpu.memory_space<vmem>>) target_semaphore(%arg12 : memref<!tpu.dma_semaphore, #tpu.memory_space<semaphore_mem>>)
      %slice3A_556 = vector.extract_strided_slice %get3A_509 {offsets = [4], sizes = [1], strides = [1]} : vector<16xi32> to vector<1xi32>
      %squeeze3A_557 = vector.extract %slice3A_556[0] : i32 from vector<1xi32>
      %add3A_558 = arith.constant 4 : i32
      %add3A_559 = arith.addi %mul3A_503, %add3A_558 : i32
      %dma_start3A_560 = arith.constant 0 : i32
      %dma_start3A_561 = tpu.memref_slice %arg9[%add3A_559, %dma_start3A_560] : memref<256x32xf32, #tpu.memory_space<vmem>> -> memref<1x32xf32, #tpu.memory_space<vmem>>
      %dma_start3A_562 = arith.constant 0 : i32
      %dma_start3A_563 = tpu.memref_slice %arg4[%squeeze3A_557, %dma_start3A_562] : memref<1000000x32xf32, #tpu.memory_space<hbm>> -> memref<1x32xf32, #tpu.memory_space<hbm>>
      %dma_start3A_564 = arith.constant 0 : i32
      %dma_start3A_565 = tpu.memref_slice %arg9[%add3A_559, %dma_start3A_564] : memref<256x32xf32, #tpu.memory_space<vmem>> -> memref<1x32xf32, #tpu.memory_space<vmem>>
      %dma_start3A_566 = arith.constant 0 : i32
      %dma_start3A_567 = tpu.memref_slice %arg4[%squeeze3A_557, %dma_start3A_566] : memref<1000000x32xf32, #tpu.memory_space<hbm>> -> memref<1x32xf32, #tpu.memory_space<hbm>>
      tpu.enqueue_dma source(%dma_start3A_567 : memref<1x32xf32, #tpu.memory_space<hbm>>) target(%dma_start3A_565 : memref<1x32xf32, #tpu.memory_space<vmem>>) target_semaphore(%arg12 : memref<!tpu.dma_semaphore, #tpu.memory_space<semaphore_mem>>)
      %slice3A_568 = vector.extract_strided_slice %get3A_509 {offsets = [5], sizes = [1], strides = [1]} : vector<16xi32> to vector<1xi32>
      %squeeze3A_569 = vector.extract %slice3A_568[0] : i32 from vector<1xi32>
      %add3A_570 = arith.constant 5 : i32
      %add3A_571 = arith.addi %mul3A_503, %add3A_570 : i32
      %dma_start3A_572 = arith.constant 0 : i32
      %dma_start3A_573 = tpu.memref_slice %arg9[%add3A_571, %dma_start3A_572] : memref<256x32xf32, #tpu.memory_space<vmem>> -> memref<1x32xf32, #tpu.memory_space<vmem>>
      %dma_start3A_574 = arith.constant 0 : i32
      %dma_start3A_575 = tpu.memref_slice %arg4[%squeeze3A_569, %dma_start3A_574] : memref<1000000x32xf32, #tpu.memory_space<hbm>> -> memref<1x32xf32, #tpu.memory_space<hbm>>
      %dma_start3A_576 = arith.constant 0 : i32
      %dma_start3A_577 = tpu.memref_slice %arg9[%add3A_571, %dma_start3A_576] : memref<256x32xf32, #tpu.memory_space<vmem>> -> memref<1x32xf32, #tpu.memory_space<vmem>>
      %dma_start3A_578 = arith.constant 0 : i32
      %dma_start3A_579 = tpu.memref_slice %arg4[%squeeze3A_569, %dma_start3A_578] : memref<1000000x32xf32, #tpu.memory_space<hbm>> -> memref<1x32xf32, #tpu.memory_space<hbm>>
      tpu.enqueue_dma source(%dma_start3A_579 : memref<1x32xf32, #tpu.memory_space<hbm>>) target(%dma_start3A_577 : memref<1x32xf32, #tpu.memory_space<vmem>>) target_semaphore(%arg12 : memref<!tpu.dma_semaphore, #tpu.memory_space<semaphore_mem>>)
      %slice3A_580 = vector.extract_strided_slice %get3A_509 {offsets = [6], sizes = [1], strides = [1]} : vector<16xi32> to vector<1xi32>
      %squeeze3A_581 = vector.extract %slice3A_580[0] : i32 from vector<1xi32>
      %add3A_582 = arith.constant 6 : i32
      %add3A_583 = arith.addi %mul3A_503, %add3A_582 : i32
      %dma_start3A_584 = arith.constant 0 : i32
      %dma_start3A_585 = tpu.memref_slice %arg9[%add3A_583, %dma_start3A_584] : memref<256x32xf32, #tpu.memory_space<vmem>> -> memref<1x32xf32, #tpu.memory_space<vmem>>
      %dma_start3A_586 = arith.constant 0 : i32
      %dma_start3A_587 = tpu.memref_slice %arg4[%squeeze3A_581, %dma_start3A_586] : memref<1000000x32xf32, #tpu.memory_space<hbm>> -> memref<1x32xf32, #tpu.memory_space<hbm>>
      %dma_start3A_588 = arith.constant 0 : i32
      %dma_start3A_589 = tpu.memref_slice %arg9[%add3A_583, %dma_start3A_588] : memref<256x32xf32, #tpu.memory_space<vmem>> -> memref<1x32xf32, #tpu.memory_space<vmem>>
      %dma_start3A_590 = arith.constant 0 : i32
      %dma_start3A_591 = tpu.memref_slice %arg4[%squeeze3A_581, %dma_start3A_590] : memref<1000000x32xf32, #tpu.memory_space<hbm>> -> memref<1x32xf32, #tpu.memory_space<hbm>>
      tpu.enqueue_dma source(%dma_start3A_591 : memref<1x32xf32, #tpu.memory_space<hbm>>) target(%dma_start3A_589 : memref<1x32xf32, #tpu.memory_space<vmem>>) target_semaphore(%arg12 : memref<!tpu.dma_semaphore, #tpu.memory_space<semaphore_mem>>)
      %slice3A_592 = vector.extract_strided_slice %get3A_509 {offsets = [7], sizes = [1], strides = [1]} : vector<16xi32> to vector<1xi32>
      %squeeze3A_593 = vector.extract %slice3A_592[0] : i32 from vector<1xi32>
      %add3A_594 = arith.constant 7 : i32
      %add3A_595 = arith.addi %mul3A_503, %add3A_594 : i32
      %dma_start3A_596 = arith.constant 0 : i32
      %dma_start3A_597 = tpu.memref_slice %arg9[%add3A_595, %dma_start3A_596] : memref<256x32xf32, #tpu.memory_space<vmem>> -> memref<1x32xf32, #tpu.memory_space<vmem>>
      %dma_start3A_598 = arith.constant 0 : i32
      %dma_start3A_599 = tpu.memref_slice %arg4[%squeeze3A_593, %dma_start3A_598] : memref<1000000x32xf32, #tpu.memory_space<hbm>> -> memref<1x32xf32, #tpu.memory_space<hbm>>
      %dma_start3A_600 = arith.constant 0 : i32
      %dma_start3A_601 = tpu.memref_slice %arg9[%add3A_595, %dma_start3A_600] : memref<256x32xf32, #tpu.memory_space<vmem>> -> memref<1x32xf32, #tpu.memory_space<vmem>>
      %dma_start3A_602 = arith.constant 0 : i32
      %dma_start3A_603 = tpu.memref_slice %arg4[%squeeze3A_593, %dma_start3A_602] : memref<1000000x32xf32, #tpu.memory_space<hbm>> -> memref<1x32xf32, #tpu.memory_space<hbm>>
      tpu.enqueue_dma source(%dma_start3A_603 : memref<1x32xf32, #tpu.memory_space<hbm>>) target(%dma_start3A_601 : memref<1x32xf32, #tpu.memory_space<vmem>>) target_semaphore(%arg12 : memref<!tpu.dma_semaphore, #tpu.memory_space<semaphore_mem>>)
      %slice3A_604 = vector.extract_strided_slice %get3A_509 {offsets = [8], sizes = [1], strides = [1]} : vector<16xi32> to vector<1xi32>
      %squeeze3A_605 = vector.extract %slice3A_604[0] : i32 from vector<1xi32>
      %add3A_606 = arith.constant 8 : i32
      %add3A_607 = arith.addi %mul3A_503, %add3A_606 : i32
      %dma_start3A_608 = arith.constant 0 : i32
      %dma_start3A_609 = tpu.memref_slice %arg9[%add3A_607, %dma_start3A_608] : memref<256x32xf32, #tpu.memory_space<vmem>> -> memref<1x32xf32, #tpu.memory_space<vmem>>
      %dma_start3A_610 = arith.constant 0 : i32
      %dma_start3A_611 = tpu.memref_slice %arg4[%squeeze3A_605, %dma_start3A_610] : memref<1000000x32xf32, #tpu.memory_space<hbm>> -> memref<1x32xf32, #tpu.memory_space<hbm>>
      %dma_start3A_612 = arith.constant 0 : i32
      %dma_start3A_613 = tpu.memref_slice %arg9[%add3A_607, %dma_start3A_612] : memref<256x32xf32, #tpu.memory_space<vmem>> -> memref<1x32xf32, #tpu.memory_space<vmem>>
      %dma_start3A_614 = arith.constant 0 : i32
      %dma_start3A_615 = tpu.memref_slice %arg4[%squeeze3A_605, %dma_start3A_614] : memref<1000000x32xf32, #tpu.memory_space<hbm>> -> memref<1x32xf32, #tpu.memory_space<hbm>>
      tpu.enqueue_dma source(%dma_start3A_615 : memref<1x32xf32, #tpu.memory_space<hbm>>) target(%dma_start3A_613 : memref<1x32xf32, #tpu.memory_space<vmem>>) target_semaphore(%arg12 : memref<!tpu.dma_semaphore, #tpu.memory_space<semaphore_mem>>)
      %slice3A_616 = vector.extract_strided_slice %get3A_509 {offsets = [9], sizes = [1], strides = [1]} : vector<16xi32> to vector<1xi32>
      %squeeze3A_617 = vector.extract %slice3A_616[0] : i32 from vector<1xi32>
      %add3A_618 = arith.constant 9 : i32
      %add3A_619 = arith.addi %mul3A_503, %add3A_618 : i32
      %dma_start3A_620 = arith.constant 0 : i32
      %dma_start3A_621 = tpu.memref_slice %arg9[%add3A_619, %dma_start3A_620] : memref<256x32xf32, #tpu.memory_space<vmem>> -> memref<1x32xf32, #tpu.memory_space<vmem>>
      %dma_start3A_622 = arith.constant 0 : i32
      %dma_start3A_623 = tpu.memref_slice %arg4[%squeeze3A_617, %dma_start3A_622] : memref<1000000x32xf32, #tpu.memory_space<hbm>> -> memref<1x32xf32, #tpu.memory_space<hbm>>
      %dma_start3A_624 = arith.constant 0 : i32
      %dma_start3A_625 = tpu.memref_slice %arg9[%add3A_619, %dma_start3A_624] : memref<256x32xf32, #tpu.memory_space<vmem>> -> memref<1x32xf32, #tpu.memory_space<vmem>>
      %dma_start3A_626 = arith.constant 0 : i32
      %dma_start3A_627 = tpu.memref_slice %arg4[%squeeze3A_617, %dma_start3A_626] : memref<1000000x32xf32, #tpu.memory_space<hbm>> -> memref<1x32xf32, #tpu.memory_space<hbm>>
      tpu.enqueue_dma source(%dma_start3A_627 : memref<1x32xf32, #tpu.memory_space<hbm>>) target(%dma_start3A_625 : memref<1x32xf32, #tpu.memory_space<vmem>>) target_semaphore(%arg12 : memref<!tpu.dma_semaphore, #tpu.memory_space<semaphore_mem>>)
      %slice3A_628 = vector.extract_strided_slice %get3A_509 {offsets = [10], sizes = [1], strides = [1]} : vector<16xi32> to vector<1xi32>
      %squeeze3A_629 = vector.extract %slice3A_628[0] : i32 from vector<1xi32>
      %add3A_630 = arith.constant 10 : i32
      %add3A_631 = arith.addi %mul3A_503, %add3A_630 : i32
      %dma_start3A_632 = arith.constant 0 : i32
      %dma_start3A_633 = tpu.memref_slice %arg9[%add3A_631, %dma_start3A_632] : memref<256x32xf32, #tpu.memory_space<vmem>> -> memref<1x32xf32, #tpu.memory_space<vmem>>
      %dma_start3A_634 = arith.constant 0 : i32
      %dma_start3A_635 = tpu.memref_slice %arg4[%squeeze3A_629, %dma_start3A_634] : memref<1000000x32xf32, #tpu.memory_space<hbm>> -> memref<1x32xf32, #tpu.memory_space<hbm>>
      %dma_start3A_636 = arith.constant 0 : i32
      %dma_start3A_637 = tpu.memref_slice %arg9[%add3A_631, %dma_start3A_636] : memref<256x32xf32, #tpu.memory_space<vmem>> -> memref<1x32xf32, #tpu.memory_space<vmem>>
      %dma_start3A_638 = arith.constant 0 : i32
      %dma_start3A_639 = tpu.memref_slice %arg4[%squeeze3A_629, %dma_start3A_638] : memref<1000000x32xf32, #tpu.memory_space<hbm>> -> memref<1x32xf32, #tpu.memory_space<hbm>>
      tpu.enqueue_dma source(%dma_start3A_639 : memref<1x32xf32, #tpu.memory_space<hbm>>) target(%dma_start3A_637 : memref<1x32xf32, #tpu.memory_space<vmem>>) target_semaphore(%arg12 : memref<!tpu.dma_semaphore, #tpu.memory_space<semaphore_mem>>)
      %slice3A_640 = vector.extract_strided_slice %get3A_509 {offsets = [11], sizes = [1], strides = [1]} : vector<16xi32> to vector<1xi32>
      %squeeze3A_641 = vector.extract %slice3A_640[0] : i32 from vector<1xi32>
      %add3A_642 = arith.constant 11 : i32
      %add3A_643 = arith.addi %mul3A_503, %add3A_642 : i32
      %dma_start3A_644 = arith.constant 0 : i32
      %dma_start3A_645 = tpu.memref_slice %arg9[%add3A_643, %dma_start3A_644] : memref<256x32xf32, #tpu.memory_space<vmem>> -> memref<1x32xf32, #tpu.memory_space<vmem>>
      %dma_start3A_646 = arith.constant 0 : i32
      %dma_start3A_647 = tpu.memref_slice %arg4[%squeeze3A_641, %dma_start3A_646] : memref<1000000x32xf32, #tpu.memory_space<hbm>> -> memref<1x32xf32, #tpu.memory_space<hbm>>
      %dma_start3A_648 = arith.constant 0 : i32
      %dma_start3A_649 = tpu.memref_slice %arg9[%add3A_643, %dma_start3A_648] : memref<256x32xf32, #tpu.memory_space<vmem>> -> memref<1x32xf32, #tpu.memory_space<vmem>>
      %dma_start3A_650 = arith.constant 0 : i32
      %dma_start3A_651 = tpu.memref_slice %arg4[%squeeze3A_641, %dma_start3A_650] : memref<1000000x32xf32, #tpu.memory_space<hbm>> -> memref<1x32xf32, #tpu.memory_space<hbm>>
      tpu.enqueue_dma source(%dma_start3A_651 : memref<1x32xf32, #tpu.memory_space<hbm>>) target(%dma_start3A_649 : memref<1x32xf32, #tpu.memory_space<vmem>>) target_semaphore(%arg12 : memref<!tpu.dma_semaphore, #tpu.memory_space<semaphore_mem>>)
      %slice3A_652 = vector.extract_strided_slice %get3A_509 {offsets = [12], sizes = [1], strides = [1]} : vector<16xi32> to vector<1xi32>
      %squeeze3A_653 = vector.extract %slice3A_652[0] : i32 from vector<1xi32>
      %add3A_654 = arith.constant 12 : i32
      %add3A_655 = arith.addi %mul3A_503, %add3A_654 : i32
      %dma_start3A_656 = arith.constant 0 : i32
      %dma_start3A_657 = tpu.memref_slice %arg9[%add3A_655, %dma_start3A_656] : memref<256x32xf32, #tpu.memory_space<vmem>> -> memref<1x32xf32, #tpu.memory_space<vmem>>
      %dma_start3A_658 = arith.constant 0 : i32
      %dma_start3A_659 = tpu.memref_slice %arg4[%squeeze3A_653, %dma_start3A_658] : memref<1000000x32xf32, #tpu.memory_space<hbm>> -> memref<1x32xf32, #tpu.memory_space<hbm>>
      %dma_start3A_660 = arith.constant 0 : i32
      %dma_start3A_661 = tpu.memref_slice %arg9[%add3A_655, %dma_start3A_660] : memref<256x32xf32, #tpu.memory_space<vmem>> -> memref<1x32xf32, #tpu.memory_space<vmem>>
      %dma_start3A_662 = arith.constant 0 : i32
      %dma_start3A_663 = tpu.memref_slice %arg4[%squeeze3A_653, %dma_start3A_662] : memref<1000000x32xf32, #tpu.memory_space<hbm>> -> memref<1x32xf32, #tpu.memory_space<hbm>>
      tpu.enqueue_dma source(%dma_start3A_663 : memref<1x32xf32, #tpu.memory_space<hbm>>) target(%dma_start3A_661 : memref<1x32xf32, #tpu.memory_space<vmem>>) target_semaphore(%arg12 : memref<!tpu.dma_semaphore, #tpu.memory_space<semaphore_mem>>)
      %slice3A_664 = vector.extract_strided_slice %get3A_509 {offsets = [13], sizes = [1], strides = [1]} : vector<16xi32> to vector<1xi32>
      %squeeze3A_665 = vector.extract %slice3A_664[0] : i32 from vector<1xi32>
      %add3A_666 = arith.constant 13 : i32
      %add3A_667 = arith.addi %mul3A_503, %add3A_666 : i32
      %dma_start3A_668 = arith.constant 0 : i32
      %dma_start3A_669 = tpu.memref_slice %arg9[%add3A_667, %dma_start3A_668] : memref<256x32xf32, #tpu.memory_space<vmem>> -> memref<1x32xf32, #tpu.memory_space<vmem>>
      %dma_start3A_670 = arith.constant 0 : i32
      %dma_start3A_671 = tpu.memref_slice %arg4[%squeeze3A_665, %dma_start3A_670] : memref<1000000x32xf32, #tpu.memory_space<hbm>> -> memref<1x32xf32, #tpu.memory_space<hbm>>
      %dma_start3A_672 = arith.constant 0 : i32
      %dma_start3A_673 = tpu.memref_slice %arg9[%add3A_667, %dma_start3A_672] : memref<256x32xf32, #tpu.memory_space<vmem>> -> memref<1x32xf32, #tpu.memory_space<vmem>>
      %dma_start3A_674 = arith.constant 0 : i32
      %dma_start3A_675 = tpu.memref_slice %arg4[%squeeze3A_665, %dma_start3A_674] : memref<1000000x32xf32, #tpu.memory_space<hbm>> -> memref<1x32xf32, #tpu.memory_space<hbm>>
      tpu.enqueue_dma source(%dma_start3A_675 : memref<1x32xf32, #tpu.memory_space<hbm>>) target(%dma_start3A_673 : memref<1x32xf32, #tpu.memory_space<vmem>>) target_semaphore(%arg12 : memref<!tpu.dma_semaphore, #tpu.memory_space<semaphore_mem>>)
      %slice3A_676 = vector.extract_strided_slice %get3A_509 {offsets = [14], sizes = [1], strides = [1]} : vector<16xi32> to vector<1xi32>
      %squeeze3A_677 = vector.extract %slice3A_676[0] : i32 from vector<1xi32>
      %add3A_678 = arith.constant 14 : i32
      %add3A_679 = arith.addi %mul3A_503, %add3A_678 : i32
      %dma_start3A_680 = arith.constant 0 : i32
      %dma_start3A_681 = tpu.memref_slice %arg9[%add3A_679, %dma_start3A_680] : memref<256x32xf32, #tpu.memory_space<vmem>> -> memref<1x32xf32, #tpu.memory_space<vmem>>
      %dma_start3A_682 = arith.constant 0 : i32
      %dma_start3A_683 = tpu.memref_slice %arg4[%squeeze3A_677, %dma_start3A_682] : memref<1000000x32xf32, #tpu.memory_space<hbm>> -> memref<1x32xf32, #tpu.memory_space<hbm>>
      %dma_start3A_684 = arith.constant 0 : i32
      %dma_start3A_685 = tpu.memref_slice %arg9[%add3A_679, %dma_start3A_684] : memref<256x32xf32, #tpu.memory_space<vmem>> -> memref<1x32xf32, #tpu.memory_space<vmem>>
      %dma_start3A_686 = arith.constant 0 : i32
      %dma_start3A_687 = tpu.memref_slice %arg4[%squeeze3A_677, %dma_start3A_686] : memref<1000000x32xf32, #tpu.memory_space<hbm>> -> memref<1x32xf32, #tpu.memory_space<hbm>>
      tpu.enqueue_dma source(%dma_start3A_687 : memref<1x32xf32, #tpu.memory_space<hbm>>) target(%dma_start3A_685 : memref<1x32xf32, #tpu.memory_space<vmem>>) target_semaphore(%arg12 : memref<!tpu.dma_semaphore, #tpu.memory_space<semaphore_mem>>)
      %slice3A_688 = vector.extract_strided_slice %get3A_509 {offsets = [15], sizes = [1], strides = [1]} : vector<16xi32> to vector<1xi32>
      %squeeze3A_689 = vector.extract %slice3A_688[0] : i32 from vector<1xi32>
      %add3A_690 = arith.constant 15 : i32
      %add3A_691 = arith.addi %mul3A_503, %add3A_690 : i32
      %dma_start3A_692 = arith.constant 0 : i32
      %dma_start3A_693 = tpu.memref_slice %arg9[%add3A_691, %dma_start3A_692] : memref<256x32xf32, #tpu.memory_space<vmem>> -> memref<1x32xf32, #tpu.memory_space<vmem>>
      %dma_start3A_694 = arith.constant 0 : i32
      %dma_start3A_695 = tpu.memref_slice %arg4[%squeeze3A_689, %dma_start3A_694] : memref<1000000x32xf32, #tpu.memory_space<hbm>> -> memref<1x32xf32, #tpu.memory_space<hbm>>
      %dma_start3A_696 = arith.constant 0 : i32
      %dma_start3A_697 = tpu.memref_slice %arg9[%add3A_691, %dma_start3A_696] : memref<256x32xf32, #tpu.memory_space<vmem>> -> memref<1x32xf32, #tpu.memory_space<vmem>>
      %dma_start3A_698 = arith.constant 0 : i32
      %dma_start3A_699 = tpu.memref_slice %arg4[%squeeze3A_689, %dma_start3A_698] : memref<1000000x32xf32, #tpu.memory_space<hbm>> -> memref<1x32xf32, #tpu.memory_space<hbm>>
      tpu.enqueue_dma source(%dma_start3A_699 : memref<1x32xf32, #tpu.memory_space<hbm>>) target(%dma_start3A_697 : memref<1x32xf32, #tpu.memory_space<vmem>>) target_semaphore(%arg12 : memref<!tpu.dma_semaphore, #tpu.memory_space<semaphore_mem>>)
    }
    %scan3A_468 = arith.constant 16 : i32
    %dma_wait3A_469 = arith.constant 0 : i32
    %dma_wait3A_470 = arith.constant 0 : i32
    %dma_wait3A_471 = tpu.memref_slice %arg4[%dma_wait3A_469, %dma_wait3A_470] : memref<1000000x32xf32, #tpu.memory_space<hbm>> -> memref<256x32xf32, #tpu.memory_space<hbm>>
    %dma_wait3A_472 = arith.constant 0 : i32
    %dma_wait3A_473 = arith.constant 0 : i32
    %dma_wait3A_474 = tpu.memref_slice %arg4[%dma_wait3A_472, %dma_wait3A_473] : memref<1000000x32xf32, #tpu.memory_space<hbm>> -> memref<256x32xf32, #tpu.memory_space<hbm>>
    tpu.wait_dma2 semaphore(%arg12 : memref<!tpu.dma_semaphore, #tpu.memory_space<semaphore_mem>>) src(%dma_wait3A_474 : memref<256x32xf32, #tpu.memory_space<hbm>>) dst(%arg9 : memref<256x32xf32, #tpu.memory_space<vmem>>)
    %dma_wait3A_475 = arith.constant 2 : i32
    %dma_wait3A_476 = arith.constant 0 : i32
    %dma_wait3A_477 = arith.constant 0 : i32
    %dma_wait3A_478 = tpu.memref_slice %arg10[%dma_wait3A_476, %dma_wait3A_477] : memref<256x128xf32, #tpu.memory_space<vmem>> -> memref<128x128xf32, #tpu.memory_space<vmem>>
    %dma_wait3A_479 = arith.constant 0 : i32
    %dma_wait3A_480 = tpu.memref_slice %arg8[%dma_wait3A_475, %dma_wait3A_479] : memref<4x128xi32, #tpu.memory_space<vmem>> -> memref<1x128xi32, #tpu.memory_space<vmem>>
    %dma_wait3A_481 = tpu.memref_squeeze %dma_wait3A_480 : memref<1x128xi32, #tpu.memory_space<vmem>> -> memref<128xi32, #tpu.memory_space<vmem>>
    %dma_wait3A_482 = arith.constant 0 : i32
    %dma_wait3A_483 = arith.constant 0 : i32
    %dma_wait3A_484 = tpu.memref_slice %arg5[%dma_wait3A_482, %dma_wait3A_483] : memref<250000x128xf32, #tpu.memory_space<hbm>> -> memref<250000x128xf32, #tpu.memory_space<hbm>>
    tpu.wait_indirect_dma semaphore(%arg12 : memref<!tpu.dma_semaphore, #tpu.memory_space<semaphore_mem>>) src(%dma_wait3A_484 : memref<250000x128xf32, #tpu.memory_space<hbm>>) dst(%dma_wait3A_478 : memref<128x128xf32, #tpu.memory_space<vmem>>)
    %dma_wait3A_485 = arith.constant 3 : i32
    %dma_wait3A_486 = arith.constant 128 : i32
    %dma_wait3A_487 = arith.constant 0 : i32
    %dma_wait3A_488 = tpu.memref_slice %arg10[%dma_wait3A_486, %dma_wait3A_487] : memref<256x128xf32, #tpu.memory_space<vmem>> -> memref<128x128xf32, #tpu.memory_space<vmem>>
    %dma_wait3A_489 = arith.constant 0 : i32
    %dma_wait3A_490 = tpu.memref_slice %arg8[%dma_wait3A_485, %dma_wait3A_489] : memref<4x128xi32, #tpu.memory_space<vmem>> -> memref<1x128xi32, #tpu.memory_space<vmem>>
    %dma_wait3A_491 = tpu.memref_squeeze %dma_wait3A_490 : memref<1x128xi32, #tpu.memory_space<vmem>> -> memref<128xi32, #tpu.memory_space<vmem>>
    %dma_wait3A_492 = arith.constant 0 : i32
    %dma_wait3A_493 = arith.constant 0 : i32
    %dma_wait3A_494 = tpu.memref_slice %arg5[%dma_wait3A_492, %dma_wait3A_493] : memref<250000x128xf32, #tpu.memory_space<hbm>> -> memref<250000x128xf32, #tpu.memory_space<hbm>>
    tpu.wait_indirect_dma semaphore(%arg12 : memref<!tpu.dma_semaphore, #tpu.memory_space<semaphore_mem>>) src(%dma_wait3A_494 : memref<250000x128xf32, #tpu.memory_space<hbm>>) dst(%dma_wait3A_488 : memref<128x128xf32, #tpu.memory_space<vmem>>)
    %scan3A_495 = arith.constant 0 : i32
    %scan3A_496 = arith.constant 0 : i32
    %scan3A_497 = arith.constant 16 : i32
    %scan3A_498 = arith.addi %scan3A_496, %scan3A_497 : i32
    %scan3A_499 = arith.constant 1 : i32
    scf.for %scan3A_501 = %scan3A_496 to %scan3A_498 step %scan3A_499  : i32 {
      %mul3A_502 = arith.constant 16 : i32
      %mul3A_503 = arith.muli %scan3A_501, %mul3A_502 : i32
      %add3A_504 = arith.constant 256 : i32
      %add3A_505 = arith.addi %add3A_504, %mul3A_503 : i32
      %mul3A_506 = arith.constant 16 : i32
      %mul3A_507 = arith.muli %scan3A_501, %mul3A_506 : i32
      %add3A_508 = vector.broadcast %mul3A_507 : i32 to vector<16xi32>
      %add3A_509 = arith.addi %add3A_508, %iota3A : vector<16xi32>
      %get3A_510 = arith.constant 1 : i32
      %get3A_511 = arith.index_cast %get3A_510 : i32 to index
      %get3A_512 = arith.index_cast %add3A_505 : i32 to index
      %get3A_513 = tpu.vector_load %arg7[%get3A_511, %get3A_512] {strides = array<i32>} : memref<2x512xi32, #tpu.memory_space<vmem>>, vector<16xi32>,
      %and3A = arith.constant 3 : i32
      %and3A_514 = vector.broadcast %and3A : i32 to vector<16xi32>
      %and3A_515 = arith.andi %get3A_513, %and3A_514 : vector<16xi32>
      %mul3A_516 = arith.constant 32 : i32
      %mul3A_517 = vector.broadcast %mul3A_516 : i32 to vector<16xi32>
      %mul3A_518 = arith.muli %and3A_515, %mul3A_517 : vector<16xi32>
      %broadcast_in_dim3A = arith.constant 0.000000e+00 : f32
      %broadcast_in_dim3A_519 = vector.broadcast %broadcast_in_dim3A : f32 to vector<16xf32>
      %broadcast_in_dim3A_520 = arith.constant 0 : i32
      %broadcast_in_dim3A_521 = vector.broadcast %broadcast_in_dim3A_520 : i32 to vector<16xi32>
      %gather3A = tpu.vector_load_idx %arg9[%add3A_509, %broadcast_in_dim3A_521] : memref<256x32xf32, #tpu.memory_space<vmem>>[vector<16xi32>, vector<16xi32>], vector<16xf32>,
      %add3A_522 = arith.constant 0 : i32
      %add3A_523 = vector.broadcast %add3A_522 : i32 to vector<16xi32>
      %add3A_524 = arith.addi %mul3A_518, %add3A_523 : vector<16xi32>
      %gather3A_525 = tpu.vector_load_idx %arg10[%add3A_509, %add3A_524] : memref<256x128xf32, #tpu.memory_space<vmem>>[vector<16xi32>, vector<16xi32>], vector<16xf32>,
      %mul3A_526 = arith.mulf %gather3A, %gather3A_525 : vector<16xf32>
      %add3A_527 = arith.addf %broadcast_in_dim3A_519, %mul3A_526 : vector<16xf32>
      %broadcast_in_dim3A_528 = arith.constant 1 : i32
      %broadcast_in_dim3A_529 = vector.broadcast %broadcast_in_dim3A_528 : i32 to vector<16xi32>
      %gather3A_530 = tpu.vector_load_idx %arg9[%add3A_509, %broadcast_in_dim3A_529] : memref<256x32xf32, #tpu.memory_space<vmem>>[vector<16xi32>, vector<16xi32>], vector<16xf32>,
      %add3A_531 = arith.constant 1 : i32
      %add3A_532 = vector.broadcast %add3A_531 : i32 to vector<16xi32>
      %add3A_533 = arith.addi %mul3A_518, %add3A_532 : vector<16xi32>
      %gather3A_534 = tpu.vector_load_idx %arg10[%add3A_509, %add3A_533] : memref<256x128xf32, #tpu.memory_space<vmem>>[vector<16xi32>, vector<16xi32>], vector<16xf32>,
      %mul3A_535 = arith.mulf %gather3A_530, %gather3A_534 : vector<16xf32>
      %add3A_536 = arith.addf %add3A_527, %mul3A_535 : vector<16xf32>
      %broadcast_in_dim3A_537 = arith.constant 2 : i32
      %broadcast_in_dim3A_538 = vector.broadcast %broadcast_in_dim3A_537 : i32 to vector<16xi32>
      %gather3A_539 = tpu.vector_load_idx %arg9[%add3A_509, %broadcast_in_dim3A_538] : memref<256x32xf32, #tpu.memory_space<vmem>>[vector<16xi32>, vector<16xi32>], vector<16xf32>,
      %add3A_540 = arith.constant 2 : i32
      %add3A_541 = vector.broadcast %add3A_540 : i32 to vector<16xi32>
      %add3A_542 = arith.addi %mul3A_518, %add3A_541 : vector<16xi32>
      %gather3A_543 = tpu.vector_load_idx %arg10[%add3A_509, %add3A_542] : memref<256x128xf32, #tpu.memory_space<vmem>>[vector<16xi32>, vector<16xi32>], vector<16xf32>,
      %mul3A_544 = arith.mulf %gather3A_539, %gather3A_543 : vector<16xf32>
      %add3A_545 = arith.addf %add3A_536, %mul3A_544 : vector<16xf32>
      %broadcast_in_dim3A_546 = arith.constant 3 : i32
      %broadcast_in_dim3A_547 = vector.broadcast %broadcast_in_dim3A_546 : i32 to vector<16xi32>
      %gather3A_548 = tpu.vector_load_idx %arg9[%add3A_509, %broadcast_in_dim3A_547] : memref<256x32xf32, #tpu.memory_space<vmem>>[vector<16xi32>, vector<16xi32>], vector<16xf32>,
      %add3A_549 = arith.constant 3 : i32
      %add3A_550 = vector.broadcast %add3A_549 : i32 to vector<16xi32>
      %add3A_551 = arith.addi %mul3A_518, %add3A_550 : vector<16xi32>
      %gather3A_552 = tpu.vector_load_idx %arg10[%add3A_509, %add3A_551] : memref<256x128xf32, #tpu.memory_space<vmem>>[vector<16xi32>, vector<16xi32>], vector<16xf32>,
      %mul3A_553 = arith.mulf %gather3A_548, %gather3A_552 : vector<16xf32>
      %add3A_554 = arith.addf %add3A_545, %mul3A_553 : vector<16xf32>
      %broadcast_in_dim3A_555 = arith.constant 4 : i32
      %broadcast_in_dim3A_556 = vector.broadcast %broadcast_in_dim3A_555 : i32 to vector<16xi32>
      %gather3A_557 = tpu.vector_load_idx %arg9[%add3A_509, %broadcast_in_dim3A_556] : memref<256x32xf32, #tpu.memory_space<vmem>>[vector<16xi32>, vector<16xi32>], vector<16xf32>,
      %add3A_558 = arith.constant 4 : i32
      %add3A_559 = vector.broadcast %add3A_558 : i32 to vector<16xi32>
      %add3A_560 = arith.addi %mul3A_518, %add3A_559 : vector<16xi32>
      %gather3A_561 = tpu.vector_load_idx %arg10[%add3A_509, %add3A_560] : memref<256x128xf32, #tpu.memory_space<vmem>>[vector<16xi32>, vector<16xi32>], vector<16xf32>,
      %mul3A_562 = arith.mulf %gather3A_557, %gather3A_561 : vector<16xf32>
      %add3A_563 = arith.addf %add3A_554, %mul3A_562 : vector<16xf32>
      %broadcast_in_dim3A_564 = arith.constant 5 : i32
      %broadcast_in_dim3A_565 = vector.broadcast %broadcast_in_dim3A_564 : i32 to vector<16xi32>
      %gather3A_566 = tpu.vector_load_idx %arg9[%add3A_509, %broadcast_in_dim3A_565] : memref<256x32xf32, #tpu.memory_space<vmem>>[vector<16xi32>, vector<16xi32>], vector<16xf32>,
      %add3A_567 = arith.constant 5 : i32
      %add3A_568 = vector.broadcast %add3A_567 : i32 to vector<16xi32>
      %add3A_569 = arith.addi %mul3A_518, %add3A_568 : vector<16xi32>
      %gather3A_570 = tpu.vector_load_idx %arg10[%add3A_509, %add3A_569] : memref<256x128xf32, #tpu.memory_space<vmem>>[vector<16xi32>, vector<16xi32>], vector<16xf32>,
      %mul3A_571 = arith.mulf %gather3A_566, %gather3A_570 : vector<16xf32>
      %add3A_572 = arith.addf %add3A_563, %mul3A_571 : vector<16xf32>
      %broadcast_in_dim3A_573 = arith.constant 6 : i32
      %broadcast_in_dim3A_574 = vector.broadcast %broadcast_in_dim3A_573 : i32 to vector<16xi32>
      %gather3A_575 = tpu.vector_load_idx %arg9[%add3A_509, %broadcast_in_dim3A_574] : memref<256x32xf32, #tpu.memory_space<vmem>>[vector<16xi32>, vector<16xi32>], vector<16xf32>,
      %add3A_576 = arith.constant 6 : i32
      %add3A_577 = vector.broadcast %add3A_576 : i32 to vector<16xi32>
      %add3A_578 = arith.addi %mul3A_518, %add3A_577 : vector<16xi32>
      %gather3A_579 = tpu.vector_load_idx %arg10[%add3A_509, %add3A_578] : memref<256x128xf32, #tpu.memory_space<vmem>>[vector<16xi32>, vector<16xi32>], vector<16xf32>,
      %mul3A_580 = arith.mulf %gather3A_575, %gather3A_579 : vector<16xf32>
      %add3A_581 = arith.addf %add3A_572, %mul3A_580 : vector<16xf32>
      %broadcast_in_dim3A_582 = arith.constant 7 : i32
      %broadcast_in_dim3A_583 = vector.broadcast %broadcast_in_dim3A_582 : i32 to vector<16xi32>
      %gather3A_584 = tpu.vector_load_idx %arg9[%add3A_509, %broadcast_in_dim3A_583] : memref<256x32xf32, #tpu.memory_space<vmem>>[vector<16xi32>, vector<16xi32>], vector<16xf32>,
      %add3A_585 = arith.constant 7 : i32
      %add3A_586 = vector.broadcast %add3A_585 : i32 to vector<16xi32>
      %add3A_587 = arith.addi %mul3A_518, %add3A_586 : vector<16xi32>
      %gather3A_588 = tpu.vector_load_idx %arg10[%add3A_509, %add3A_587] : memref<256x128xf32, #tpu.memory_space<vmem>>[vector<16xi32>, vector<16xi32>], vector<16xf32>,
      %mul3A_589 = arith.mulf %gather3A_584, %gather3A_588 : vector<16xf32>
      %add3A_590 = arith.addf %add3A_581, %mul3A_589 : vector<16xf32>
      %broadcast_in_dim3A_591 = arith.constant 8 : i32
      %broadcast_in_dim3A_592 = vector.broadcast %broadcast_in_dim3A_591 : i32 to vector<16xi32>
      %gather3A_593 = tpu.vector_load_idx %arg9[%add3A_509, %broadcast_in_dim3A_592] : memref<256x32xf32, #tpu.memory_space<vmem>>[vector<16xi32>, vector<16xi32>], vector<16xf32>,
      %add3A_594 = arith.constant 8 : i32
      %add3A_595 = vector.broadcast %add3A_594 : i32 to vector<16xi32>
      %add3A_596 = arith.addi %mul3A_518, %add3A_595 : vector<16xi32>
      %gather3A_597 = tpu.vector_load_idx %arg10[%add3A_509, %add3A_596] : memref<256x128xf32, #tpu.memory_space<vmem>>[vector<16xi32>, vector<16xi32>], vector<16xf32>,
      %mul3A_598 = arith.mulf %gather3A_593, %gather3A_597 : vector<16xf32>
      %add3A_599 = arith.addf %add3A_590, %mul3A_598 : vector<16xf32>
      %broadcast_in_dim3A_600 = arith.constant 9 : i32
      %broadcast_in_dim3A_601 = vector.broadcast %broadcast_in_dim3A_600 : i32 to vector<16xi32>
      %gather3A_602 = tpu.vector_load_idx %arg9[%add3A_509, %broadcast_in_dim3A_601] : memref<256x32xf32, #tpu.memory_space<vmem>>[vector<16xi32>, vector<16xi32>], vector<16xf32>,
      %add3A_603 = arith.constant 9 : i32
      %add3A_604 = vector.broadcast %add3A_603 : i32 to vector<16xi32>
      %add3A_605 = arith.addi %mul3A_518, %add3A_604 : vector<16xi32>
      %gather3A_606 = tpu.vector_load_idx %arg10[%add3A_509, %add3A_605] : memref<256x128xf32, #tpu.memory_space<vmem>>[vector<16xi32>, vector<16xi32>], vector<16xf32>,
      %mul3A_607 = arith.mulf %gather3A_602, %gather3A_606 : vector<16xf32>
      %add3A_608 = arith.addf %add3A_599, %mul3A_607 : vector<16xf32>
      %broadcast_in_dim3A_609 = arith.constant 10 : i32
      %broadcast_in_dim3A_610 = vector.broadcast %broadcast_in_dim3A_609 : i32 to vector<16xi32>
      %gather3A_611 = tpu.vector_load_idx %arg9[%add3A_509, %broadcast_in_dim3A_610] : memref<256x32xf32, #tpu.memory_space<vmem>>[vector<16xi32>, vector<16xi32>], vector<16xf32>,
      %add3A_612 = arith.constant 10 : i32
      %add3A_613 = vector.broadcast %add3A_612 : i32 to vector<16xi32>
      %add3A_614 = arith.addi %mul3A_518, %add3A_613 : vector<16xi32>
      %gather3A_615 = tpu.vector_load_idx %arg10[%add3A_509, %add3A_614] : memref<256x128xf32, #tpu.memory_space<vmem>>[vector<16xi32>, vector<16xi32>], vector<16xf32>,
      %mul3A_616 = arith.mulf %gather3A_611, %gather3A_615 : vector<16xf32>
      %add3A_617 = arith.addf %add3A_608, %mul3A_616 : vector<16xf32>
      %broadcast_in_dim3A_618 = arith.constant 11 : i32
      %broadcast_in_dim3A_619 = vector.broadcast %broadcast_in_dim3A_618 : i32 to vector<16xi32>
      %gather3A_620 = tpu.vector_load_idx %arg9[%add3A_509, %broadcast_in_dim3A_619] : memref<256x32xf32, #tpu.memory_space<vmem>>[vector<16xi32>, vector<16xi32>], vector<16xf32>,
      %add3A_621 = arith.constant 11 : i32
      %add3A_622 = vector.broadcast %add3A_621 : i32 to vector<16xi32>
      %add3A_623 = arith.addi %mul3A_518, %add3A_622 : vector<16xi32>
      %gather3A_624 = tpu.vector_load_idx %arg10[%add3A_509, %add3A_623] : memref<256x128xf32, #tpu.memory_space<vmem>>[vector<16xi32>, vector<16xi32>], vector<16xf32>,
      %mul3A_625 = arith.mulf %gather3A_620, %gather3A_624 : vector<16xf32>
      %add3A_626 = arith.addf %add3A_617, %mul3A_625 : vector<16xf32>
      %broadcast_in_dim3A_627 = arith.constant 12 : i32
      %broadcast_in_dim3A_628 = vector.broadcast %broadcast_in_dim3A_627 : i32 to vector<16xi32>
      %gather3A_629 = tpu.vector_load_idx %arg9[%add3A_509, %broadcast_in_dim3A_628] : memref<256x32xf32, #tpu.memory_space<vmem>>[vector<16xi32>, vector<16xi32>], vector<16xf32>,
      %add3A_630 = arith.constant 12 : i32
      %add3A_631 = vector.broadcast %add3A_630 : i32 to vector<16xi32>
      %add3A_632 = arith.addi %mul3A_518, %add3A_631 : vector<16xi32>
      %gather3A_633 = tpu.vector_load_idx %arg10[%add3A_509, %add3A_632] : memref<256x128xf32, #tpu.memory_space<vmem>>[vector<16xi32>, vector<16xi32>], vector<16xf32>,
      %mul3A_634 = arith.mulf %gather3A_629, %gather3A_633 : vector<16xf32>
      %add3A_635 = arith.addf %add3A_626, %mul3A_634 : vector<16xf32>
      %broadcast_in_dim3A_636 = arith.constant 13 : i32
      %broadcast_in_dim3A_637 = vector.broadcast %broadcast_in_dim3A_636 : i32 to vector<16xi32>
      %gather3A_638 = tpu.vector_load_idx %arg9[%add3A_509, %broadcast_in_dim3A_637] : memref<256x32xf32, #tpu.memory_space<vmem>>[vector<16xi32>, vector<16xi32>], vector<16xf32>,
      %add3A_639 = arith.constant 13 : i32
      %add3A_640 = vector.broadcast %add3A_639 : i32 to vector<16xi32>
      %add3A_641 = arith.addi %mul3A_518, %add3A_640 : vector<16xi32>
      %gather3A_642 = tpu.vector_load_idx %arg10[%add3A_509, %add3A_641] : memref<256x128xf32, #tpu.memory_space<vmem>>[vector<16xi32>, vector<16xi32>], vector<16xf32>,
      %mul3A_643 = arith.mulf %gather3A_638, %gather3A_642 : vector<16xf32>
      %add3A_644 = arith.addf %add3A_635, %mul3A_643 : vector<16xf32>
      %broadcast_in_dim3A_645 = arith.constant 14 : i32
      %broadcast_in_dim3A_646 = vector.broadcast %broadcast_in_dim3A_645 : i32 to vector<16xi32>
      %gather3A_647 = tpu.vector_load_idx %arg9[%add3A_509, %broadcast_in_dim3A_646] : memref<256x32xf32, #tpu.memory_space<vmem>>[vector<16xi32>, vector<16xi32>], vector<16xf32>,
      %add3A_648 = arith.constant 14 : i32
      %add3A_649 = vector.broadcast %add3A_648 : i32 to vector<16xi32>
      %add3A_650 = arith.addi %mul3A_518, %add3A_649 : vector<16xi32>
      %gather3A_651 = tpu.vector_load_idx %arg10[%add3A_509, %add3A_650] : memref<256x128xf32, #tpu.memory_space<vmem>>[vector<16xi32>, vector<16xi32>], vector<16xf32>,
      %mul3A_652 = arith.mulf %gather3A_647, %gather3A_651 : vector<16xf32>
      %add3A_653 = arith.addf %add3A_644, %mul3A_652 : vector<16xf32>
      %broadcast_in_dim3A_654 = arith.constant 15 : i32
      %broadcast_in_dim3A_655 = vector.broadcast %broadcast_in_dim3A_654 : i32 to vector<16xi32>
      %gather3A_656 = tpu.vector_load_idx %arg9[%add3A_509, %broadcast_in_dim3A_655] : memref<256x32xf32, #tpu.memory_space<vmem>>[vector<16xi32>, vector<16xi32>], vector<16xf32>,
      %add3A_657 = arith.constant 15 : i32
      %add3A_658 = vector.broadcast %add3A_657 : i32 to vector<16xi32>
      %add3A_659 = arith.addi %mul3A_518, %add3A_658 : vector<16xi32>
      %gather3A_660 = tpu.vector_load_idx %arg10[%add3A_509, %add3A_659] : memref<256x128xf32, #tpu.memory_space<vmem>>[vector<16xi32>, vector<16xi32>], vector<16xf32>,
      %mul3A_661 = arith.mulf %gather3A_656, %gather3A_660 : vector<16xf32>
      %add3A_662 = arith.addf %add3A_653, %mul3A_661 : vector<16xf32>
      %broadcast_in_dim3A_663 = arith.constant 16 : i32
      %broadcast_in_dim3A_664 = vector.broadcast %broadcast_in_dim3A_663 : i32 to vector<16xi32>
      %gather3A_665 = tpu.vector_load_idx %arg9[%add3A_509, %broadcast_in_dim3A_664] : memref<256x32xf32, #tpu.memory_space<vmem>>[vector<16xi32>, vector<16xi32>], vector<16xf32>,
      %add3A_666 = arith.constant 16 : i32
      %add3A_667 = vector.broadcast %add3A_666 : i32 to vector<16xi32>
      %add3A_668 = arith.addi %mul3A_518, %add3A_667 : vector<16xi32>
      %gather3A_669 = tpu.vector_load_idx %arg10[%add3A_509, %add3A_668] : memref<256x128xf32, #tpu.memory_space<vmem>>[vector<16xi32>, vector<16xi32>], vector<16xf32>,
      %mul3A_670 = arith.mulf %gather3A_665, %gather3A_669 : vector<16xf32>
      %add3A_671 = arith.addf %add3A_662, %mul3A_670 : vector<16xf32>
      %broadcast_in_dim3A_672 = arith.constant 17 : i32
      %broadcast_in_dim3A_673 = vector.broadcast %broadcast_in_dim3A_672 : i32 to vector<16xi32>
      %gather3A_674 = tpu.vector_load_idx %arg9[%add3A_509, %broadcast_in_dim3A_673] : memref<256x32xf32, #tpu.memory_space<vmem>>[vector<16xi32>, vector<16xi32>], vector<16xf32>,
      %add3A_675 = arith.constant 17 : i32
      %add3A_676 = vector.broadcast %add3A_675 : i32 to vector<16xi32>
      %add3A_677 = arith.addi %mul3A_518, %add3A_676 : vector<16xi32>
      %gather3A_678 = tpu.vector_load_idx %arg10[%add3A_509, %add3A_677] : memref<256x128xf32, #tpu.memory_space<vmem>>[vector<16xi32>, vector<16xi32>], vector<16xf32>,
      %mul3A_679 = arith.mulf %gather3A_674, %gather3A_678 : vector<16xf32>
      %add3A_680 = arith.addf %add3A_671, %mul3A_679 : vector<16xf32>
      %broadcast_in_dim3A_681 = arith.constant 18 : i32
      %broadcast_in_dim3A_682 = vector.broadcast %broadcast_in_dim3A_681 : i32 to vector<16xi32>
      %gather3A_683 = tpu.vector_load_idx %arg9[%add3A_509, %broadcast_in_dim3A_682] : memref<256x32xf32, #tpu.memory_space<vmem>>[vector<16xi32>, vector<16xi32>], vector<16xf32>,
      %add3A_684 = arith.constant 18 : i32
      %add3A_685 = vector.broadcast %add3A_684 : i32 to vector<16xi32>
      %add3A_686 = arith.addi %mul3A_518, %add3A_685 : vector<16xi32>
      %gather3A_687 = tpu.vector_load_idx %arg10[%add3A_509, %add3A_686] : memref<256x128xf32, #tpu.memory_space<vmem>>[vector<16xi32>, vector<16xi32>], vector<16xf32>,
      %mul3A_688 = arith.mulf %gather3A_683, %gather3A_687 : vector<16xf32>
      %add3A_689 = arith.addf %add3A_680, %mul3A_688 : vector<16xf32>
      %broadcast_in_dim3A_690 = arith.constant 19 : i32
      %broadcast_in_dim3A_691 = vector.broadcast %broadcast_in_dim3A_690 : i32 to vector<16xi32>
      %gather3A_692 = tpu.vector_load_idx %arg9[%add3A_509, %broadcast_in_dim3A_691] : memref<256x32xf32, #tpu.memory_space<vmem>>[vector<16xi32>, vector<16xi32>], vector<16xf32>,
      %add3A_693 = arith.constant 19 : i32
      %add3A_694 = vector.broadcast %add3A_693 : i32 to vector<16xi32>
      %add3A_695 = arith.addi %mul3A_518, %add3A_694 : vector<16xi32>
      %gather3A_696 = tpu.vector_load_idx %arg10[%add3A_509, %add3A_695] : memref<256x128xf32, #tpu.memory_space<vmem>>[vector<16xi32>, vector<16xi32>], vector<16xf32>,
      %mul3A_697 = arith.mulf %gather3A_692, %gather3A_696 : vector<16xf32>
      %add3A_698 = arith.addf %add3A_689, %mul3A_697 : vector<16xf32>
      %broadcast_in_dim3A_699 = arith.constant 20 : i32
      %broadcast_in_dim3A_700 = vector.broadcast %broadcast_in_dim3A_699 : i32 to vector<16xi32>
      %gather3A_701 = tpu.vector_load_idx %arg9[%add3A_509, %broadcast_in_dim3A_700] : memref<256x32xf32, #tpu.memory_space<vmem>>[vector<16xi32>, vector<16xi32>], vector<16xf32>,
      %add3A_702 = arith.constant 20 : i32
      %add3A_703 = vector.broadcast %add3A_702 : i32 to vector<16xi32>
      %add3A_704 = arith.addi %mul3A_518, %add3A_703 : vector<16xi32>
      %gather3A_705 = tpu.vector_load_idx %arg10[%add3A_509, %add3A_704] : memref<256x128xf32, #tpu.memory_space<vmem>>[vector<16xi32>, vector<16xi32>], vector<16xf32>,
      %mul3A_706 = arith.mulf %gather3A_701, %gather3A_705 : vector<16xf32>
      %add3A_707 = arith.addf %add3A_698, %mul3A_706 : vector<16xf32>
      %broadcast_in_dim3A_708 = arith.constant 21 : i32
      %broadcast_in_dim3A_709 = vector.broadcast %broadcast_in_dim3A_708 : i32 to vector<16xi32>
      %gather3A_710 = tpu.vector_load_idx %arg9[%add3A_509, %broadcast_in_dim3A_709] : memref<256x32xf32, #tpu.memory_space<vmem>>[vector<16xi32>, vector<16xi32>], vector<16xf32>,
      %add3A_711 = arith.constant 21 : i32
      %add3A_712 = vector.broadcast %add3A_711 : i32 to vector<16xi32>
      %add3A_713 = arith.addi %mul3A_518, %add3A_712 : vector<16xi32>
      %gather3A_714 = tpu.vector_load_idx %arg10[%add3A_509, %add3A_713] : memref<256x128xf32, #tpu.memory_space<vmem>>[vector<16xi32>, vector<16xi32>], vector<16xf32>,
      %mul3A_715 = arith.mulf %gather3A_710, %gather3A_714 : vector<16xf32>
      %add3A_716 = arith.addf %add3A_707, %mul3A_715 : vector<16xf32>
      %broadcast_in_dim3A_717 = arith.constant 22 : i32
      %broadcast_in_dim3A_718 = vector.broadcast %broadcast_in_dim3A_717 : i32 to vector<16xi32>
      %gather3A_719 = tpu.vector_load_idx %arg9[%add3A_509, %broadcast_in_dim3A_718] : memref<256x32xf32, #tpu.memory_space<vmem>>[vector<16xi32>, vector<16xi32>], vector<16xf32>,
      %add3A_720 = arith.constant 22 : i32
      %add3A_721 = vector.broadcast %add3A_720 : i32 to vector<16xi32>
      %add3A_722 = arith.addi %mul3A_518, %add3A_721 : vector<16xi32>
      %gather3A_723 = tpu.vector_load_idx %arg10[%add3A_509, %add3A_722] : memref<256x128xf32, #tpu.memory_space<vmem>>[vector<16xi32>, vector<16xi32>], vector<16xf32>,
      %mul3A_724 = arith.mulf %gather3A_719, %gather3A_723 : vector<16xf32>
      %add3A_725 = arith.addf %add3A_716, %mul3A_724 : vector<16xf32>
      %broadcast_in_dim3A_726 = arith.constant 23 : i32
      %broadcast_in_dim3A_727 = vector.broadcast %broadcast_in_dim3A_726 : i32 to vector<16xi32>
      %gather3A_728 = tpu.vector_load_idx %arg9[%add3A_509, %broadcast_in_dim3A_727] : memref<256x32xf32, #tpu.memory_space<vmem>>[vector<16xi32>, vector<16xi32>], vector<16xf32>,
      %add3A_729 = arith.constant 23 : i32
      %add3A_730 = vector.broadcast %add3A_729 : i32 to vector<16xi32>
      %add3A_731 = arith.addi %mul3A_518, %add3A_730 : vector<16xi32>
      %gather3A_732 = tpu.vector_load_idx %arg10[%add3A_509, %add3A_731] : memref<256x128xf32, #tpu.memory_space<vmem>>[vector<16xi32>, vector<16xi32>], vector<16xf32>,
      %mul3A_733 = arith.mulf %gather3A_728, %gather3A_732 : vector<16xf32>
      %add3A_734 = arith.addf %add3A_725, %mul3A_733 : vector<16xf32>
      %broadcast_in_dim3A_735 = arith.constant 24 : i32
      %broadcast_in_dim3A_736 = vector.broadcast %broadcast_in_dim3A_735 : i32 to vector<16xi32>
      %gather3A_737 = tpu.vector_load_idx %arg9[%add3A_509, %broadcast_in_dim3A_736] : memref<256x32xf32, #tpu.memory_space<vmem>>[vector<16xi32>, vector<16xi32>], vector<16xf32>,
      %add3A_738 = arith.constant 24 : i32
      %add3A_739 = vector.broadcast %add3A_738 : i32 to vector<16xi32>
      %add3A_740 = arith.addi %mul3A_518, %add3A_739 : vector<16xi32>
      %gather3A_741 = tpu.vector_load_idx %arg10[%add3A_509, %add3A_740] : memref<256x128xf32, #tpu.memory_space<vmem>>[vector<16xi32>, vector<16xi32>], vector<16xf32>,
      %mul3A_742 = arith.mulf %gather3A_737, %gather3A_741 : vector<16xf32>
      %add3A_743 = arith.addf %add3A_734, %mul3A_742 : vector<16xf32>
      %broadcast_in_dim3A_744 = arith.constant 25 : i32
      %broadcast_in_dim3A_745 = vector.broadcast %broadcast_in_dim3A_744 : i32 to vector<16xi32>
      %gather3A_746 = tpu.vector_load_idx %arg9[%add3A_509, %broadcast_in_dim3A_745] : memref<256x32xf32, #tpu.memory_space<vmem>>[vector<16xi32>, vector<16xi32>], vector<16xf32>,
      %add3A_747 = arith.constant 25 : i32
      %add3A_748 = vector.broadcast %add3A_747 : i32 to vector<16xi32>
      %add3A_749 = arith.addi %mul3A_518, %add3A_748 : vector<16xi32>
      %gather3A_750 = tpu.vector_load_idx %arg10[%add3A_509, %add3A_749] : memref<256x128xf32, #tpu.memory_space<vmem>>[vector<16xi32>, vector<16xi32>], vector<16xf32>,
      %mul3A_751 = arith.mulf %gather3A_746, %gather3A_750 : vector<16xf32>
      %add3A_752 = arith.addf %add3A_743, %mul3A_751 : vector<16xf32>
      %broadcast_in_dim3A_753 = arith.constant 26 : i32
      %broadcast_in_dim3A_754 = vector.broadcast %broadcast_in_dim3A_753 : i32 to vector<16xi32>
      %gather3A_755 = tpu.vector_load_idx %arg9[%add3A_509, %broadcast_in_dim3A_754] : memref<256x32xf32, #tpu.memory_space<vmem>>[vector<16xi32>, vector<16xi32>], vector<16xf32>,
      %add3A_756 = arith.constant 26 : i32
      %add3A_757 = vector.broadcast %add3A_756 : i32 to vector<16xi32>
      %add3A_758 = arith.addi %mul3A_518, %add3A_757 : vector<16xi32>
      %gather3A_759 = tpu.vector_load_idx %arg10[%add3A_509, %add3A_758] : memref<256x128xf32, #tpu.memory_space<vmem>>[vector<16xi32>, vector<16xi32>], vector<16xf32>,
      %mul3A_760 = arith.mulf %gather3A_755, %gather3A_759 : vector<16xf32>
      %add3A_761 = arith.addf %add3A_752, %mul3A_760 : vector<16xf32>
      %broadcast_in_dim3A_762 = arith.constant 27 : i32
      %broadcast_in_dim3A_763 = vector.broadcast %broadcast_in_dim3A_762 : i32 to vector<16xi32>
      %gather3A_764 = tpu.vector_load_idx %arg9[%add3A_509, %broadcast_in_dim3A_763] : memref<256x32xf32, #tpu.memory_space<vmem>>[vector<16xi32>, vector<16xi32>], vector<16xf32>,
      %add3A_765 = arith.constant 27 : i32
      %add3A_766 = vector.broadcast %add3A_765 : i32 to vector<16xi32>
      %add3A_767 = arith.addi %mul3A_518, %add3A_766 : vector<16xi32>
      %gather3A_768 = tpu.vector_load_idx %arg10[%add3A_509, %add3A_767] : memref<256x128xf32, #tpu.memory_space<vmem>>[vector<16xi32>, vector<16xi32>], vector<16xf32>,
      %mul3A_769 = arith.mulf %gather3A_764, %gather3A_768 : vector<16xf32>
      %add3A_770 = arith.addf %add3A_761, %mul3A_769 : vector<16xf32>
      %broadcast_in_dim3A_771 = arith.constant 28 : i32
      %broadcast_in_dim3A_772 = vector.broadcast %broadcast_in_dim3A_771 : i32 to vector<16xi32>
      %gather3A_773 = tpu.vector_load_idx %arg9[%add3A_509, %broadcast_in_dim3A_772] : memref<256x32xf32, #tpu.memory_space<vmem>>[vector<16xi32>, vector<16xi32>], vector<16xf32>,
      %add3A_774 = arith.constant 28 : i32
      %add3A_775 = vector.broadcast %add3A_774 : i32 to vector<16xi32>
      %add3A_776 = arith.addi %mul3A_518, %add3A_775 : vector<16xi32>
      %gather3A_777 = tpu.vector_load_idx %arg10[%add3A_509, %add3A_776] : memref<256x128xf32, #tpu.memory_space<vmem>>[vector<16xi32>, vector<16xi32>], vector<16xf32>,
      %mul3A_778 = arith.mulf %gather3A_773, %gather3A_777 : vector<16xf32>
      %add3A_779 = arith.addf %add3A_770, %mul3A_778 : vector<16xf32>
      %broadcast_in_dim3A_780 = arith.constant 29 : i32
      %broadcast_in_dim3A_781 = vector.broadcast %broadcast_in_dim3A_780 : i32 to vector<16xi32>
      %gather3A_782 = tpu.vector_load_idx %arg9[%add3A_509, %broadcast_in_dim3A_781] : memref<256x32xf32, #tpu.memory_space<vmem>>[vector<16xi32>, vector<16xi32>], vector<16xf32>,
      %add3A_783 = arith.constant 29 : i32
      %add3A_784 = vector.broadcast %add3A_783 : i32 to vector<16xi32>
      %add3A_785 = arith.addi %mul3A_518, %add3A_784 : vector<16xi32>
      %gather3A_786 = tpu.vector_load_idx %arg10[%add3A_509, %add3A_785] : memref<256x128xf32, #tpu.memory_space<vmem>>[vector<16xi32>, vector<16xi32>], vector<16xf32>,
      %mul3A_787 = arith.mulf %gather3A_782, %gather3A_786 : vector<16xf32>
      %add3A_788 = arith.addf %add3A_779, %mul3A_787 : vector<16xf32>
      %broadcast_in_dim3A_789 = arith.constant 30 : i32
      %broadcast_in_dim3A_790 = vector.broadcast %broadcast_in_dim3A_789 : i32 to vector<16xi32>
      %gather3A_791 = tpu.vector_load_idx %arg9[%add3A_509, %broadcast_in_dim3A_790] : memref<256x32xf32, #tpu.memory_space<vmem>>[vector<16xi32>, vector<16xi32>], vector<16xf32>,
      %add3A_792 = arith.constant 30 : i32
      %add3A_793 = vector.broadcast %add3A_792 : i32 to vector<16xi32>
      %add3A_794 = arith.addi %mul3A_518, %add3A_793 : vector<16xi32>
      %gather3A_795 = tpu.vector_load_idx %arg10[%add3A_509, %add3A_794] : memref<256x128xf32, #tpu.memory_space<vmem>>[vector<16xi32>, vector<16xi32>], vector<16xf32>,
      %mul3A_796 = arith.mulf %gather3A_791, %gather3A_795 : vector<16xf32>
      %add3A_797 = arith.addf %add3A_788, %mul3A_796 : vector<16xf32>
      %broadcast_in_dim3A_798 = arith.constant 31 : i32
      %broadcast_in_dim3A_799 = vector.broadcast %broadcast_in_dim3A_798 : i32 to vector<16xi32>
      %gather3A_800 = tpu.vector_load_idx %arg9[%add3A_509, %broadcast_in_dim3A_799] : memref<256x32xf32, #tpu.memory_space<vmem>>[vector<16xi32>, vector<16xi32>], vector<16xf32>,
      %add3A_801 = arith.constant 31 : i32
      %add3A_802 = vector.broadcast %add3A_801 : i32 to vector<16xi32>
      %add3A_803 = arith.addi %mul3A_518, %add3A_802 : vector<16xi32>
      %gather3A_804 = tpu.vector_load_idx %arg10[%add3A_509, %add3A_803] : memref<256x128xf32, #tpu.memory_space<vmem>>[vector<16xi32>, vector<16xi32>], vector<16xf32>,
      %mul3A_805 = arith.mulf %gather3A_800, %gather3A_804 : vector<16xf32>
      %add3A_806 = arith.addf %add3A_797, %mul3A_805 : vector<16xf32>
      %add3A_807 = vector.broadcast %add3A_505 : i32 to vector<16xi32>
      %add3A_808 = arith.addi %add3A_807, %iota3A : vector<16xi32>
      tpu.vector_store_idx %arg11[%add3A_808], %add3A_806 : memref<512xf32, #tpu.memory_space<vmem>>[vector<16xi32>], vector<16xf32>,
    }
    %scan3A_500 = arith.constant 16 : i32
    "tpu.region"() ({
      %run_scoped3A = tpu.sem_alloc : memref<!tpu.dma_semaphore, #tpu.memory_space<semaphore_mem>>
      %dma_start3A_501 = tpu.memref_slice %arg6[%mul3A_2] : memref<16384xf32, #tpu.memory_space<hbm>> -> memref<512xf32, #tpu.memory_space<hbm>>
      %dma_start3A_502 = tpu.memref_slice %arg6[%mul3A_2] : memref<16384xf32, #tpu.memory_space<hbm>> -> memref<512xf32, #tpu.memory_space<hbm>>
      tpu.enqueue_dma source(%arg11 : memref<512xf32, #tpu.memory_space<vmem>>) target(%dma_start3A_502 : memref<512xf32, #tpu.memory_space<hbm>>) target_semaphore(%run_scoped3A : memref<!tpu.dma_semaphore, #tpu.memory_space<semaphore_mem>>)
      %dma_wait3A_503 = tpu.memref_slice %arg6[%mul3A_2] : memref<16384xf32, #tpu.memory_space<hbm>> -> memref<512xf32, #tpu.memory_space<hbm>>
      %dma_wait3A_504 = tpu.memref_slice %arg6[%mul3A_2] : memref<16384xf32, #tpu.memory_space<hbm>> -> memref<512xf32, #tpu.memory_space<hbm>>
      tpu.wait_dma2 semaphore(%run_scoped3A : memref<!tpu.dma_semaphore, #tpu.memory_space<semaphore_mem>>) src(%arg11 : memref<512xf32, #tpu.memory_space<vmem>>) dst(%dma_wait3A_504 : memref<512xf32, #tpu.memory_space<hbm>>)
      tpu.yield
    }) : () -> ()
    return
  }
}

</mosaic_0001>

<sc_bundles>
// kernel: _mf_scores.3.cloned.1.call-start
scs
__scs_entry_jumppad:
0x0: {  	(pc) =	sbr.rel $0x88, $3  }
0x1: {  	(tag) =	ssettag $0x0;
	lr =	simm.s32 $0x1  }
0x2: {  	[smem:$0x3F9D] =	sst lr;
	_ =	strace $0xD0000000  }
0x3: {  	_ = 	snop  }
0x4: {  	_ = 	snop  }
0x5: {  	_ = 	snop  }
0x6: {  	_ = 	snop  }
0x7: {  	_ = 	snop  }
__scs_overlays_trampoline_lowered:
0x8: {  	[smem:$0x3FAC] =	sst s0  }
0x9: {  	[smem:$0x3FAD] =	sst s1  }
0xa: {  	[smem:$0x3FAE] =	sst s2  }
0xb: {  	[smem:$0x3FAF] =	sst s3  }
0xc: {  	[smem:$0x3FB0] =	sst s4  }
0xd: {  	[smem:$0x3FB1] =	sst s5  }
0xe: {  	[smem:$0x3FB2] =	sst s6  }
0xf: {  	[smem:$0x3FB3] =	sst s7  }
0x10: {  	[smem:$0x3FB4] =	sst s8  }
0x11: {  	[smem:$0x3FB5] =	sst s9;
	s0 =	simm.s32 @!p0 $0x0  }
0x12: {  	s1 =	sld [smem:$0x3F9B];
	s0 =	simm.s32 @p0 $0x1  }
0x13: {  	[smem:$0x3FB6] =	sst s0;
	s0 =	simm.s32 @!p1 $0x0  }
0x14: {  	s2 =	sld [smem:$0x3F9A];
	s0 =	simm.s32 @p1 $0x1  }
0x15: {  	[smem:$0x3FB7] =	sst s0;
	s0 =	simm.s32 @!p2 $0x0  }
0x16: {  	s3 =	sld [smem:$0x3FDB];
	s0 =	simm.s32 @p2 $0x1  }
0x17: {  	s4 =	simm.s32 $0x1BF5;
	[smem:$0x3FB9] =	sst s0  }
0x18: {  	s0 =	sld [smem:$0x3F9C];
	_ =	swait.ge [sflag:s4], $0x0  }
0x19: {  	s7 =	sld [smem:$0x3F9D]  }
0x1a: {  	s8 =	sadd.s32 $0xFFFFE003, lr  }
0x1b: {  	s9 =	sadd.s32 $0xFFFFFEF7, lr;
	s5 =	simm.s32 $0xFFFFFFFF;
	p2 =	slt.u32 s8, $0xFFFFF086  }
0x1c: {  	p1 =	slt.u32 s9, $0xF7A;
	s5 =	simm.s32 @!p2 $0x0  }
0x1d: {  	s5 =	simm.s32 @p1 $0x1;
	p0 =	seq.s32 s7, s2  }
0x1e: {  	s7 =	smul.u32 @!p0 $0xF7A, s2;
	p2 =	seq.s32 @!p0 s5, $0x0  }
0x1f: {  	s9 =	smul.u32 $0xF7A, s1;
	s8 =	simm.s32 @!p0 $0x1BF5;
	p2 =	por !p2, p0  }
0x20: {  	[sflag:s8] =	ssyncset.s32 @!p0 $0xFFFFF086;
	s6 =	sadd.s32 @!p0 s3, s7;
	s7 =	simm.s32 @!p0 $0x108  }
0x21: {  	s3 =	sadd.s32 s3, s9;
	s6 =	sadd.s32 @!p0 $0x88, s6;
	s7 =	simm.s32 @p2 $0x1082  }
0x22: {  	[simem:s7], [sflag:s8] =	dma.local @!p0 [hbm:s6], $0xF7A  }
0x23: {  	s9 =	sor.u32 $0xD0000000, s2;
	s6 =	simm.s32 $0x108;
	_ =	swait.ge @!p0 [sflag:s8], $0x0  }
0x24: {  	s3 =	sadd.s32 $0x88, s3;
	s6 =	simm.s32 @!p1 $0x1082;
	[sflag:s4] =	ssyncset.s32 $0xFFFFF086  }
0x25: {  	[simem:s6], [sflag:s4] =	dma.local [hbm:s3], $0xF7A  }
0x26: {  	[smem:$0x3F9D] =	sst s1;
	(tag) =	ssettag s2;
	_ =	strace s9  }
0x27: {  	s1 =	sld [smem:$0x3FAD]  }
0x28: {  	s2 =	sld [smem:$0x3FAE]  }
0x29: {  	s4 =	sld [smem:$0x3FB0]  }
0x2a: {  	p0 =	seq.s32 s5, $0x0;
	s5 =	sld [smem:$0x3FB1]  }
0x2b: {  	s6 =	sld [smem:$0x3FB2]  }
0x2c: {  	s7 =	sld [smem:$0x3FB3]  }
0x2d: {  	s3 =	simm.s32 $0x108;
	s8 =	sld [smem:$0x3FB4]  }
0x2e: {  	s3 =	simm.s32 @!p0 $0x1082;
	s9 =	sld [smem:$0x3FB5]  }
0x2f: {  	lr =	sadd.s32 s0, s3;
	s0 =	sld [smem:$0x3FAC]  }
0x30: {  	s3 =	sld [smem:$0x3FAF]  }
0x31: {  	[smem:$0x3FB8] =	sst s10  }
0x32: {  	s10 =	sld [smem:$0x3FB6];
	_ =	sdelay $0x3  }
0x33: {  	p0 =	seq.s32 s10, $0x1;
	s10 =	sld [smem:$0x3FB8];
	_ =	sdelay $0x3  }
0x34: {  	[smem:$0x3FB8] =	sst s10  }
0x35: {  	s10 =	sld [smem:$0x3FB7];
	_ =	sdelay $0x3  }
0x36: {  	p1 =	seq.s32 s10, $0x1;
	s10 =	sld [smem:$0x3FB8];
	_ =	sdelay $0x3  }
0x37: {  	[smem:$0x3FB8] =	sst s10  }
0x38: {  	s10 =	sld [smem:$0x3FB9]  }
0x39: {  	_ = 	snop;
	(pc) =	sbr.ind lr, $3  }
0x3a: {  	_ = 	snop  }
0x3b: {  	_ = 	snop  }
0x3c: {  	p2 =	seq.s32 s10, $0x1;
	s10 =	sld [smem:$0x3FB8]  }
0x3d: {  	_ =	shalt  }
0x3e: {  	_ =	shalt  }
0x3f: {  	_ =	shalt  }
0x40: {  	_ =	shalt  }
0x41: {  	_ =	shalt  }
0x42: {  	_ =	shalt  }
0x43: {  	_ =	shalt  }
0x44: {  	_ =	shalt  }
0x45: {  	_ =	shalt  }
0x46: {  	_ =	shalt  }
0x47: {  	_ =	shalt  }
0x48: {  	_ =	shalt  }
0x49: {  	_ =	shalt  }
0x4a: {  	_ =	shalt  }
0x4b: {  	_ =	shalt  }
0x4c: {  	_ =	shalt  }
0x4d: {  	_ =	shalt  }
0x4e: {  	_ =	shalt  }
0x4f: {  	_ =	shalt  }
0x50: {  	_ =	shalt  }
0x51: {  	_ =	shalt  }
0x52: {  	_ =	shalt  }
0x53: {  	_ =	shalt  }
0x54: {  	_ =	shalt  }
0x55: {  	_ =	shalt  }
0x56: {  	_ =	shalt  }
0x57: {  	_ =	shalt  }
0x58: {  	_ =	shalt  }
0x59: {  	_ =	shalt  }
0x5a: {  	_ =	shalt  }
0x5b: {  	_ =	shalt  }
0x5c: {  	_ =	shalt  }
0x5d: {  	_ =	shalt  }
0x5e: {  	_ =	shalt  }
0x5f: {  	_ =	shalt  }
0x60: {  	_ =	shalt  }
0x61: {  	_ =	shalt  }
0x62: {  	_ =	shalt  }
0x63: {  	_ =	shalt  }
0x64: {  	_ =	shalt  }
0x65: {  	_ =	shalt  }
0x66: {  	_ =	shalt  }
0x67: {  	_ =	shalt  }
0x68: {  	_ =	shalt  }
0x69: {  	_ =	shalt  }
0x6a: {  	_ =	shalt  }
0x6b: {  	_ =	shalt  }
0x6c: {  	_ =	shalt  }
0x6d: {  	_ =	shalt  }
0x6e: {  	_ =	shalt  }
0x6f: {  	_ =	shalt  }
0x70: {  	_ =	shalt  }
0x71: {  	_ =	shalt  }
0x72: {  	_ =	shalt  }
0x73: {  	_ =	shalt  }
0x74: {  	_ =	shalt  }
0x75: {  	_ =	shalt  }
0x76: {  	_ =	shalt  }
0x77: {  	_ =	shalt  }
0x78: {  	_ =	shalt  }
0x79: {  	_ =	shalt  }
0x7a: {  	_ =	shalt  }
0x7b: {  	_ =	shalt  }
0x7c: {  	_ =	shalt  }
0x7d: {  	_ =	shalt  }
0x7e: {  	_ =	shalt  }
0x7f: {  	_ =	shalt  }
0x80: {  	_ =	shalt  }
0x81: {  	_ =	shalt  }
0x82: {  	_ =	shalt  }
0x83: {  	_ =	shalt  }
0x84: {  	_ =	shalt  }
0x85: {  	_ =	shalt  }
0x86: {  	_ =	shalt  }
0x87: {  	_ =	shalt  }
.Lfunc_end0:
.L_simem_size_0:
called_computation_lowered:
.L_overlay_start_0:
0x88: {  	s2 =	sld [smem:$0x3FD9]  }
0x89: {  	s3 =	sld [smem:$0x3FFE];
	_ =	sdelay $0x1  }
0x8a: {  	s1 =	srdreg.scid  }
0x8b: {  	s0 =	sand.u32 $0x1, s1  }
0x8c: {  	s17 =	sshll.u32 s0, $0xA;
	s2 =	sadd.s32 s3, s2  }
0x8d: {  	s2 =	sadd.s32 s2, s17  }
0x8e: {  	[smem:$0x3FC4] =	sst s2  }
0x8f: {  	_ = 	snop  }
0x90: {  	s2 =	sld [smem:$0x3FC9]  }
0x91: {  	s18 =	sld [smem:$0x3FC8]  }
0x92: {  	s4 =	sld [smem:$0x3FD0];
	(tm) =	ssettm $0x1  }
0x93: {  	s5 =	sld [smem:$0x3FFB];
	_ =	sdelay $0x3  }
0x94: {  	_ =	strace s5  }
0x95: {  	s5 =	sld [smem:$0x3FFC];
	_ =	sdelay $0x3  }
0x96: {  	_ =	strace s5  }
0x97: {  	s5 =	sld [smem:$0x3FFD];
	_ =	sdelay $0x3  }
0x98: {  	_ =	strace s5  }
0x99: {  	_ =	strace $0x8FFFFFFF  }
0x9a: {  	s19 =	sld [smem:$0x3FDB];
	_ =	sdelay $0x1  }
0x9b: {  	s6 =	simm.s32 $_scs_section_size  }
0x9c: {  	s7 =	simm.s32 $_size__tile_overlayer_lowered;
	s8 =	simm.s32 $_tile_overlayer_lowered  }
0x9d: {  	s22 =	simm.s32 $0x1BFF;
	s21 =	sshll.u32 s8, $0x1;
	s5 =	sadd.s32 s6, s19  }
0x9e: {  	s9 =	simm.s32 $0x0;
	s20 =	sshll.u32 s7, $0x1;
	s7 =	sadd.s32 s21, s5  }
0x9f: {  	[timem:s9], [sflag:s22] =	dma.local [hbm:s7], s20  }
0xa0: {  	_ =	swait.ge [sflag:s22], s20  }
0xa1: {  	s6 =	ssub.s32 $0x0, s20;
	[sflag:s22] =	ssyncset.done $0x0  }
0xa2: {  	[sflag:s22] =	ssyncadd.s32 s6;
	_ =	sdelay $0x1  }
0xa3: {  	s23 =	simm.s32 $0x1B8B  }
0xa4: {  	_ =	swait.ge [sflag:s23], $0x1  }
0xa5: {  	[sflag:s23] =	ssyncset.done $0x0  }
0xa6: {  	s25 =	simm.s32 $0x1B8E;
	s24 =	sld [smem:$0x3FFE];
	[sflag:s23] =	ssyncadd.s32 $0xFFFFFFFF  }
0xa7: {  	s26 =	simm.s32 $execute0_lowered;
	[smem:$0x3FD2] =	sst s25  }
0xa8: {  	s7 =	sshll.u32 s26, $0x1;
	_ =	strace $0x80000046;
	[dreg:$0x1] =	wrdreg $0xFFFFFFFF  }
0xa9: {  	s28 =	simm.s32 $_size_execute0_lowered;
	s5 =	sadd.s32 s5, s7;
	[dreg:$0x0] =	wrdreg $0x0  }
0xaa: {  	s7 =	sshll.u32 s28, $0x1;
	[dreg:$0x2] =	wrdreg s5  }
0xab: {  	[dreg:$0x3] =	wrdreg s7  }
0xac: {  	[dreg:$0x4] =	wrdreg $0xC0  }
0xad: {  	_ =	task [dreg:s9], $0x5FFFF  }
0xae: {  	[dreg:$0x1] =	wrdreg $0xFFFFFFFF  }
0xaf: {  	[dreg:$0x0] =	wrdreg $0x60  }
0xb0: {  	[dreg:$0x2] =	wrdreg s2  }
0xb1: {  	[dreg:$0x3] =	wrdreg s18  }
0xb2: {  	[dreg:$0x4] =	wrdreg s24  }
0xb3: {  	[dreg:$0x5] =	wrdreg s4  }
0xb4: {  	[dreg:$0x6] =	wrdreg $0x9  }
0xb5: {  	_ =	task.clear_ibuf [dreg:s9], $0x7FFFF;
	_ =	strace $0x90000046  }
0xb6: {  	s29 =	simm.s32 $0x9;
	_ =	strace $0x80000048  }
0xb7: {  	_ =	swait.ge [sflag:s29], $0x1  }
0xb8: {  	[sflag:s29] =	ssyncadd.s32 $0xFFFFFFFF  }
0xb9: {  	_ =	strace $0x90000048  }
0xba: {  	_ =	sfence  }
0xbb: {  	s30 =	sld [smem:$0x0];
	_ =	sdelay $0x2  }
0xbc: {  	s31 =	sshll.u32 s1, $0xD;
	s1 =	sshrl.u32 s1, $0x2  }
0xbd: {  	s3 =	sand.u32 $0x4000, s31;
	s1 =	sadd.s32 s1, s30  }
0xbe: {  	s0 =	sor.u32 s3, s0;
	s1 =	sshll.u32 s1, $0x11  }
0xbf: {  	s0 =	sor.u32 s1, s0  }
0xc0: {  	s0 =	sadd.s32 $0x8F2B, s0  }
0xc1: {  	[sflag:s0] =	ssyncadd.remote.s32 $0x1  }
0xc2: {  	_ =	sfence.sel $0xFFFF  }
0xc3: {  	[dreg:$0x0] =	wrdreg $0xFFFFFFFF;
	(pc) =	sbr.abs _section_cstart, $3  }
0xc4: {  	[dreg:$0x1] =	wrdreg $0xFFFFFFFF  }
0xc5: {  	_ =	task.clear_ibuf [dreg:s9], $0x2FFFF;
	_ =	strace $0x9FFFFFFF  }
0xc6: {  	(tm) =	ssettm $0x7FFFFFFF  }
0xc7: {  	_ =	shalt  }
tec
execute0_lowered:
.L_overlay_start_1:
0x0: {  	(tag) =	ssettag $0x1  }
0x1: {  	s0 =	rddreg [dreg:$0x0]  }
0x2: {  	s1 =	rddreg [dreg:$0x1]  }
0x3: {  	s4 =	rddreg [dreg:$0x2]  }
0x4: {  	s7 =	rddreg [dreg:$0x3];
	s2 =	simm.s32 $0x0;
	s3 =	srdreg.scid  }
0x5: {  	s6 =	stileid.u32;
	[smem:$0x7FF] =	sst s2;
	s3 =	sand.u32 $0x1, s3  }
0x6: {  	s6 =	sshll.u32 s6, $0x7;
	s5 =	ssub.s32 $0x2, s3;
	s8 =	sshll.u32 s3, $0x6  }
0x7: {  	s3 =	sadd.s32 $0x400, s4;
	s4 =	sadd.s32 $0xF42800, s4;
	s8 =	sor.u32 s8, s6  }
0x8: {  	_ =	strace $0x80000047;
	[dreg:$0x5] =	wrdreg s4;
	s22 =	sadd.s32 s7, s8  }
0x9: {  	s9 =	sshrl.u32 s5, $0x1;
	s0 =	sadd.s32 s0, s8;
	[dreg:$0x8] =	wrdreg s22  }
0xa: {  	s9 =	ssub.s32 s5, s9;
	s1 =	sadd.s32 s1, s8;
	[dreg:$0x6] =	wrdreg s0  }
0xb: {  	s23 =	smax.u32 s9, $0x1;
	[dreg:$0x7] =	wrdreg s1  }
0xc: {  	s24 =	sadd.s32 $0x10, s0;
	[dreg:$0x9] =	wrdreg s23  }
0xd: {  	s25 =	sadd.s32 $0x20, s0;
	[dreg:$0xa] =	wrdreg s24  }
0xe: {  	s0 =	sadd.s32 $0x30, s0;
	[dreg:$0xb] =	wrdreg s25  }
0xf: {  	s28 =	simm.s32 $0x600;
	s26 =	sadd.s32 $0x10, s1;
	[dreg:$0xc] =	wrdreg s0  }
0x10: {  	s29 =	simm.s32 $0x10600;
	s30 =	sadd.s32 $0x20, s1;
	[dreg:$0xd] =	wrdreg s26  }
0x11: {  	v0 =	vlaneseq.u32;
	s4 =	simm.s32 $0x0;
	s31 =	sadd.s32 $0x30, s1;
	[dreg:$0xe] =	wrdreg s30  }
0x12: {  	v1 =	vmul.u32 $0x80, v0;
	s22 =	simm.s32 $0x1;
	[dreg:$0xf] =	wrdreg s31;
	s24 =	simm.s32 $0x8600  }
.LBB2_1:
0x13: {  	[dreg:$0x10] =	wrdreg s4  }
0x14: {  	s0 =	rddreg [dreg:$0x6]  }
0x15: {  	[tilespmem:s2], [sflag:$0x1] =	stream.linear.gather [hbm4b:s0+s2], $0x80, $0x38;
	[tilespmem:$0x10800] =	vst v63  }
0x16: {  	s18 =	rddreg [dreg:$0xa];
	s1 =	simm.s32 $0x100  }
0x17: {  	[tilespmem:s1], [sflag:$0x1] =	stream.linear.gather [hbm4b:s18+s2], $0x80, $0x38;
	[tilespmem:$0x10800] =	vst v63  }
0x18: {  	s19 =	rddreg [dreg:$0xb];
	s20 =	simm.s32 $0x200  }
0x19: {  	[tilespmem:s20], [sflag:$0x1] =	stream.linear.gather [hbm4b:s19+s2], $0x80, $0x38;
	[tilespmem:$0x10800] =	vst v63  }
0x1a: {  	s21 =	rddreg [dreg:$0xc];
	s23 =	simm.s32 $0x300  }
0x1b: {  	[tilespmem:s23], [sflag:$0x1] =	stream.linear.gather [hbm4b:s21+s2], $0x80, $0x38;
	[tilespmem:$0x10800] =	vst v63  }
0x1c: {  	s25 =	rddreg [dreg:$0x7];
	s26 =	simm.s32 $0x80  }
0x1d: {  	[tilespmem:s26], [sflag:$0x1] =	stream.linear.gather [hbm4b:s25+s2], $0x80, $0x38;
	[tilespmem:$0x10800] =	vst v63  }
0x1e: {  	s5 =	rddreg [dreg:$0xd];
	s6 =	simm.s32 $0x180  }
0x1f: {  	[tilespmem:s6], [sflag:$0x1] =	stream.linear.gather [hbm4b:s5+s2], $0x80, $0x38;
	[tilespmem:$0x10800] =	vst v63  }
0x20: {  	s7 =	rddreg [dreg:$0xe];
	s8 =	simm.s32 $0x280  }
0x21: {  	[tilespmem:s8], [sflag:$0x1] =	stream.linear.gather [hbm4b:s7+s2], $0x80, $0x38;
	[tilespmem:$0x10800] =	vst v63  }
0x22: {  	s9 =	rddreg [dreg:$0xf];
	s10 =	simm.s32 $0x380  }
0x23: {  	[tilespmem:s10], [sflag:$0x1] =	stream.linear.gather [hbm4b:s9+s2], $0x80, $0x38;
	[tilespmem:$0x10800] =	vst v63  }
0x24: {  	_ =	swait.ge [sflag:s22], $0x200  }
0x25: {  	[sflag:s22] =	ssyncset.done $0x0  }
0x26: {  	[sflag:s22] =	ssyncadd.s32 $0xFFFFFE00  }
0x27: {  	_ =	swait.ge [sflag:s22], $0x200  }
0x28: {  	[sflag:s22] =	ssyncset.done $0x0  }
0x29: {  	[sflag:s22] =	ssyncadd.s32 $0xFFFFFE00  }
0x2a: {  	v2 =	vld [tilespmem:$0x80]  }
0x2b: {  	v3 =	vld [tilespmem:$0x90]  }
0x2c: {  	v4 =	vld [tilespmem:$0xA0]  }
0x2d: {  	v5 =	vld [tilespmem:$0xB0]  }
0x2e: {  	v6 =	vld [tilespmem:$0xC0]  }
0x2f: {  	v7 =	vld [tilespmem:$0xD0];
	v2 =	vshra.s32 v2, $0x2  }
0x30: {  	[tilespmem:$0x400] =	vst v2;
	v2 =	vshra.s32 v3, $0x2;
	v3 =	vld [tilespmem:$0xE0]  }
0x31: {  	v44 =	vld [tilespmem:$0xF0];
	[tilespmem:$0x410] =	vst v2;
	v2 =	vshra.s32 v4, $0x2  }
0x32: {  	v45 =	vld [tilespmem:$0x180];
	[tilespmem:$0x420] =	vst v2;
	v2 =	vshra.s32 v5, $0x2  }
0x33: {  	v46 =	vld [tilespmem:$0x190];
	[tilespmem:$0x430] =	vst v2;
	v2 =	vshra.s32 v6, $0x2  }
0x34: {  	v47 =	vld [tilespmem:$0x1A0];
	[tilespmem:$0x440] =	vst v2;
	v2 =	vshra.s32 v7, $0x2  }
0x35: {  	[tilespmem:$0x450] =	vst v2;
	v2 =	vshra.s32 v3, $0x2;
	v3 =	vld [tilespmem:$0x1B0]  }
0x36: {  	v48 =	vld [tilespmem:$0x1C0];
	[tilespmem:$0x460] =	vst v2;
	v2 =	vshra.s32 v44, $0x2  }
0x37: {  	v49 =	vld [tilespmem:$0x1D0];
	[tilespmem:$0x470] =	vst v2;
	v2 =	vshra.s32 v45, $0x2  }
0x38: {  	v50 =	vld [tilespmem:$0x1E0];
	[tilespmem:$0x480] =	vst v2;
	v2 =	vshra.s32 v46, $0x2  }
0x39: {  	v51 =	vld [tilespmem:$0x1F0];
	[tilespmem:$0x490] =	vst v2;
	v2 =	vshra.s32 v47, $0x2  }
0x3a: {  	[tilespmem:$0x4A0] =	vst v2;
	v2 =	vshra.s32 v3, $0x2;
	v3 =	vld [tilespmem:$0x280]  }
0x3b: {  	v52 =	vld [tilespmem:$0x290];
	[tilespmem:$0x4B0] =	vst v2;
	v2 =	vshra.s32 v48, $0x2  }
0x3c: {  	v53 =	vld [tilespmem:$0x2A0];
	[tilespmem:$0x4C0] =	vst v2;
	v2 =	vshra.s32 v49, $0x2  }
0x3d: {  	v54 =	vld [tilespmem:$0x2B0];
	[tilespmem:$0x4D0] =	vst v2;
	v2 =	vshra.s32 v50, $0x2  }
0x3e: {  	v55 =	vld [tilespmem:$0x2C0];
	[tilespmem:$0x4E0] =	vst v2;
	v2 =	vshra.s32 v51, $0x2  }
0x3f: {  	[tilespmem:$0x4F0] =	vst v2;
	v2 =	vshra.s32 v3, $0x2;
	v3 =	vld [tilespmem:$0x2D0]  }
0x40: {  	v56 =	vld [tilespmem:$0x2E0];
	[tilespmem:$0x500] =	vst v2;
	v2 =	vshra.s32 v52, $0x2  }
0x41: {  	v57 =	vld [tilespmem:$0x2F0];
	[tilespmem:$0x510] =	vst v2;
	v2 =	vshra.s32 v53, $0x2  }
0x42: {  	v58 =	vld [tilespmem:$0x380];
	[tilespmem:$0x520] =	vst v2;
	v2 =	vshra.s32 v54, $0x2  }
0x43: {  	v59 =	vld [tilespmem:$0x390];
	[tilespmem:$0x530] =	vst v2;
	v2 =	vshra.s32 v55, $0x2  }
0x44: {  	[tilespmem:$0x540] =	vst v2;
	v2 =	vshra.s32 v3, $0x2;
	v3 =	vld [tilespmem:$0x3A0]  }
0x45: {  	v60 =	vld [tilespmem:$0x3B0];
	[tilespmem:$0x550] =	vst v2;
	v2 =	vshra.s32 v56, $0x2  }
0x46: {  	v61 =	vld [tilespmem:$0x3C0];
	[tilespmem:$0x560] =	vst v2;
	v2 =	vshra.s32 v57, $0x2  }
0x47: {  	v62 =	vld [tilespmem:$0x3D0];
	[tilespmem:$0x570] =	vst v2;
	v2 =	vshra.s32 v58, $0x2  }
0x48: {  	v63 =	vld [tilespmem:$0x3E0];
	[tilespmem:$0x580] =	vst v2;
	v2 =	vshra.s32 v59, $0x2  }
0x49: {  	[tilespmem:$0x590] =	vst v2;
	v2 =	vshra.s32 v3, $0x2;
	v3 =	vld [tilespmem:$0x3F0]  }
0x4a: {  	[tilespmem:$0x5A0] =	vst v2;
	v2 =	vshra.s32 v60, $0x2  }
0x4b: {  	[tilespmem:$0x5B0] =	vst v2;
	v2 =	vshra.s32 v61, $0x2  }
0x4c: {  	[tilespmem:$0x5C0] =	vst v2;
	v2 =	vshra.s32 v62, $0x2  }
0x4d: {  	[tilespmem:$0x5D0] =	vst v2;
	v2 =	vshra.s32 v63, $0x2  }
0x4e: {  	s12 =	simm.s32 $0x400;
	[tilespmem:$0x5E0] =	vst v2;
	v2 =	vshra.s32 v3, $0x2  }
0x4f: {  	s7 =	sand.u32 $0x70, s2;
	s8 =	sand.u32 $0x100, s2;
	s11 =	rddreg [dreg:$0x5];
	[tilespmem:$0x5F0] =	vst v2  }
0x50: {  	[tilespmem:s24], [sflag:$0x1] =	stream.indirect.gather [hbm4b:s11+s26], $0x80, s12, s26, $0xb8;
	[tilespmem:$0x10800] =	vst v63  }
0x51: {  	s13 =	simm.s32 $0x480;
	s5 =	simm.s32 $0xC600;
	s7 =	sor.u32 s7, s8  }
0x52: {  	[tilespmem:s5], [sflag:$0x1] =	stream.indirect.gather [hbm4b:s11+s26], $0x80, s13, s26, $0xb8;
	[tilespmem:$0x10800] =	vst v63  }
0x53: {  	v2 =	vld [tilespmem:s7+$0x0];
	_ =	sdelay $0x4  }
0x54: {  	v2 =	vshll.u32 v2, $0x4  }
0x55: {  	(v2sf) =	vpush v2, $0x0  }
0x56: {  	(v2sf) =	vpush v2, $0x1  }
0x57: {  	(v2sf) =	vpush v2, $0x2;
	_ =	sdelay $0x1  }
0x58: {  	(v2sf) =	vpush v2, $0x3  }
0x59: {  	(v2sf) =	vpush v2, $0x4;
	_ =	sdelay $0x6  }
0x5a: {  	(v2sf) =	vpush v2, $0x5  }
0x5b: {  	s15 =	simm.s32 $0x2000  }
0x5c: {  	s16 =	simm.s32 $0x10;
	s17 =	simm.s32 $0x20;
	s31 =	simm.s32 $0xB80;
	(v2sf) =	vpush v2, $0x6  }
0x5d: {  	s30 =	simm.s32 $0xC00;
	s20 =	simm.s32 $0x4000;
	s11 =	spop (v2sf)  }
0x5e: {  	s10 =	simm.s32 $0x600;
	s11 =	sand.u32 $0x1FFFFFF0, s11;
	s13 =	spop (v2sf)  }
0x5f: {  	s11 =	sadd.s32 s3, s11;
	s14 =	sand.u32 $0x1FFFFFF0, s13;
	s18 =	spop (v2sf)  }
0x60: {  	(v2sf) =	vpush v2, $0x7;
	[tilespmem:s10], [sflag:$0x1] =	stream.linear.gather [hbm4b:s11+s2], $0x80, $0x38;
	[tilespmem:$0x10800] =	vst v63  }
0x61: {  	s19 =	simm.s32 $0x0;
	s11 =	sadd.s32 s3, s14;
	s14 =	spop (v2sf)  }
0x62: {  	s21 =	simm.s32 $0x20;
	s23 =	simm.s32 $0x40;
	s1 =	spop (v2sf);
	(v2sf) =	vpush v2, $0x8  }
0x63: {  	s25 =	simm.s32 $0xC80;
	s8 =	simm.s32 $0xA00;
	s9 =	simm.s32 $0x680  }
0x64: {  	s12 =	simm.s32 $0x700;
	s7 =	simm.s32 $0xA80;
	s13 =	sand.u32 $0x1FFFFFF0, s18;
	(v2sf) =	vpush v2, $0x9  }
0x65: {  	s10 =	simm.s32 $0x780;
	s26 =	sadd.s32 s3, s13;
	s0 =	sand.u32 $0x1FFFFFF0, s14  }
0x66: {  	[tilespmem:s9], [sflag:$0x1] =	stream.linear.gather [hbm4b:s11+s2], $0x80, $0x38;
	(v2sf) =	vpush v2, $0xA;
	[tilespmem:$0x10800] =	vst v63  }
0x67: {  	s14 =	simm.s32 $0x880;
	s4 =	sadd.s32 s3, s0;
	s5 =	sand.u32 $0x1FFFFFF0, s1  }
0x68: {  	[tilespmem:s12], [sflag:$0x1] =	stream.linear.gather [hbm4b:s26+s2], $0x80, $0x38;
	(v2sf) =	vpush v2, $0xB;
	[tilespmem:$0x10800] =	vst v63  }
0x69: {  	s6 =	spop (v2sf);
	s9 =	simm.s32 $0xB00;
	s11 =	sadd.s32 s3, s5  }
0x6a: {  	(v2sf) =	vpush v2, $0xC;
	[tilespmem:s10], [sflag:$0x1] =	stream.linear.gather [hbm4b:s4+s2], $0x80, $0x38;
	[tilespmem:$0x10800] =	vst v63  }
0x6b: {  	s13 =	sand.u32 $0x1FFFFFF0, s6;
	s18 =	spop (v2sf);
	s10 =	simm.s32 $0x800  }
0x6c: {  	(v2sf) =	vpush v2, $0xD;
	[tilespmem:s10], [sflag:$0x1] =	stream.linear.gather [hbm4b:s11+s2], $0x80, $0x38;
	[tilespmem:$0x10800] =	vst v63  }
0x6d: {  	s26 =	simm.s32 $0xD80;
	s11 =	sadd.s32 s3, s13;
	s10 =	simm.s32 $0x980  }
0x6e: {  	(v2sf) =	vpush v2, $0xE;
	[tilespmem:s14], [sflag:$0x1] =	stream.linear.gather [hbm4b:s11+s2], $0x80, $0x38;
	[tilespmem:$0x10800] =	vst v63  }
0x6f: {  	s13 =	sand.u32 $0x1FFFFFF0, s18;
	s11 =	simm.s32 $0x900;
	s14 =	spop (v2sf);
	(v2sf) =	vpush v2, $0xF  }
.LBB2_2:
0x70: {  	s13 =	sadd.s32 s3, s13  }
0x71: {  	s14 =	sand.u32 $0x1FFFFFF0, s14;
	s5 =	spop (v2sf);
	s12 =	smov.u32 s20  }
0x72: {  	[tilespmem:s11], [sflag:$0x1] =	stream.linear.gather [hbm4b:s13+s2], $0x80, $0x38;
	[tilespmem:$0x10800] =	vst v63  }
0x73: {  	s11 =	sadd.s32 s3, s14;
	s5 =	sand.u32 $0x1FFFFFF0, s5;
	s13 =	spop (v2sf)  }
0x74: {  	[tilespmem:s10], [sflag:$0x1] =	stream.linear.gather [hbm4b:s11+s2], $0x80, $0x38;
	[tilespmem:$0x10800] =	vst v63  }
0x75: {  	s5 =	sadd.s32 s3, s5;
	s10 =	sand.u32 $0x1FFFFFF0, s13;
	s11 =	spop (v2sf)  }
0x76: {  	[tilespmem:s8], [sflag:$0x1] =	stream.linear.gather [hbm4b:s5+s2], $0x80, $0x38;
	[tilespmem:$0x10800] =	vst v63  }
0x77: {  	s5 =	sadd.s32 s3, s10;
	s8 =	sand.u32 $0x1FFFFFF0, s11;
	s10 =	spop (v2sf)  }
0x78: {  	[tilespmem:s7], [sflag:$0x1] =	stream.linear.gather [hbm4b:s5+s2], $0x80, $0x38;
	[tilespmem:$0x10800] =	vst v63  }
0x79: {  	s5 =	sadd.s32 s3, s8;
	s7 =	sand.u32 $0x1FFFFFF0, s10;
	s8 =	spop (v2sf)  }
0x7a: {  	[tilespmem:s9], [sflag:$0x1] =	stream.linear.gather [hbm4b:s5+s2], $0x80, $0x38;
	[tilespmem:$0x10800] =	vst v63  }
0x7b: {  	s5 =	sadd.s32 s3, s7;
	s7 =	sand.u32 $0x1FFFFFF0, s8;
	s8 =	spop (v2sf)  }
0x7c: {  	[tilespmem:s31], [sflag:$0x1] =	stream.linear.gather [hbm4b:s5+s2], $0x80, $0x38;
	[tilespmem:$0x10800] =	vst v63  }
0x7d: {  	s5 =	sadd.s32 s3, s7;
	s7 =	sand.u32 $0x1FFFFFF0, s8;
	s8 =	spop (v2sf)  }
0x7e: {  	[tilespmem:s30], [sflag:$0x1] =	stream.linear.gather [hbm4b:s5+s2], $0x80, $0x38;
	[tilespmem:$0x10800] =	vst v63  }
0x7f: {  	s5 =	sadd.s32 s3, s7;
	s7 =	sand.u32 $0x1FFFFFF0, s8;
	s8 =	spop (v2sf)  }
0x80: {  	[tilespmem:s25], [sflag:$0x1] =	stream.linear.gather [hbm4b:s5+s2], $0x80, $0x38;
	[tilespmem:$0x10800] =	vst v63  }
0x81: {  	s7 =	sadd.s32 s3, s7;
	s5 =	sadd.s32 $0xD00, s19;
	s8 =	sand.u32 $0x1FFFFFF0, s8  }
0x82: {  	[tilespmem:s5], [sflag:$0x1] =	stream.linear.gather [hbm4b:s7+s2], $0x80, $0x38;
	[tilespmem:$0x10800] =	vst v63  }
0x83: {  	s8 =	sadd.s32 s3, s8;
	s5 =	sand.u32 $0x70, s16;
	s7 =	sand.u32 $0x100, s17  }
0x84: {  	[tilespmem:s26], [sflag:$0x1] =	stream.linear.gather [hbm4b:s8+s2], $0x80, $0x38;
	[tilespmem:$0x10800] =	vst v63  }
0x85: {  	p0 =	sne.s32 s20, $0x1E000;
	s20 =	sadd.s32 $0x2000, s20;
	s5 =	sor.u32 s5, s7  }
0x86: {  	s16 =	smov.u32 s21;
	s17 =	smov.u32 s23;
	v2 =	vld [tilespmem:s5+$0x0];
	_ =	sdelay $0x4  }
0x87: {  	s19 =	sshra.s32 s15, $0x2;
	s15 =	smov.u32 s12;
	s21 =	sadd.s32 $0x10, s21;
	v2 =	vshll.u32 v2, $0x4  }
0x88: {  	s25 =	sadd.s32 $0xC80, s19;
	s23 =	sadd.s32 $0x20, s23;
	s5 =	sadd.s32 $0x680, s19;
	(v2sf) =	vpush v2, $0x0  }
0x89: {  	s13 =	sadd.s32 $0x600, s19;
	s31 =	sadd.s32 $0xB80, s19;
	s30 =	sadd.s32 $0xC00, s19;
	(v2sf) =	vpush v2, $0x1  }
0x8a: {  	s9 =	sadd.s32 $0xB00, s19;
	s7 =	sadd.s32 $0xA80, s19;
	s8 =	sadd.s32 $0xA00, s19;
	(v2sf) =	vpush v2, $0x2  }
0x8b: {  	s11 =	sadd.s32 $0x900, s19;
	s10 =	sadd.s32 $0x980, s19  }
0x8c: {  	s12 =	sadd.s32 $0x880, s19;
	(v2sf) =	vpush v2, $0x3  }
0x8d: {  	s14 =	sadd.s32 $0x800, s19  }
0x8e: {  	(v2sf) =	vpush v2, $0x4  }
0x8f: {  	s26 =	sadd.s32 $0xD80, s19  }
0x90: {  	(v2sf) =	vpush v2, $0x5;
	_ =	sdelay $0x1  }
0x91: {  	s6 =	sadd.s32 $0x700, s19;
	(v2sf) =	vpush v2, $0x6;
	_ =	sdelay $0x1  }
0x92: {  	s0 =	sadd.s32 $0x780, s19;
	(v2sf) =	vpush v2, $0x7;
	_ =	sdelay $0x1  }
0x93: {  	(v2sf) =	vpush v2, $0x8  }
0x94: {  	s18 =	spop (v2sf)  }
0x95: {  	s18 =	sand.u32 $0x1FFFFFF0, s18;
	s4 =	spop (v2sf);
	(v2sf) =	vpush v2, $0x9  }
0x96: {  	s18 =	sadd.s32 s3, s18;
	s4 =	sand.u32 $0x1FFFFFF0, s4;
	s1 =	spop (v2sf)  }
0x97: {  	[tilespmem:s13], [sflag:$0x1] =	stream.linear.gather [hbm4b:s18+s2], $0x80, $0x38;
	(v2sf) =	vpush v2, $0xA;
	[tilespmem:$0x10800] =	vst v63  }
0x98: {  	s4 =	sadd.s32 s3, s4;
	s1 =	sand.u32 $0x1FFFFFF0, s1;
	s13 =	spop (v2sf)  }
0x99: {  	[tilespmem:s5], [sflag:$0x1] =	stream.linear.gather [hbm4b:s4+s2], $0x80, $0x38;
	(v2sf) =	vpush v2, $0xB;
	[tilespmem:$0x10800] =	vst v63  }
0x9a: {  	s1 =	sadd.s32 s3, s1;
	s4 =	sand.u32 $0x1FFFFFF0, s13;
	s5 =	spop (v2sf)  }
0x9b: {  	[tilespmem:s6], [sflag:$0x1] =	stream.linear.gather [hbm4b:s1+s2], $0x80, $0x38;
	(v2sf) =	vpush v2, $0xC;
	[tilespmem:$0x10800] =	vst v63  }
0x9c: {  	s1 =	sadd.s32 s3, s4;
	s4 =	sand.u32 $0x1FFFFFF0, s5;
	s5 =	spop (v2sf)  }
0x9d: {  	[tilespmem:s0], [sflag:$0x1] =	stream.linear.gather [hbm4b:s1+s2], $0x80, $0x38;
	[tilespmem:$0x10800] =	vst v63  }
.Ltmp0:
0x9e: {  	(v2sf) =	vpush v2, $0xD;
	(pc) =	sbr.rel @p0 .LBB2_2-.Ltmp0, $4  }
0x9f: {  	s0 =	sadd.s32 s3, s4;
	s1 =	sand.u32 $0x1FFFFFF0, s5;
	s4 =	spop (v2sf)  }
0xa0: {  	[tilespmem:s14], [sflag:$0x1] =	stream.linear.gather [hbm4b:s0+s2], $0x80, $0x38;
	(v2sf) =	vpush v2, $0xE;
	[tilespmem:$0x10800] =	vst v63  }
0xa1: {  	s0 =	sadd.s32 s3, s1;
	s13 =	sand.u32 $0x1FFFFFF0, s4;
	s14 =	spop (v2sf)  }
0xa2: {  	[tilespmem:s12], [sflag:$0x1] =	stream.linear.gather [hbm4b:s0+s2], $0x80, $0x38;
	(v2sf) =	vpush v2, $0xF;
	[tilespmem:$0x10800] =	vst v63  }
0xa3: {  	s0 =	sadd.s32 s3, s13;
	s1 =	sand.u32 $0x1FFFFFF0, s14;
	s4 =	spop (v2sf)  }
0xa4: {  	[tilespmem:s11], [sflag:$0x1] =	stream.linear.gather [hbm4b:s0+s2], $0x80, $0x38;
	[tilespmem:$0x10800] =	vst v63  }
0xa5: {  	s6 =	sadd.s32 s3, s1;
	s12 =	spop (v2sf)  }
0xa6: {  	[tilespmem:s10], [sflag:$0x1] =	stream.linear.gather [hbm4b:s6+s2], $0x80, $0x38;
	[tilespmem:$0x10800] =	vst v63  }
0xa7: {  	s11 =	sand.u32 $0x1FFFFFF0, s4;
	s14 =	sand.u32 $0x1FFFFFF0, s12;
	s18 =	spop (v2sf)  }
0xa8: {  	s13 =	sadd.s32 s3, s11;
	s20 =	sadd.s32 s3, s14;
	s21 =	sand.u32 $0x1FFFFFF0, s18  }
0xa9: {  	[tilespmem:s8], [sflag:$0x1] =	stream.linear.gather [hbm4b:s13+s2], $0x80, $0x38;
	[tilespmem:$0x10800] =	vst v63  }
0xaa: {  	s23 =	spop (v2sf);
	s5 =	sadd.s32 s3, s21;
	s21 =	sadd.s32 $0xD00, s19  }
0xab: {  	[tilespmem:s7], [sflag:$0x1] =	stream.linear.gather [hbm4b:s20+s2], $0x80, $0x38;
	[tilespmem:$0x10800] =	vst v63  }
0xac: {  	s6 =	sand.u32 $0x1FFFFFF0, s23;
	s23 =	sand.u32 $0x70, s16;
	s7 =	spop (v2sf)  }
0xad: {  	[tilespmem:s9], [sflag:$0x1] =	stream.linear.gather [hbm4b:s5+s2], $0x80, $0x38;
	[tilespmem:$0x10800] =	vst v63  }
0xae: {  	s8 =	sadd.s32 s3, s6;
	s9 =	sand.u32 $0x1FFFFFF0, s7;
	s10 =	spop (v2sf)  }
0xaf: {  	[tilespmem:s31], [sflag:$0x1] =	stream.linear.gather [hbm4b:s8+s2], $0x80, $0x38;
	[tilespmem:$0x10800] =	vst v63  }
0xb0: {  	s11 =	sadd.s32 s3, s9;
	s12 =	sand.u32 $0x1FFFFFF0, s10;
	s13 =	spop (v2sf)  }
0xb1: {  	[tilespmem:s30], [sflag:$0x1] =	stream.linear.gather [hbm4b:s11+s2], $0x80, $0x38;
	[tilespmem:$0x10800] =	vst v63  }
0xb2: {  	s14 =	sadd.s32 s3, s12;
	s18 =	sand.u32 $0x1FFFFFF0, s13;
	s20 =	spop (v2sf)  }
0xb3: {  	[tilespmem:s25], [sflag:$0x1] =	stream.linear.gather [hbm4b:s14+s2], $0x80, $0x38;
	[tilespmem:$0x10800] =	vst v63  }
0xb4: {  	s1 =	sadd.s32 s3, s18;
	s4 =	sand.u32 $0x1FFFFFF0, s20;
	s25 =	sand.u32 $0x100, s17  }
0xb5: {  	[tilespmem:s21], [sflag:$0x1] =	stream.linear.gather [hbm4b:s1+s2], $0x80, $0x38;
	[tilespmem:$0x10800] =	vst v63  }
0xb6: {  	s4 =	sadd.s32 s3, s4;
	s0 =	sor.u32 s23, s25  }
0xb7: {  	[tilespmem:s26], [sflag:$0x1] =	stream.linear.gather [hbm4b:s4+s2], $0x80, $0x38;
	[tilespmem:$0x10800] =	vst v63  }
0xb8: {  	v2 =	vld [tilespmem:s0+$0x0];
	_ =	sdelay $0x4  }
0xb9: {  	v2 =	vshll.u32 v2, $0x4  }
0xba: {  	(v2sf) =	vpush v2, $0x0  }
0xbb: {  	(v2sf) =	vpush v2, $0x1  }
0xbc: {  	(v2sf) =	vpush v2, $0x2;
	_ =	sdelay $0x1  }
0xbd: {  	(v2sf) =	vpush v2, $0x3;
	_ =	sdelay $0x1  }
0xbe: {  	(v2sf) =	vpush v2, $0x4;
	_ =	sdelay $0x1  }
0xbf: {  	(v2sf) =	vpush v2, $0x5;
	_ =	sdelay $0x1  }
0xc0: {  	s7 =	sshra.s32 s15, $0x2;
	(v2sf) =	vpush v2, $0x6  }
0xc1: {  	s9 =	sadd.s32 $0xC00, s7;
	s5 =	sadd.s32 $0xA80, s7  }
0xc2: {  	s6 =	sadd.s32 $0xB00, s7;
	s15 =	sadd.s32 $0x700, s7;
	s8 =	sadd.s32 $0xC80, s7;
	(v2sf) =	vpush v2, $0x7  }
0xc3: {  	s31 =	sadd.s32 $0x600, s7;
	s10 =	sadd.s32 $0xB80, s7;
	s12 =	sadd.s32 $0x980, s7  }
0xc4: {  	s30 =	sadd.s32 $0x680, s7;
	s11 =	sadd.s32 $0x900, s7;
	s13 =	sadd.s32 $0x880, s7;
	(v2sf) =	vpush v2, $0x8  }
0xc5: {  	s14 =	sadd.s32 $0x800, s7;
	s17 =	sadd.s32 $0x780, s7;
	s19 =	spop (v2sf)  }
0xc6: {  	s4 =	sadd.s32 $0xA00, s7;
	(v2sf) =	vpush v2, $0x9;
	s16 =	sand.u32 $0x1FFFFFF0, s19;
	s18 =	spop (v2sf)  }
0xc7: {  	s16 =	sadd.s32 s3, s16;
	s18 =	sand.u32 $0x1FFFFFF0, s18;
	s20 =	spop (v2sf)  }
0xc8: {  	(v2sf) =	vpush v2, $0xA;
	[tilespmem:s31], [sflag:$0x1] =	stream.linear.gather [hbm4b:s16+s2], $0x80, $0x38;
	[tilespmem:$0x10800] =	vst v63  }
0xc9: {  	s21 =	sadd.s32 s3, s18;
	s23 =	sand.u32 $0x1FFFFFF0, s20;
	s25 =	spop (v2sf)  }
0xca: {  	(v2sf) =	vpush v2, $0xB;
	[tilespmem:s30], [sflag:$0x1] =	stream.linear.gather [hbm4b:s21+s2], $0x80, $0x38;
	[tilespmem:$0x10800] =	vst v63  }
0xcb: {  	s26 =	sadd.s32 s3, s23;
	s31 =	spop (v2sf);
	s30 =	sand.u32 $0x1FFFFFF0, s25  }
0xcc: {  	(v2sf) =	vpush v2, $0xC;
	[tilespmem:s15], [sflag:$0x1] =	stream.linear.gather [hbm4b:s26+s2], $0x80, $0x38;
	[tilespmem:$0x10800] =	vst v63  }
0xcd: {  	s19 =	sand.u32 $0x1FFFFFF0, s31;
	s20 =	spop (v2sf);
	s18 =	sadd.s32 s3, s30  }
0xce: {  	(v2sf) =	vpush v2, $0xD;
	[tilespmem:s17], [sflag:$0x1] =	stream.linear.gather [hbm4b:s18+s2], $0x80, $0x38;
	[tilespmem:$0x10800] =	vst v63  }
0xcf: {  	s21 =	sadd.s32 s3, s19;
	s23 =	sand.u32 $0x1FFFFFF0, s20;
	s25 =	spop (v2sf)  }
0xd0: {  	(v2sf) =	vpush v2, $0xE;
	[tilespmem:s14], [sflag:$0x1] =	stream.linear.gather [hbm4b:s21+s2], $0x80, $0x38;
	[tilespmem:$0x10800] =	vst v63  }
0xd1: {  	s26 =	sadd.s32 s3, s23;
	s30 =	sand.u32 $0x1FFFFFF0, s25;
	s31 =	spop (v2sf)  }
0xd2: {  	(v2sf) =	vpush v2, $0xF;
	[tilespmem:s13], [sflag:$0x1] =	stream.linear.gather [hbm4b:s26+s2], $0x80, $0x38;
	[tilespmem:$0x10800] =	vst v63  }
0xd3: {  	s15 =	sadd.s32 s3, s30;
	s16 =	sand.u32 $0x1FFFFFF0, s31;
	s17 =	spop (v2sf)  }
0xd4: {  	[tilespmem:s11], [sflag:$0x1] =	stream.linear.gather [hbm4b:s15+s2], $0x80, $0x38;
	[tilespmem:$0x10800] =	vst v63  }
0xd5: {  	s18 =	sadd.s32 s3, s16;
	s19 =	sand.u32 $0x1FFFFFF0, s17;
	s20 =	spop (v2sf)  }
0xd6: {  	[tilespmem:s12], [sflag:$0x1] =	stream.linear.gather [hbm4b:s18+s2], $0x80, $0x38;
	[tilespmem:$0x10800] =	vst v63  }
0xd7: {  	s21 =	sadd.s32 s3, s19;
	s23 =	sand.u32 $0x1FFFFFF0, s20;
	s25 =	spop (v2sf)  }
0xd8: {  	[tilespmem:s4], [sflag:$0x1] =	stream.linear.gather [hbm4b:s21+s2], $0x80, $0x38;
	[tilespmem:$0x10800] =	vst v63  }
0xd9: {  	s26 =	sadd.s32 s3, s23;
	s30 =	sand.u32 $0x1FFFFFF0, s25;
	s31 =	spop (v2sf)  }
0xda: {  	[tilespmem:s5], [sflag:$0x1] =	stream.linear.gather [hbm4b:s26+s2], $0x80, $0x38;
	[tilespmem:$0x10800] =	vst v63  }
0xdb: {  	s1 =	sadd.s32 s3, s30;
	s11 =	spop (v2sf);
	s5 =	sand.u32 $0x1FFFFFF0, s31  }
0xdc: {  	[tilespmem:s6], [sflag:$0x1] =	stream.linear.gather [hbm4b:s1+s2], $0x80, $0x38;
	[tilespmem:$0x10800] =	vst v63  }
0xdd: {  	s13 =	sand.u32 $0x1FFFFFF0, s11;
	s14 =	spop (v2sf);
	s12 =	sadd.s32 s3, s5  }
0xde: {  	[tilespmem:s10], [sflag:$0x1] =	stream.linear.gather [hbm4b:s12+s2], $0x80, $0x38;
	[tilespmem:$0x10800] =	vst v63  }
0xdf: {  	s15 =	sadd.s32 s3, s13;
	s16 =	sand.u32 $0x1FFFFFF0, s14;
	s17 =	spop (v2sf)  }
0xe0: {  	[tilespmem:s9], [sflag:$0x1] =	stream.linear.gather [hbm4b:s15+s2], $0x80, $0x38;
	[tilespmem:$0x10800] =	vst v63  }
0xe1: {  	s18 =	sadd.s32 s3, s16;
	s19 =	sand.u32 $0x1FFFFFF0, s17;
	s20 =	spop (v2sf)  }
0xe2: {  	[tilespmem:s8], [sflag:$0x1] =	stream.linear.gather [hbm4b:s18+s2], $0x80, $0x38;
	[tilespmem:$0x10800] =	vst v63  }
0xe3: {  	s21 =	sadd.s32 $0xD00, s7;
	s4 =	sand.u32 $0x1FFFFFF0, s20;
	s1 =	sadd.s32 s3, s19  }
0xe4: {  	[tilespmem:s21], [sflag:$0x1] =	stream.linear.gather [hbm4b:s1+s2], $0x80, $0x38;
	[tilespmem:$0x10800] =	vst v63  }
0xe5: {  	s23 =	sadd.s32 $0xD80, s7;
	s25 =	sadd.s32 s3, s4  }
0xe6: {  	[tilespmem:s23], [sflag:$0x1] =	stream.linear.gather [hbm4b:s25+s2], $0x80, $0x38;
	[tilespmem:$0x10800] =	vst v63  }
0xe7: {  	_ =	swait.ge [sflag:s22], $0x8000  }
0xe8: {  	[sflag:s22] =	ssyncset.done $0x0  }
0xe9: {  	[sflag:s22] =	ssyncadd.s32 $0xFFFF8000  }
0xea: {  	_ =	swait.ge [sflag:s22], $0x4000  }
0xeb: {  	[sflag:s22] =	ssyncset.done $0x0  }
0xec: {  	[sflag:s22] =	ssyncadd.s32 $0xFFFFC000  }
0xed: {  	s26 =	simm.s32 $0x0;
	_ =	swait.ge [sflag:s22], $0x4000  }
0xee: {  	s30 =	sand.u32 $0x70, s26;
	s31 =	sand.u32 $0x100, s26;
	[sflag:s22] =	ssyncset.done $0x0  }
0xef: {  	s1 =	sor.u32 s30, s31;
	[sflag:s22] =	ssyncadd.s32 $0xFFFFC000  }
0xf0: {  	v3 =	vld [tilespmem:s1+$0x80];
	_ =	sdelay $0x4  }
0xf1: {  	v2 =	vor.u32 s26, v0;
	v3 =	vshll.u32 v3, $0x5  }
0xf2: {  	v4 =	vshll.u32 v2, $0x7;
	v3 =	vand.u32 $0x60, v3  }
0xf3: {  	v3 =	vor.u32 v4, v3  }
0xf4: {  	v5 =	vor.u32 $0x1, v4  }
0xf5: {  	v6 =	vor.u32 $0x1, v3  }
0xf6: {  	v7 =	vor.u32 $0x2, v4  }
0xf7: {  	v8 =	vld.idx.msk [tilespmem:v4+s28+$0x0], $0xffff;
	v9 =	vor.u32 $0x2, v3  }
0xf8: {  	v11 =	vor.u32 $0x3, v4;
	v10 =	vld.idx.msk [tilespmem:v3+s24+$0x0], $0xffff  }
0xf9: {  	v5 =	vld.idx.msk [tilespmem:v5+s28+$0x0], $0xffff;
	v12 =	vor.u32 $0x3, v3  }
0xfa: {  	v13 =	vor.u32 $0x4, v4;
	v6 =	vld.idx.msk [tilespmem:v6+s24+$0x0], $0xffff  }
0xfb: {  	v7 =	vld.idx.msk [tilespmem:v7+s28+$0x0], $0xffff;
	v14 =	vor.u32 $0x4, v3  }
0xfc: {  	v15 =	vor.u32 $0x5, v4;
	v9 =	vld.idx.msk [tilespmem:v9+s24+$0x0], $0xffff  }
0xfd: {  	v11 =	vld.idx.msk [tilespmem:v11+s28+$0x0], $0xffff;
	v16 =	vor.u32 $0x5, v3;
	v8 =	vmul.f32 v10, v8  }
0xfe: {  	v47 =	vor.u32 $0x6, v4;
	v46 =	vld.idx.msk [tilespmem:v12+s24+$0x0], $0xffff  }
0xff: {  	v13 =	vld.idx.msk [tilespmem:v13+s28+$0x0], $0xffff;
	v17 =	vor.u32 $0x6, v3;
	v5 =	vmul.f32 v6, v5;
	v8 =	vadd.f32 $0.0e+00, v8  }
0x100: {  	v49 =	vor.u32 $0x7, v4;
	v48 =	vld.idx.msk [tilespmem:v14+s24+$0x0], $0xffff  }
0x101: {  	v15 =	vld.idx.msk [tilespmem:v15+s28+$0x0], $0xffff;
	v18 =	vor.u32 $0x7, v3;
	v7 =	vmul.f32 v9, v7;
	v5 =	vadd.f32 v5, v8  }
0x102: {  	v52 =	vor.u32 $0x8, v3;
	v50 =	vld.idx.msk [tilespmem:v16+s24+$0x0], $0xffff  }
0x103: {  	v51 =	vor.u32 $0x8, v4;
	v12 =	vld.idx.msk [tilespmem:v47+s28+$0x0], $0xffff;
	v53 =	vmul.f32 v46, v11;
	v5 =	vadd.f32 v7, v5  }
0x104: {  	v56 =	vor.u32 $0x9, v3;
	v54 =	vld.idx.msk [tilespmem:v17+s24+$0x0], $0xffff  }
0x105: {  	v55 =	vor.u32 $0x9, v4;
	v14 =	vld.idx.msk [tilespmem:v49+s28+$0x0], $0xffff;
	v6 =	vmul.f32 v48, v13;
	v5 =	vadd.f32 v53, v5  }
0x106: {  	v59 =	vor.u32 $0xA, v3;
	v57 =	vld.idx.msk [tilespmem:v18+s24+$0x0], $0xffff  }
0x107: {  	v58 =	vor.u32 $0xA, v4;
	v61 =	vld.idx.msk [tilespmem:v52+s24+$0x0], $0xffff;
	v60 =	vmul.f32 v50, v15;
	v5 =	vadd.f32 v6, v5  }
0x108: {  	v63 =	vor.u32 $0xB, v3;
	v9 =	vld.idx.msk [tilespmem:v51+s28+$0x0], $0xffff  }
0x109: {  	v62 =	vor.u32 $0xB, v4;
	v21 =	vld.idx.msk [tilespmem:v56+s24+$0x0], $0xffff;
	v20 =	vmul.f32 v54, v12;
	v5 =	vadd.f32 v60, v5  }
0x10a: {  	v23 =	vor.u32 $0xC, v3;
	v11 =	vld.idx.msk [tilespmem:v55+s28+$0x0], $0xffff  }
0x10b: {  	v22 =	vor.u32 $0xC, v4;
	v25 =	vld.idx.msk [tilespmem:v59+s24+$0x0], $0xffff;
	v24 =	vmul.f32 v57, v14;
	v5 =	vadd.f32 v20, v5  }
0x10c: {  	v27 =	vor.u32 $0xD, v3;
	v13 =	vld.idx.msk [tilespmem:v58+s28+$0x0], $0xffff  }
0x10d: {  	v26 =	vor.u32 $0xD, v4;
	v29 =	vld.idx.msk [tilespmem:v63+s24+$0x0], $0xffff;
	v28 =	vmul.f32 v61, v9;
	v5 =	vadd.f32 v24, v5  }
0x10e: {  	v31 =	vor.u32 $0xE, v3;
	v15 =	vld.idx.msk [tilespmem:v62+s28+$0x0], $0xffff  }
0x10f: {  	v30 =	vor.u32 $0xE, v4;
	v33 =	vld.idx.msk [tilespmem:v23+s24+$0x0], $0xffff;
	v32 =	vmul.f32 v21, v11;
	v5 =	vadd.f32 v28, v5  }
0x110: {  	v35 =	vor.u32 $0xF, v3;
	v12 =	vld.idx.msk [tilespmem:v22+s28+$0x0], $0xffff  }
0x111: {  	v34 =	vor.u32 $0xF, v4;
	v37 =	vld.idx.msk [tilespmem:v27+s24+$0x0], $0xffff;
	v36 =	vmul.f32 v25, v13;
	v5 =	vadd.f32 v32, v5  }
0x112: {  	v39 =	vor.u32 $0x10, v3;
	v14 =	vld.idx.msk [tilespmem:v26+s28+$0x0], $0xffff  }
0x113: {  	v38 =	vor.u32 $0x10, v4;
	v41 =	vld.idx.msk [tilespmem:v31+s24+$0x0], $0xffff;
	v40 =	vmul.f32 v29, v15;
	v5 =	vadd.f32 v36, v5  }
0x114: {  	v42 =	vor.u32 $0x11, v4;
	v9 =	vld.idx.msk [tilespmem:v30+s28+$0x0], $0xffff  }
0x115: {  	v43 =	vor.u32 $0x11, v3;
	v45 =	vld.idx.msk [tilespmem:v35+s24+$0x0], $0xffff;
	v44 =	vmul.f32 v33, v12;
	v5 =	vadd.f32 v40, v5  }
0x116: {  	v47 =	vor.u32 $0x12, v3;
	v11 =	vld.idx.msk [tilespmem:v34+s28+$0x0], $0xffff  }
0x117: {  	v49 =	vld.idx.msk [tilespmem:v39+s24+$0x0], $0xffff;
	v46 =	vor.u32 $0x12, v4;
	v48 =	vmul.f32 v37, v14;
	v5 =	vadd.f32 v44, v5  }
0x118: {  	v50 =	vor.u32 $0x13, v4;
	v13 =	vld.idx.msk [tilespmem:v38+s28+$0x0], $0xffff  }
0x119: {  	v51 =	vor.u32 $0x13, v3;
	v15 =	vld.idx.msk [tilespmem:v42+s28+$0x0], $0xffff;
	v52 =	vmul.f32 v41, v9;
	v5 =	vadd.f32 v48, v5  }
0x11a: {  	v55 =	vor.u32 $0x14, v3;
	v53 =	vld.idx.msk [tilespmem:v43+s24+$0x0], $0xffff  }
0x11b: {  	v54 =	vor.u32 $0x14, v4;
	v57 =	vld.idx.msk [tilespmem:v47+s24+$0x0], $0xffff;
	v56 =	vmul.f32 v45, v11;
	v5 =	vadd.f32 v52, v5  }
0x11c: {  	v59 =	vor.u32 $0x15, v3;
	v12 =	vld.idx.msk [tilespmem:v46+s28+$0x0], $0xffff  }
0x11d: {  	v58 =	vor.u32 $0x15, v4;
	v14 =	vld.idx.msk [tilespmem:v50+s28+$0x0], $0xffff;
	v60 =	vmul.f32 v49, v13;
	v5 =	vadd.f32 v56, v5  }
0x11e: {  	v63 =	vor.u32 $0x16, v3;
	v61 =	vld.idx.msk [tilespmem:v51+s24+$0x0], $0xffff  }
0x11f: {  	v62 =	vor.u32 $0x16, v4;
	v22 =	vld.idx.msk [tilespmem:v55+s24+$0x0], $0xffff;
	v21 =	vmul.f32 v53, v15;
	v5 =	vadd.f32 v60, v5  }
0x120: {  	v23 =	vor.u32 $0x17, v4;
	v9 =	vld.idx.msk [tilespmem:v54+s28+$0x0], $0xffff  }
0x121: {  	v26 =	vld.idx.msk [tilespmem:v59+s24+$0x0], $0xffff;
	v25 =	vmul.f32 v57, v12;
	v24 =	vor.u32 $0x17, v3;
	v5 =	vadd.f32 v21, v5  }
0x122: {  	v27 =	vor.u32 $0x18, v4;
	v11 =	vld.idx.msk [tilespmem:v58+s28+$0x0], $0xffff  }
0x123: {  	v30 =	vld.idx.msk [tilespmem:v63+s24+$0x0], $0xffff;
	v29 =	vmul.f32 v61, v14;
	v28 =	vor.u32 $0x18, v3;
	v5 =	vadd.f32 v25, v5  }
0x124: {  	v31 =	vor.u32 $0x19, v4;
	v13 =	vld.idx.msk [tilespmem:v62+s28+$0x0], $0xffff  }
0x125: {  	v15 =	vld.idx.msk [tilespmem:v23+s28+$0x0], $0xffff;
	v33 =	vmul.f32 v22, v9;
	v32 =	vor.u32 $0x19, v3;
	v5 =	vadd.f32 v29, v5  }
0x126: {  	v35 =	vor.u32 $0x1A, v4;
	v34 =	vld.idx.msk [tilespmem:v24+s24+$0x0], $0xffff  }
0x127: {  	v12 =	vld.idx.msk [tilespmem:v27+s28+$0x0], $0xffff;
	v37 =	vmul.f32 v26, v11;
	v36 =	vor.u32 $0x1A, v3;
	v5 =	vadd.f32 v33, v5  }
0x128: {  	v39 =	vor.u32 $0x1B, v4;
	v38 =	vld.idx.msk [tilespmem:v28+s24+$0x0], $0xffff  }
0x129: {  	v14 =	vld.idx.msk [tilespmem:v31+s28+$0x0], $0xffff;
	v41 =	vmul.f32 v30, v13;
	v40 =	vor.u32 $0x1B, v3;
	v5 =	vadd.f32 v37, v5  }
0x12a: {  	v43 =	vor.u32 $0x1C, v4;
	v42 =	vld.idx.msk [tilespmem:v32+s24+$0x0], $0xffff  }
0x12b: {  	v9 =	vld.idx.msk [tilespmem:v35+s28+$0x0], $0xffff;
	v44 =	vor.u32 $0x1C, v3;
	v45 =	vmul.f32 v34, v15;
	v5 =	vadd.f32 v41, v5  }
0x12c: {  	v47 =	vor.u32 $0x1D, v4;
	v46 =	vld.idx.msk [tilespmem:v36+s24+$0x0], $0xffff  }
0x12d: {  	v11 =	vld.idx.msk [tilespmem:v39+s28+$0x0], $0xffff;
	v48 =	vor.u32 $0x1D, v3;
	v49 =	vmul.f32 v38, v12;
	v5 =	vadd.f32 v45, v5  }
0x12e: {  	v51 =	vor.u32 $0x1E, v4;
	v50 =	vld.idx.msk [tilespmem:v40+s24+$0x0], $0xffff  }
0x12f: {  	v13 =	vld.idx.msk [tilespmem:v43+s28+$0x0], $0xffff;
	v52 =	vor.u32 $0x1E, v3;
	v53 =	vmul.f32 v42, v14;
	v5 =	vadd.f32 v49, v5  }
0x130: {  	v4 =	vor.u32 $0x1F, v4;
	v54 =	vld.idx.msk [tilespmem:v44+s24+$0x0], $0xffff  }
0x131: {  	v55 =	vld.idx.msk [tilespmem:v47+s28+$0x0], $0xffff;
	v3 =	vor.u32 $0x1F, v3;
	v56 =	vmul.f32 v46, v9;
	v5 =	vadd.f32 v53, v5  }
0x132: {  	v57 =	vld.idx.msk [tilespmem:v48+s24+$0x0], $0xffff  }
0x133: {  	v58 =	vld.idx.msk [tilespmem:v51+s28+$0x0], $0xffff;
	v59 =	vmul.f32 v50, v11;
	v5 =	vadd.f32 v56, v5  }
0x134: {  	v60 =	vld.idx.msk [tilespmem:v52+s24+$0x0], $0xffff  }
0x135: {  	v4 =	vld.idx.msk [tilespmem:v4+s28+$0x0], $0xffff;
	v61 =	vmul.f32 v54, v13;
	v5 =	vadd.f32 v59, v5  }
0x136: {  	v3 =	vld.idx.msk [tilespmem:v3+s24+$0x0], $0xffff  }
0x137: {  	v62 =	vmul.f32 v57, v55;
	v5 =	vadd.f32 v61, v5;
	_ =	sdelay $0x1  }
0x138: {  	v63 =	vmul.f32 v60, v58;
	v5 =	vadd.f32 v62, v5;
	_ =	sdelay $0x1  }
0x139: {  	v3 =	vmul.f32 v3, v4;
	v5 =	vadd.f32 v63, v5;
	_ =	sdelay $0x1  }
0x13a: {  	s16 =	simm.s32 $0x20;
	s15 =	simm.s32 $0x10;
	v3 =	vadd.f32 v3, v5  }
0x13b: {  	s17 =	simm.s32 $0x20;
	s7 =	sand.u32 $0x70, s15;
	s8 =	sand.u32 $0x100, s16  }
.LBB2_4:
0x13c: {  	p0 =	sne.s32 s17, $0xF0;
	s0 =	sor.u32 s7, s8;
	[tilespmem:v2+s29+$0x0] =	vst.idx.msk $0xffff, v3  }
0x13d: {  	v3 =	vld [tilespmem:s0+$0x80];
	_ =	sdelay $0x4  }
0x13e: {  	v2 =	vor.u32 s15, v0;
	s15 =	smov.u32 s17;
	v3 =	vshll.u32 v3, $0x5  }
0x13f: {  	v4 =	vshll.u32 v2, $0x7;
	v3 =	vand.u32 $0x60, v3  }
0x140: {  	v3 =	vor.u32 v4, v3  }
0x141: {  	v5 =	vor.u32 $0x1, v4  }
0x142: {  	v6 =	vor.u32 $0x1, v3  }
0x143: {  	v7 =	vor.u32 $0x2, v4  }
0x144: {  	v9 =	vor.u32 $0x2, v3;
	v8 =	vld.idx.msk [tilespmem:v4+s28+$0x0], $0xffff  }
0x145: {  	v11 =	vor.u32 $0x3, v4;
	v10 =	vld.idx.msk [tilespmem:v3+s24+$0x0], $0xffff  }
0x146: {  	v12 =	vor.u32 $0x3, v3;
	v5 =	vld.idx.msk [tilespmem:v5+s28+$0x0], $0xffff  }
0x147: {  	v13 =	vor.u32 $0x4, v4;
	v6 =	vld.idx.msk [tilespmem:v6+s24+$0x0], $0xffff  }
0x148: {  	v14 =	vor.u32 $0x4, v3;
	v7 =	vld.idx.msk [tilespmem:v7+s28+$0x0], $0xffff  }
0x149: {  	v15 =	vor.u32 $0x5, v4;
	v9 =	vld.idx.msk [tilespmem:v9+s24+$0x0], $0xffff  }
0x14a: {  	v16 =	vor.u32 $0x5, v3;
	v11 =	vld.idx.msk [tilespmem:v11+s28+$0x0], $0xffff  }
0x14b: {  	v8 =	vmul.f32 v10, v8;
	v10 =	vld.idx.msk [tilespmem:v12+s24+$0x0], $0xffff;
	v12 =	vor.u32 $0x6, v4  }
0x14c: {  	v17 =	vor.u32 $0x6, v3;
	v13 =	vld.idx.msk [tilespmem:v13+s28+$0x0], $0xffff  }
0x14d: {  	v8 =	vadd.f32 $0.0e+00, v8;
	v5 =	vmul.f32 v6, v5;
	v6 =	vld.idx.msk [tilespmem:v14+s24+$0x0], $0xffff;
	v14 =	vor.u32 $0x7, v4  }
0x14e: {  	v18 =	vor.u32 $0x7, v3;
	v15 =	vld.idx.msk [tilespmem:v15+s28+$0x0], $0xffff  }
0x14f: {  	v5 =	vadd.f32 v5, v8;
	v7 =	vmul.f32 v9, v7;
	v9 =	vor.u32 $0x8, v4;
	v8 =	vld.idx.msk [tilespmem:v16+s24+$0x0], $0xffff  }
0x150: {  	v16 =	vor.u32 $0x8, v3;
	v12 =	vld.idx.msk [tilespmem:v12+s28+$0x0], $0xffff  }
0x151: {  	v5 =	vadd.f32 v7, v5;
	v7 =	vmul.f32 v10, v11;
	v11 =	vor.u32 $0x9, v4;
	v10 =	vld.idx.msk [tilespmem:v17+s24+$0x0], $0xffff  }
0x152: {  	v17 =	vor.u32 $0x9, v3;
	v14 =	vld.idx.msk [tilespmem:v14+s28+$0x0], $0xffff  }
0x153: {  	v5 =	vadd.f32 v7, v5;
	v6 =	vmul.f32 v6, v13;
	v13 =	vor.u32 $0xA, v4;
	v7 =	vld.idx.msk [tilespmem:v18+s24+$0x0], $0xffff  }
0x154: {  	v18 =	vor.u32 $0xA, v3;
	v9 =	vld.idx.msk [tilespmem:v9+s28+$0x0], $0xffff  }
0x155: {  	v5 =	vadd.f32 v6, v5;
	v6 =	vmul.f32 v8, v15;
	v15 =	vor.u32 $0xB, v4;
	v8 =	vld.idx.msk [tilespmem:v16+s24+$0x0], $0xffff  }
0x156: {  	v16 =	vor.u32 $0xB, v3;
	v11 =	vld.idx.msk [tilespmem:v11+s28+$0x0], $0xffff  }
0x157: {  	v5 =	vadd.f32 v6, v5;
	v6 =	vmul.f32 v10, v12;
	v12 =	vor.u32 $0xC, v4;
	v10 =	vld.idx.msk [tilespmem:v17+s24+$0x0], $0xffff  }
0x158: {  	v17 =	vor.u32 $0xC, v3;
	v13 =	vld.idx.msk [tilespmem:v13+s28+$0x0], $0xffff  }
0x159: {  	v5 =	vadd.f32 v6, v5;
	v6 =	vmul.f32 v7, v14;
	v14 =	vor.u32 $0xD, v4;
	v7 =	vld.idx.msk [tilespmem:v18+s24+$0x0], $0xffff  }
0x15a: {  	v18 =	vor.u32 $0xD, v3;
	v15 =	vld.idx.msk [tilespmem:v15+s28+$0x0], $0xffff  }
0x15b: {  	v5 =	vadd.f32 v6, v5;
	v6 =	vmul.f32 v8, v9;
	v9 =	vor.u32 $0xE, v4;
	v8 =	vld.idx.msk [tilespmem:v16+s24+$0x0], $0xffff  }
0x15c: {  	v16 =	vor.u32 $0xE, v3;
	v12 =	vld.idx.msk [tilespmem:v12+s28+$0x0], $0xffff  }
0x15d: {  	v5 =	vadd.f32 v6, v5;
	v6 =	vmul.f32 v10, v11;
	v11 =	vor.u32 $0xF, v4;
	v10 =	vld.idx.msk [tilespmem:v17+s24+$0x0], $0xffff  }
0x15e: {  	v17 =	vor.u32 $0xF, v3;
	v14 =	vld.idx.msk [tilespmem:v14+s28+$0x0], $0xffff  }
0x15f: {  	v5 =	vadd.f32 v6, v5;
	v6 =	vmul.f32 v7, v13;
	v13 =	vor.u32 $0x10, v4;
	v7 =	vld.idx.msk [tilespmem:v18+s24+$0x0], $0xffff  }
0x160: {  	v18 =	vor.u32 $0x10, v3;
	v9 =	vld.idx.msk [tilespmem:v9+s28+$0x0], $0xffff  }
0x161: {  	v5 =	vadd.f32 v6, v5;
	v6 =	vmul.f32 v8, v15;
	v15 =	vor.u32 $0x11, v4;
	v8 =	vld.idx.msk [tilespmem:v16+s24+$0x0], $0xffff  }
0x162: {  	v16 =	vor.u32 $0x11, v3;
	v11 =	vld.idx.msk [tilespmem:v11+s28+$0x0], $0xffff  }
0x163: {  	v5 =	vadd.f32 v6, v5;
	v6 =	vmul.f32 v10, v12;
	v12 =	vor.u32 $0x12, v4;
	v10 =	vld.idx.msk [tilespmem:v17+s24+$0x0], $0xffff  }
0x164: {  	v17 =	vor.u32 $0x12, v3;
	v13 =	vld.idx.msk [tilespmem:v13+s28+$0x0], $0xffff  }
0x165: {  	v5 =	vadd.f32 v6, v5;
	v6 =	vmul.f32 v7, v14;
	v14 =	vor.u32 $0x13, v4;
	v7 =	vld.idx.msk [tilespmem:v18+s24+$0x0], $0xffff  }
0x166: {  	v18 =	vor.u32 $0x13, v3;
	v15 =	vld.idx.msk [tilespmem:v15+s28+$0x0], $0xffff  }
0x167: {  	v5 =	vadd.f32 v6, v5;
	v6 =	vmul.f32 v8, v9;
	v9 =	vor.u32 $0x14, v4;
	v8 =	vld.idx.msk [tilespmem:v16+s24+$0x0], $0xffff  }
0x168: {  	v16 =	vor.u32 $0x14, v3;
	v12 =	vld.idx.msk [tilespmem:v12+s28+$0x0], $0xffff  }
0x169: {  	v5 =	vadd.f32 v6, v5;
	v6 =	vmul.f32 v10, v11;
	v11 =	vor.u32 $0x15, v4;
	v10 =	vld.idx.msk [tilespmem:v17+s24+$0x0], $0xffff  }
0x16a: {  	v17 =	vor.u32 $0x15, v3;
	v14 =	vld.idx.msk [tilespmem:v14+s28+$0x0], $0xffff  }
0x16b: {  	v5 =	vadd.f32 v6, v5;
	v6 =	vmul.f32 v7, v13;
	v13 =	vor.u32 $0x16, v4;
	v7 =	vld.idx.msk [tilespmem:v18+s24+$0x0], $0xffff  }
0x16c: {  	v18 =	vor.u32 $0x16, v3;
	v9 =	vld.idx.msk [tilespmem:v9+s28+$0x0], $0xffff  }
0x16d: {  	v5 =	vadd.f32 v6, v5;
	v6 =	vmul.f32 v8, v15;
	v15 =	vor.u32 $0x17, v4;
	v8 =	vld.idx.msk [tilespmem:v16+s24+$0x0], $0xffff  }
0x16e: {  	v16 =	vor.u32 $0x17, v3;
	v11 =	vld.idx.msk [tilespmem:v11+s28+$0x0], $0xffff  }
0x16f: {  	v5 =	vadd.f32 v6, v5;
	v6 =	vmul.f32 v10, v12;
	v12 =	vor.u32 $0x18, v4;
	v10 =	vld.idx.msk [tilespmem:v17+s24+$0x0], $0xffff  }
0x170: {  	v17 =	vor.u32 $0x18, v3;
	v13 =	vld.idx.msk [tilespmem:v13+s28+$0x0], $0xffff  }
0x171: {  	v5 =	vadd.f32 v6, v5;
	v6 =	vmul.f32 v7, v14;
	v14 =	vor.u32 $0x19, v4;
	v7 =	vld.idx.msk [tilespmem:v18+s24+$0x0], $0xffff  }
0x172: {  	v18 =	vor.u32 $0x19, v3;
	v15 =	vld.idx.msk [tilespmem:v15+s28+$0x0], $0xffff  }
0x173: {  	v5 =	vadd.f32 v6, v5;
	v6 =	vmul.f32 v8, v9;
	v9 =	vor.u32 $0x1A, v4;
	v8 =	vld.idx.msk [tilespmem:v16+s24+$0x0], $0xffff  }
0x174: {  	v16 =	vor.u32 $0x1A, v3;
	v12 =	vld.idx.msk [tilespmem:v12+s28+$0x0], $0xffff  }
0x175: {  	v5 =	vadd.f32 v6, v5;
	v6 =	vmul.f32 v10, v11;
	v11 =	vor.u32 $0x1B, v4;
	v10 =	vld.idx.msk [tilespmem:v17+s24+$0x0], $0xffff  }
0x176: {  	v17 =	vor.u32 $0x1B, v3;
	v14 =	vld.idx.msk [tilespmem:v14+s28+$0x0], $0xffff  }
0x177: {  	v5 =	vadd.f32 v6, v5;
	v6 =	vmul.f32 v7, v13;
	v13 =	vor.u32 $0x1C, v4;
	v7 =	vld.idx.msk [tilespmem:v18+s24+$0x0], $0xffff  }
0x178: {  	v18 =	vor.u32 $0x1C, v3;
	v9 =	vld.idx.msk [tilespmem:v9+s28+$0x0], $0xffff  }
0x179: {  	v5 =	vadd.f32 v6, v5;
	v6 =	vmul.f32 v8, v15;
	v15 =	vor.u32 $0x1D, v4;
	v8 =	vld.idx.msk [tilespmem:v16+s24+$0x0], $0xffff  }
0x17a: {  	v16 =	vor.u32 $0x1D, v3;
	v11 =	vld.idx.msk [tilespmem:v11+s28+$0x0], $0xffff  }
0x17b: {  	v5 =	vadd.f32 v6, v5;
	v6 =	vmul.f32 v10, v12;
	v12 =	vor.u32 $0x1E, v4;
	v10 =	vld.idx.msk [tilespmem:v17+s24+$0x0], $0xffff  }
0x17c: {  	v17 =	vor.u32 $0x1E, v3;
	v13 =	vld.idx.msk [tilespmem:v13+s28+$0x0], $0xffff  }
0x17d: {  	v4 =	vor.u32 $0x1F, v4;
	v5 =	vadd.f32 v6, v5;
	v6 =	vmul.f32 v7, v14;
	v7 =	vld.idx.msk [tilespmem:v18+s24+$0x0], $0xffff  }
0x17e: {  	v3 =	vor.u32 $0x1F, v3;
	v14 =	vld.idx.msk [tilespmem:v15+s28+$0x0], $0xffff  }
0x17f: {  	v5 =	vadd.f32 v6, v5;
	v6 =	vmul.f32 v8, v9;
	v8 =	vld.idx.msk [tilespmem:v16+s24+$0x0], $0xffff  }
0x180: {  	v9 =	vld.idx.msk [tilespmem:v12+s28+$0x0], $0xffff  }
0x181: {  	v5 =	vadd.f32 v6, v5;
	v6 =	vmul.f32 v10, v11;
	v10 =	vld.idx.msk [tilespmem:v17+s24+$0x0], $0xffff  }
0x182: {  	v4 =	vld.idx.msk [tilespmem:v4+s28+$0x0], $0xffff  }
0x183: {  	v5 =	vadd.f32 v6, v5;
	v6 =	vmul.f32 v7, v13;
	v3 =	vld.idx.msk [tilespmem:v3+s24+$0x0], $0xffff;
	_ =	sdelay $0x1  }
0x184: {  	v5 =	vadd.f32 v6, v5;
	v6 =	vmul.f32 v8, v14;
	_ =	sdelay $0x1  }
0x185: {  	v5 =	vadd.f32 v6, v5;
	v6 =	vmul.f32 v10, v9  }
.Ltmp1:
0x186: {  	(pc) =	sbr.rel @p0 .LBB2_4-.Ltmp1, $3  }
0x187: {  	v5 =	vadd.f32 v6, v5;
	v3 =	vmul.f32 v3, v4;
	_ =	sdelay $0x1  }
0x188: {  	s16 =	sadd.s32 $0x20, s16;
	v3 =	vadd.f32 v3, v5  }
0x189: {  	s17 =	sadd.s32 $0x10, s17;
	s7 =	sand.u32 $0x70, s15;
	s8 =	sand.u32 $0x100, s16  }
0x18a: {  	_ =	sdelay $0x3  }
0x18b: {  	s0 =	sor.u32 s7, s8;
	[tilespmem:v2+s29+$0x0] =	vst.idx.msk $0xffff, v3  }
0x18c: {  	v3 =	vld [tilespmem:s0+$0x80];
	_ =	sdelay $0x4  }
0x18d: {  	v2 =	vor.u32 s15, v0;
	v3 =	vshll.u32 v3, $0x5  }
0x18e: {  	v4 =	vshll.u32 v2, $0x7;
	v3 =	vand.u32 $0x60, v3  }
0x18f: {  	v3 =	vor.u32 v4, v3  }
0x190: {  	v5 =	vor.u32 $0x1, v4  }
0x191: {  	v6 =	vor.u32 $0x1, v3  }
0x192: {  	v7 =	vor.u32 $0x2, v4  }
0x193: {  	v8 =	vld.idx.msk [tilespmem:v4+s28+$0x0], $0xffff;
	v9 =	vor.u32 $0x2, v3  }
0x194: {  	v11 =	vor.u32 $0x3, v4;
	v10 =	vld.idx.msk [tilespmem:v3+s24+$0x0], $0xffff  }
0x195: {  	v5 =	vld.idx.msk [tilespmem:v5+s28+$0x0], $0xffff;
	v12 =	vor.u32 $0x3, v3  }
0x196: {  	v13 =	vor.u32 $0x4, v4;
	v6 =	vld.idx.msk [tilespmem:v6+s24+$0x0], $0xffff  }
0x197: {  	v7 =	vld.idx.msk [tilespmem:v7+s28+$0x0], $0xffff;
	v14 =	vor.u32 $0x4, v3  }
0x198: {  	v15 =	vor.u32 $0x5, v4;
	v9 =	vld.idx.msk [tilespmem:v9+s24+$0x0], $0xffff  }
0x199: {  	v11 =	vld.idx.msk [tilespmem:v11+s28+$0x0], $0xffff;
	v16 =	vor.u32 $0x5, v3;
	v8 =	vmul.f32 v10, v8  }
0x19a: {  	v47 =	vor.u32 $0x6, v4;
	v46 =	vld.idx.msk [tilespmem:v12+s24+$0x0], $0xffff  }
0x19b: {  	v13 =	vld.idx.msk [tilespmem:v13+s28+$0x0], $0xffff;
	v17 =	vor.u32 $0x6, v3;
	v5 =	vmul.f32 v6, v5;
	v8 =	vadd.f32 $0.0e+00, v8  }
0x19c: {  	v49 =	vor.u32 $0x7, v4;
	v48 =	vld.idx.msk [tilespmem:v14+s24+$0x0], $0xffff  }
0x19d: {  	v15 =	vld.idx.msk [tilespmem:v15+s28+$0x0], $0xffff;
	v18 =	vor.u32 $0x7, v3;
	v7 =	vmul.f32 v9, v7;
	v5 =	vadd.f32 v5, v8  }
0x19e: {  	v52 =	vor.u32 $0x8, v3;
	v50 =	vld.idx.msk [tilespmem:v16+s24+$0x0], $0xffff  }
0x19f: {  	v51 =	vor.u32 $0x8, v4;
	v12 =	vld.idx.msk [tilespmem:v47+s28+$0x0], $0xffff;
	v53 =	vmul.f32 v46, v11;
	v5 =	vadd.f32 v7, v5  }
0x1a0: {  	v56 =	vor.u32 $0x9, v3;
	v54 =	vld.idx.msk [tilespmem:v17+s24+$0x0], $0xffff  }
0x1a1: {  	v55 =	vor.u32 $0x9, v4;
	v14 =	vld.idx.msk [tilespmem:v49+s28+$0x0], $0xffff;
	v6 =	vmul.f32 v48, v13;
	v5 =	vadd.f32 v53, v5  }
0x1a2: {  	v59 =	vor.u32 $0xA, v3;
	v57 =	vld.idx.msk [tilespmem:v18+s24+$0x0], $0xffff  }
0x1a3: {  	v58 =	vor.u32 $0xA, v4;
	v61 =	vld.idx.msk [tilespmem:v52+s24+$0x0], $0xffff;
	v60 =	vmul.f32 v50, v15;
	v5 =	vadd.f32 v6, v5  }
0x1a4: {  	v63 =	vor.u32 $0xB, v3;
	v9 =	vld.idx.msk [tilespmem:v51+s28+$0x0], $0xffff  }
0x1a5: {  	v62 =	vor.u32 $0xB, v4;
	v21 =	vld.idx.msk [tilespmem:v56+s24+$0x0], $0xffff;
	v20 =	vmul.f32 v54, v12;
	v5 =	vadd.f32 v60, v5  }
0x1a6: {  	v23 =	vor.u32 $0xC, v3;
	v11 =	vld.idx.msk [tilespmem:v55+s28+$0x0], $0xffff  }
0x1a7: {  	v22 =	vor.u32 $0xC, v4;
	v25 =	vld.idx.msk [tilespmem:v59+s24+$0x0], $0xffff;
	v24 =	vmul.f32 v57, v14;
	v5 =	vadd.f32 v20, v5  }
0x1a8: {  	v27 =	vor.u32 $0xD, v3;
	v13 =	vld.idx.msk [tilespmem:v58+s28+$0x0], $0xffff  }
0x1a9: {  	v26 =	vor.u32 $0xD, v4;
	v29 =	vld.idx.msk [tilespmem:v63+s24+$0x0], $0xffff;
	v28 =	vmul.f32 v61, v9;
	v5 =	vadd.f32 v24, v5  }
0x1aa: {  	v31 =	vor.u32 $0xE, v3;
	v15 =	vld.idx.msk [tilespmem:v62+s28+$0x0], $0xffff  }
0x1ab: {  	v30 =	vor.u32 $0xE, v4;
	v33 =	vld.idx.msk [tilespmem:v23+s24+$0x0], $0xffff;
	v32 =	vmul.f32 v21, v11;
	v5 =	vadd.f32 v28, v5  }
0x1ac: {  	v35 =	vor.u32 $0xF, v3;
	v12 =	vld.idx.msk [tilespmem:v22+s28+$0x0], $0xffff  }
0x1ad: {  	v34 =	vor.u32 $0xF, v4;
	v37 =	vld.idx.msk [tilespmem:v27+s24+$0x0], $0xffff;
	v36 =	vmul.f32 v25, v13;
	v5 =	vadd.f32 v32, v5  }
0x1ae: {  	v39 =	vor.u32 $0x10, v3;
	v14 =	vld.idx.msk [tilespmem:v26+s28+$0x0], $0xffff  }
0x1af: {  	v38 =	vor.u32 $0x10, v4;
	v41 =	vld.idx.msk [tilespmem:v31+s24+$0x0], $0xffff;
	v40 =	vmul.f32 v29, v15;
	v5 =	vadd.f32 v36, v5  }
0x1b0: {  	v42 =	vor.u32 $0x11, v4;
	v9 =	vld.idx.msk [tilespmem:v30+s28+$0x0], $0xffff  }
0x1b1: {  	v43 =	vor.u32 $0x11, v3;
	v45 =	vld.idx.msk [tilespmem:v35+s24+$0x0], $0xffff;
	v44 =	vmul.f32 v33, v12;
	v5 =	vadd.f32 v40, v5  }
0x1b2: {  	v47 =	vor.u32 $0x12, v3;
	v11 =	vld.idx.msk [tilespmem:v34+s28+$0x0], $0xffff  }
0x1b3: {  	v49 =	vld.idx.msk [tilespmem:v39+s24+$0x0], $0xffff;
	v46 =	vor.u32 $0x12, v4;
	v48 =	vmul.f32 v37, v14;
	v5 =	vadd.f32 v44, v5  }
0x1b4: {  	v50 =	vor.u32 $0x13, v4;
	v13 =	vld.idx.msk [tilespmem:v38+s28+$0x0], $0xffff  }
0x1b5: {  	v51 =	vor.u32 $0x13, v3;
	v15 =	vld.idx.msk [tilespmem:v42+s28+$0x0], $0xffff;
	v52 =	vmul.f32 v41, v9;
	v5 =	vadd.f32 v48, v5  }
0x1b6: {  	v55 =	vor.u32 $0x14, v3;
	v53 =	vld.idx.msk [tilespmem:v43+s24+$0x0], $0xffff  }
0x1b7: {  	v54 =	vor.u32 $0x14, v4;
	v57 =	vld.idx.msk [tilespmem:v47+s24+$0x0], $0xffff;
	v56 =	vmul.f32 v45, v11;
	v5 =	vadd.f32 v52, v5  }
0x1b8: {  	v59 =	vor.u32 $0x15, v3;
	v12 =	vld.idx.msk [tilespmem:v46+s28+$0x0], $0xffff  }
0x1b9: {  	v58 =	vor.u32 $0x15, v4;
	v14 =	vld.idx.msk [tilespmem:v50+s28+$0x0], $0xffff;
	v60 =	vmul.f32 v49, v13;
	v5 =	vadd.f32 v56, v5  }
0x1ba: {  	v63 =	vor.u32 $0x16, v3;
	v61 =	vld.idx.msk [tilespmem:v51+s24+$0x0], $0xffff  }
0x1bb: {  	v62 =	vor.u32 $0x16, v4;
	v22 =	vld.idx.msk [tilespmem:v55+s24+$0x0], $0xffff;
	v21 =	vmul.f32 v53, v15;
	v5 =	vadd.f32 v60, v5  }
0x1bc: {  	v23 =	vor.u32 $0x17, v4;
	v9 =	vld.idx.msk [tilespmem:v54+s28+$0x0], $0xffff  }
0x1bd: {  	v26 =	vld.idx.msk [tilespmem:v59+s24+$0x0], $0xffff;
	v25 =	vmul.f32 v57, v12;
	v24 =	vor.u32 $0x17, v3;
	v5 =	vadd.f32 v21, v5  }
0x1be: {  	v27 =	vor.u32 $0x18, v4;
	v11 =	vld.idx.msk [tilespmem:v58+s28+$0x0], $0xffff  }
0x1bf: {  	v30 =	vld.idx.msk [tilespmem:v63+s24+$0x0], $0xffff;
	v29 =	vmul.f32 v61, v14;
	v28 =	vor.u32 $0x18, v3;
	v5 =	vadd.f32 v25, v5  }
0x1c0: {  	v31 =	vor.u32 $0x19, v4;
	v13 =	vld.idx.msk [tilespmem:v62+s28+$0x0], $0xffff  }
0x1c1: {  	v15 =	vld.idx.msk [tilespmem:v23+s28+$0x0], $0xffff;
	v33 =	vmul.f32 v22, v9;
	v32 =	vor.u32 $0x19, v3;
	v5 =	vadd.f32 v29, v5  }
0x1c2: {  	v35 =	vor.u32 $0x1A, v4;
	v34 =	vld.idx.msk [tilespmem:v24+s24+$0x0], $0xffff  }
0x1c3: {  	v12 =	vld.idx.msk [tilespmem:v27+s28+$0x0], $0xffff;
	v37 =	vmul.f32 v26, v11;
	v36 =	vor.u32 $0x1A, v3;
	v5 =	vadd.f32 v33, v5  }
0x1c4: {  	v39 =	vor.u32 $0x1B, v4;
	v38 =	vld.idx.msk [tilespmem:v28+s24+$0x0], $0xffff  }
0x1c5: {  	v14 =	vld.idx.msk [tilespmem:v31+s28+$0x0], $0xffff;
	v41 =	vmul.f32 v30, v13;
	v40 =	vor.u32 $0x1B, v3;
	v5 =	vadd.f32 v37, v5  }
0x1c6: {  	v43 =	vor.u32 $0x1C, v4;
	v42 =	vld.idx.msk [tilespmem:v32+s24+$0x0], $0xffff  }
0x1c7: {  	v9 =	vld.idx.msk [tilespmem:v35+s28+$0x0], $0xffff;
	v44 =	vor.u32 $0x1C, v3;
	v45 =	vmul.f32 v34, v15;
	v5 =	vadd.f32 v41, v5  }
0x1c8: {  	v47 =	vor.u32 $0x1D, v4;
	v46 =	vld.idx.msk [tilespmem:v36+s24+$0x0], $0xffff  }
0x1c9: {  	v11 =	vld.idx.msk [tilespmem:v39+s28+$0x0], $0xffff;
	v48 =	vor.u32 $0x1D, v3;
	v49 =	vmul.f32 v38, v12;
	v5 =	vadd.f32 v45, v5  }
0x1ca: {  	v51 =	vor.u32 $0x1E, v4;
	v50 =	vld.idx.msk [tilespmem:v40+s24+$0x0], $0xffff  }
0x1cb: {  	v13 =	vld.idx.msk [tilespmem:v43+s28+$0x0], $0xffff;
	v52 =	vor.u32 $0x1E, v3;
	v53 =	vmul.f32 v42, v14;
	v5 =	vadd.f32 v49, v5  }
0x1cc: {  	v4 =	vor.u32 $0x1F, v4;
	v54 =	vld.idx.msk [tilespmem:v44+s24+$0x0], $0xffff  }
0x1cd: {  	v55 =	vld.idx.msk [tilespmem:v47+s28+$0x0], $0xffff;
	v3 =	vor.u32 $0x1F, v3;
	v56 =	vmul.f32 v46, v9;
	v5 =	vadd.f32 v53, v5  }
0x1ce: {  	v57 =	vld.idx.msk [tilespmem:v48+s24+$0x0], $0xffff  }
0x1cf: {  	v58 =	vld.idx.msk [tilespmem:v51+s28+$0x0], $0xffff;
	v59 =	vmul.f32 v50, v11;
	v5 =	vadd.f32 v56, v5  }
0x1d0: {  	v60 =	vld.idx.msk [tilespmem:v52+s24+$0x0], $0xffff  }
0x1d1: {  	v4 =	vld.idx.msk [tilespmem:v4+s28+$0x0], $0xffff;
	v61 =	vmul.f32 v54, v13;
	v5 =	vadd.f32 v59, v5  }
0x1d2: {  	v3 =	vld.idx.msk [tilespmem:v3+s24+$0x0], $0xffff  }
0x1d3: {  	v62 =	vmul.f32 v57, v55;
	v5 =	vadd.f32 v61, v5;
	_ =	sdelay $0x1  }
0x1d4: {  	v63 =	vmul.f32 v60, v58;
	v5 =	vadd.f32 v62, v5;
	_ =	sdelay $0x1  }
0x1d5: {  	v3 =	vmul.f32 v3, v4;
	v5 =	vadd.f32 v63, v5;
	_ =	sdelay $0x1  }
0x1d6: {  	v3 =	vadd.f32 v3, v5  }
0x1d7: {  	s20 =	rddreg [dreg:$0x5];
	s1 =	simm.s32 $0x80;
	s23 =	simm.s32 $0x0  }
0x1d8: {  	s4 =	simm.s32 $0x500;
	s25 =	sand.u32 $0x70, s23;
	s0 =	sand.u32 $0x100, s23;
	[tilespmem:v2+s29+$0x0] =	vst.idx.msk $0xffff, v3  }
0x1d9: {  	[tilespmem:s24], [sflag:$0x1] =	stream.indirect.gather [hbm4b:s20+s1], $0x80, s4, s1, $0xb8;
	[tilespmem:$0x10800] =	vst v63  }
0x1da: {  	s21 =	simm.s32 $0xC600;
	s5 =	simm.s32 $0x580;
	s0 =	sor.u32 s25, s0  }
0x1db: {  	[tilespmem:s21], [sflag:$0x1] =	stream.indirect.gather [hbm4b:s20+s1], $0x80, s5, s1, $0xb8;
	[tilespmem:$0x10800] =	vst v63  }
0x1dc: {  	v2 =	vld [tilespmem:s0+$0x200];
	_ =	sdelay $0x4  }
0x1dd: {  	v2 =	vshll.u32 v2, $0x4  }
0x1de: {  	(v2sf) =	vpush v2, $0x0  }
0x1df: {  	(v2sf) =	vpush v2, $0x1  }
0x1e0: {  	(v2sf) =	vpush v2, $0x2;
	_ =	sdelay $0x1  }
0x1e1: {  	(v2sf) =	vpush v2, $0x3;
	_ =	sdelay $0x1  }
0x1e2: {  	(v2sf) =	vpush v2, $0x4;
	_ =	sdelay $0x6  }
0x1e3: {  	(v2sf) =	vpush v2, $0x5  }
0x1e4: {  	s15 =	simm.s32 $0x2000  }
0x1e5: {  	s16 =	simm.s32 $0x10;
	s17 =	simm.s32 $0x20;
	s9 =	spop (v2sf)  }
0x1e6: {  	s5 =	simm.s32 $0x600;
	s4 =	sand.u32 $0x1FFFFFF0, s9;
	s6 =	spop (v2sf)  }
0x1e7: {  	(v2sf) =	vpush v2, $0x6;
	s4 =	sadd.s32 s3, s4;
	s12 =	sand.u32 $0x1FFFFFF0, s6;
	s13 =	spop (v2sf)  }
0x1e8: {  	[tilespmem:s5], [sflag:$0x1] =	stream.linear.gather [hbm4b:s4+s2], $0x80, $0x38;
	[tilespmem:$0x10800] =	vst v63  }
0x1e9: {  	s26 =	simm.s32 $0x680;
	(v2sf) =	vpush v2, $0x7;
	s4 =	sadd.s32 s3, s12;
	s9 =	spop (v2sf)  }
0x1ea: {  	[tilespmem:s26], [sflag:$0x1] =	stream.linear.gather [hbm4b:s4+s2], $0x80, $0x38;
	[tilespmem:$0x10800] =	vst v63  }
0x1eb: {  	s19 =	simm.s32 $0x0;
	s31 =	simm.s32 $0xB80;
	s26 =	spop (v2sf);
	(v2sf) =	vpush v2, $0x8  }
0x1ec: {  	s30 =	simm.s32 $0xC00;
	s8 =	simm.s32 $0xA00;
	s7 =	simm.s32 $0xA80  }
0x1ed: {  	s10 =	simm.s32 $0x700;
	s11 =	simm.s32 $0x780;
	s23 =	simm.s32 $0x40;
	(v2sf) =	vpush v2, $0x9  }
0x1ee: {  	s25 =	simm.s32 $0xC80;
	s20 =	simm.s32 $0x4000;
	s21 =	simm.s32 $0x20  }
0x1ef: {  	s6 =	sand.u32 $0x1FFFFFF0, s13;
	s13 =	simm.s32 $0x880;
	s18 =	sand.u32 $0x1FFFFFF0, s9;
	(v2sf) =	vpush v2, $0xA  }
0x1f0: {  	s14 =	sadd.s32 s3, s6;
	s5 =	sadd.s32 s3, s18;
	s6 =	sand.u32 $0x1FFFFFF0, s26  }
0x1f1: {  	[tilespmem:s10], [sflag:$0x1] =	stream.linear.gather [hbm4b:s14+s2], $0x80, $0x38;
	(v2sf) =	vpush v2, $0xB;
	[tilespmem:$0x10800] =	vst v63  }
0x1f2: {  	s9 =	spop (v2sf);
	s26 =	simm.s32 $0xD80;
	s10 =	simm.s32 $0x800  }
0x1f3: {  	[tilespmem:s11], [sflag:$0x1] =	stream.linear.gather [hbm4b:s5+s2], $0x80, $0x38;
	(v2sf) =	vpush v2, $0xC;
	[tilespmem:$0x10800] =	vst v63  }
0x1f4: {  	s12 =	sand.u32 $0x1FFFFFF0, s9;
	s9 =	simm.s32 $0xB00;
	s11 =	sadd.s32 s3, s6  }
0x1f5: {  	(v2sf) =	vpush v2, $0xD;
	[tilespmem:s10], [sflag:$0x1] =	stream.linear.gather [hbm4b:s11+s2], $0x80, $0x38;
	[tilespmem:$0x10800] =	vst v63  }
0x1f6: {  	s18 =	spop (v2sf);
	s14 =	sadd.s32 s3, s12;
	s11 =	simm.s32 $0x900  }
0x1f7: {  	(v2sf) =	vpush v2, $0xE;
	[tilespmem:s13], [sflag:$0x1] =	stream.linear.gather [hbm4b:s14+s2], $0x80, $0x38;
	[tilespmem:$0x10800] =	vst v63  }
0x1f8: {  	s10 =	simm.s32 $0x980;
	s13 =	sand.u32 $0x1FFFFFF0, s18;
	s14 =	spop (v2sf);
	(v2sf) =	vpush v2, $0xF  }
.LBB2_6:
0x1f9: {  	s0 =	sadd.s32 s3, s13  }
0x1fa: {  	s1 =	sand.u32 $0x1FFFFFF0, s14;
	s4 =	spop (v2sf);
	s12 =	smov.u32 s20  }
0x1fb: {  	[tilespmem:s11], [sflag:$0x1] =	stream.linear.gather [hbm4b:s0+s2], $0x80, $0x38;
	[tilespmem:$0x10800] =	vst v63  }
0x1fc: {  	s0 =	sadd.s32 s3, s1;
	s1 =	sand.u32 $0x1FFFFFF0, s4;
	s4 =	spop (v2sf)  }
0x1fd: {  	[tilespmem:s10], [sflag:$0x1] =	stream.linear.gather [hbm4b:s0+s2], $0x80, $0x38;
	[tilespmem:$0x10800] =	vst v63  }
0x1fe: {  	s0 =	sadd.s32 s3, s1;
	s1 =	sand.u32 $0x1FFFFFF0, s4;
	s4 =	spop (v2sf)  }
0x1ff: {  	[tilespmem:s8], [sflag:$0x1] =	stream.linear.gather [hbm4b:s0+s2], $0x80, $0x38;
	[tilespmem:$0x10800] =	vst v63  }
0x200: {  	s0 =	sadd.s32 s3, s1;
	s1 =	sand.u32 $0x1FFFFFF0, s4;
	s4 =	spop (v2sf)  }
0x201: {  	[tilespmem:s7], [sflag:$0x1] =	stream.linear.gather [hbm4b:s0+s2], $0x80, $0x38;
	[tilespmem:$0x10800] =	vst v63  }
0x202: {  	s0 =	sadd.s32 s3, s1;
	s1 =	sand.u32 $0x1FFFFFF0, s4;
	s4 =	spop (v2sf)  }
0x203: {  	[tilespmem:s9], [sflag:$0x1] =	stream.linear.gather [hbm4b:s0+s2], $0x80, $0x38;
	[tilespmem:$0x10800] =	vst v63  }
0x204: {  	s0 =	sadd.s32 s3, s1;
	s1 =	sand.u32 $0x1FFFFFF0, s4;
	s4 =	spop (v2sf)  }
0x205: {  	[tilespmem:s31], [sflag:$0x1] =	stream.linear.gather [hbm4b:s0+s2], $0x80, $0x38;
	[tilespmem:$0x10800] =	vst v63  }
0x206: {  	s0 =	sadd.s32 s3, s1;
	s1 =	sand.u32 $0x1FFFFFF0, s4;
	s4 =	spop (v2sf)  }
0x207: {  	[tilespmem:s30], [sflag:$0x1] =	stream.linear.gather [hbm4b:s0+s2], $0x80, $0x38;
	[tilespmem:$0x10800] =	vst v63  }
0x208: {  	s0 =	sadd.s32 s3, s1;
	s1 =	sand.u32 $0x1FFFFFF0, s4;
	s4 =	spop (v2sf)  }
0x209: {  	[tilespmem:s25], [sflag:$0x1] =	stream.linear.gather [hbm4b:s0+s2], $0x80, $0x38;
	[tilespmem:$0x10800] =	vst v63  }
0x20a: {  	s1 =	sadd.s32 s3, s1;
	s0 =	sadd.s32 $0xD00, s19;
	s4 =	sand.u32 $0x1FFFFFF0, s4  }
0x20b: {  	[tilespmem:s0], [sflag:$0x1] =	stream.linear.gather [hbm4b:s1+s2], $0x80, $0x38;
	[tilespmem:$0x10800] =	vst v63  }
0x20c: {  	s4 =	sadd.s32 s3, s4;
	s0 =	sand.u32 $0x70, s16;
	s1 =	sand.u32 $0x100, s17  }
0x20d: {  	[tilespmem:s26], [sflag:$0x1] =	stream.linear.gather [hbm4b:s4+s2], $0x80, $0x38;
	[tilespmem:$0x10800] =	vst v63  }
0x20e: {  	p0 =	sne.s32 s20, $0x1E000;
	s20 =	sadd.s32 $0x2000, s20;
	s0 =	sor.u32 s0, s1  }
0x20f: {  	s16 =	smov.u32 s21;
	s17 =	smov.u32 s23;
	v2 =	vld [tilespmem:s0+$0x200];
	_ =	sdelay $0x4  }
0x210: {  	s19 =	sshra.s32 s15, $0x2;
	s15 =	smov.u32 s12;
	s21 =	sadd.s32 $0x10, s21;
	v2 =	vshll.u32 v2, $0x4  }
0x211: {  	s25 =	sadd.s32 $0xC80, s19;
	s23 =	sadd.s32 $0x20, s23;
	s0 =	sadd.s32 $0x680, s19;
	(v2sf) =	vpush v2, $0x0  }
0x212: {  	s31 =	sadd.s32 $0xB80, s19;
	s30 =	sadd.s32 $0xC00, s19;
	s1 =	sadd.s32 $0x600, s19;
	(v2sf) =	vpush v2, $0x1  }
0x213: {  	s8 =	sadd.s32 $0xA00, s19;
	s7 =	sadd.s32 $0xA80, s19;
	s9 =	sadd.s32 $0xB00, s19;
	(v2sf) =	vpush v2, $0x2  }
0x214: {  	s11 =	sadd.s32 $0x900, s19;
	s10 =	sadd.s32 $0x980, s19  }
0x215: {  	s12 =	sadd.s32 $0x880, s19;
	(v2sf) =	vpush v2, $0x3  }
0x216: {  	s4 =	sadd.s32 $0x800, s19  }
0x217: {  	(v2sf) =	vpush v2, $0x4  }
0x218: {  	s26 =	sadd.s32 $0xD80, s19  }
0x219: {  	(v2sf) =	vpush v2, $0x5;
	_ =	sdelay $0x1  }
0x21a: {  	s5 =	sadd.s32 $0x700, s19;
	(v2sf) =	vpush v2, $0x6;
	_ =	sdelay $0x1  }
0x21b: {  	s6 =	sadd.s32 $0x780, s19;
	(v2sf) =	vpush v2, $0x7;
	_ =	sdelay $0x1  }
0x21c: {  	(v2sf) =	vpush v2, $0x8  }
0x21d: {  	s13 =	spop (v2sf)  }
0x21e: {  	s13 =	sand.u32 $0x1FFFFFF0, s13;
	s14 =	spop (v2sf);
	(v2sf) =	vpush v2, $0x9  }
0x21f: {  	s13 =	sadd.s32 s3, s13;
	s14 =	sand.u32 $0x1FFFFFF0, s14;
	s18 =	spop (v2sf)  }
0x220: {  	[tilespmem:s1], [sflag:$0x1] =	stream.linear.gather [hbm4b:s13+s2], $0x80, $0x38;
	(v2sf) =	vpush v2, $0xA;
	[tilespmem:$0x10800] =	vst v63  }
0x221: {  	s1 =	sadd.s32 s3, s14;
	s13 =	sand.u32 $0x1FFFFFF0, s18;
	s14 =	spop (v2sf)  }
0x222: {  	[tilespmem:s0], [sflag:$0x1] =	stream.linear.gather [hbm4b:s1+s2], $0x80, $0x38;
	(v2sf) =	vpush v2, $0xB;
	[tilespmem:$0x10800] =	vst v63  }
0x223: {  	s0 =	sadd.s32 s3, s13;
	s1 =	sand.u32 $0x1FFFFFF0, s14;
	s13 =	spop (v2sf)  }
0x224: {  	[tilespmem:s5], [sflag:$0x1] =	stream.linear.gather [hbm4b:s0+s2], $0x80, $0x38;
	(v2sf) =	vpush v2, $0xC;
	[tilespmem:$0x10800] =	vst v63  }
0x225: {  	s0 =	sadd.s32 s3, s1;
	s1 =	sand.u32 $0x1FFFFFF0, s13;
	s5 =	spop (v2sf)  }
0x226: {  	[tilespmem:s6], [sflag:$0x1] =	stream.linear.gather [hbm4b:s0+s2], $0x80, $0x38;
	[tilespmem:$0x10800] =	vst v63  }
.Ltmp2:
0x227: {  	(v2sf) =	vpush v2, $0xD;
	(pc) =	sbr.rel @p0 .LBB2_6-.Ltmp2, $4  }
0x228: {  	s0 =	sadd.s32 s3, s1;
	s1 =	sand.u32 $0x1FFFFFF0, s5;
	s5 =	spop (v2sf)  }
0x229: {  	[tilespmem:s4], [sflag:$0x1] =	stream.linear.gather [hbm4b:s0+s2], $0x80, $0x38;
	(v2sf) =	vpush v2, $0xE;
	[tilespmem:$0x10800] =	vst v63  }
0x22a: {  	s0 =	sadd.s32 s3, s1;
	s13 =	sand.u32 $0x1FFFFFF0, s5;
	s14 =	spop (v2sf)  }
0x22b: {  	[tilespmem:s12], [sflag:$0x1] =	stream.linear.gather [hbm4b:s0+s2], $0x80, $0x38;
	(v2sf) =	vpush v2, $0xF;
	[tilespmem:$0x10800] =	vst v63  }
0x22c: {  	s0 =	sadd.s32 s3, s13;
	s1 =	sand.u32 $0x1FFFFFF0, s14;
	s4 =	spop (v2sf)  }
0x22d: {  	[tilespmem:s11], [sflag:$0x1] =	stream.linear.gather [hbm4b:s0+s2], $0x80, $0x38;
	[tilespmem:$0x10800] =	vst v63  }
0x22e: {  	s6 =	sadd.s32 s3, s1;
	s12 =	spop (v2sf)  }
0x22f: {  	[tilespmem:s10], [sflag:$0x1] =	stream.linear.gather [hbm4b:s6+s2], $0x80, $0x38;
	[tilespmem:$0x10800] =	vst v63  }
0x230: {  	s11 =	sand.u32 $0x1FFFFFF0, s4;
	s14 =	sand.u32 $0x1FFFFFF0, s12;
	s18 =	spop (v2sf)  }
0x231: {  	s13 =	sadd.s32 s3, s11;
	s20 =	sadd.s32 s3, s14;
	s21 =	sand.u32 $0x1FFFFFF0, s18  }
0x232: {  	[tilespmem:s8], [sflag:$0x1] =	stream.linear.gather [hbm4b:s13+s2], $0x80, $0x38;
	[tilespmem:$0x10800] =	vst v63  }
0x233: {  	s23 =	spop (v2sf);
	s5 =	sadd.s32 s3, s21;
	s21 =	sadd.s32 $0xD00, s19  }
0x234: {  	[tilespmem:s7], [sflag:$0x1] =	stream.linear.gather [hbm4b:s20+s2], $0x80, $0x38;
	[tilespmem:$0x10800] =	vst v63  }
0x235: {  	s6 =	sand.u32 $0x1FFFFFF0, s23;
	s23 =	sand.u32 $0x70, s16;
	s7 =	spop (v2sf)  }
0x236: {  	[tilespmem:s9], [sflag:$0x1] =	stream.linear.gather [hbm4b:s5+s2], $0x80, $0x38;
	[tilespmem:$0x10800] =	vst v63  }
0x237: {  	s8 =	sadd.s32 s3, s6;
	s9 =	sand.u32 $0x1FFFFFF0, s7;
	s10 =	spop (v2sf)  }
0x238: {  	[tilespmem:s31], [sflag:$0x1] =	stream.linear.gather [hbm4b:s8+s2], $0x80, $0x38;
	[tilespmem:$0x10800] =	vst v63  }
0x239: {  	s11 =	sadd.s32 s3, s9;
	s12 =	sand.u32 $0x1FFFFFF0, s10;
	s13 =	spop (v2sf)  }
0x23a: {  	[tilespmem:s30], [sflag:$0x1] =	stream.linear.gather [hbm4b:s11+s2], $0x80, $0x38;
	[tilespmem:$0x10800] =	vst v63  }
0x23b: {  	s14 =	sadd.s32 s3, s12;
	s18 =	sand.u32 $0x1FFFFFF0, s13;
	s20 =	spop (v2sf)  }
0x23c: {  	[tilespmem:s25], [sflag:$0x1] =	stream.linear.gather [hbm4b:s14+s2], $0x80, $0x38;
	[tilespmem:$0x10800] =	vst v63  }
0x23d: {  	s1 =	sadd.s32 s3, s18;
	s4 =	sand.u32 $0x1FFFFFF0, s20;
	s25 =	sand.u32 $0x100, s17  }
0x23e: {  	[tilespmem:s21], [sflag:$0x1] =	stream.linear.gather [hbm4b:s1+s2], $0x80, $0x38;
	[tilespmem:$0x10800] =	vst v63  }
0x23f: {  	s4 =	sadd.s32 s3, s4;
	s0 =	sor.u32 s23, s25  }
0x240: {  	[tilespmem:s26], [sflag:$0x1] =	stream.linear.gather [hbm4b:s4+s2], $0x80, $0x38;
	[tilespmem:$0x10800] =	vst v63  }
0x241: {  	v2 =	vld [tilespmem:s0+$0x200];
	_ =	sdelay $0x4  }
0x242: {  	v2 =	vshll.u32 v2, $0x4  }
0x243: {  	(v2sf) =	vpush v2, $0x0  }
0x244: {  	(v2sf) =	vpush v2, $0x1  }
0x245: {  	(v2sf) =	vpush v2, $0x2;
	_ =	sdelay $0x1  }
0x246: {  	(v2sf) =	vpush v2, $0x3;
	_ =	sdelay $0x1  }
0x247: {  	(v2sf) =	vpush v2, $0x4;
	_ =	sdelay $0x1  }
0x248: {  	(v2sf) =	vpush v2, $0x5;
	_ =	sdelay $0x1  }
0x249: {  	s7 =	sshra.s32 s15, $0x2;
	(v2sf) =	vpush v2, $0x6  }
0x24a: {  	s9 =	sadd.s32 $0xC00, s7;
	s5 =	sadd.s32 $0xA80, s7  }
0x24b: {  	s6 =	sadd.s32 $0xB00, s7;
	s15 =	sadd.s32 $0x700, s7;
	s8 =	sadd.s32 $0xC80, s7;
	(v2sf) =	vpush v2, $0x7  }
0x24c: {  	s31 =	sadd.s32 $0x600, s7;
	s10 =	sadd.s32 $0xB80, s7;
	s12 =	sadd.s32 $0x980, s7  }
0x24d: {  	s30 =	sadd.s32 $0x680, s7;
	s11 =	sadd.s32 $0x900, s7;
	s13 =	sadd.s32 $0x880, s7;
	(v2sf) =	vpush v2, $0x8  }
0x24e: {  	s14 =	sadd.s32 $0x800, s7;
	s17 =	sadd.s32 $0x780, s7;
	s19 =	spop (v2sf)  }
0x24f: {  	s4 =	sadd.s32 $0xA00, s7;
	(v2sf) =	vpush v2, $0x9;
	s16 =	sand.u32 $0x1FFFFFF0, s19;
	s18 =	spop (v2sf)  }
0x250: {  	s16 =	sadd.s32 s3, s16;
	s18 =	sand.u32 $0x1FFFFFF0, s18;
	s20 =	spop (v2sf)  }
0x251: {  	(v2sf) =	vpush v2, $0xA;
	[tilespmem:s31], [sflag:$0x1] =	stream.linear.gather [hbm4b:s16+s2], $0x80, $0x38;
	[tilespmem:$0x10800] =	vst v63  }
0x252: {  	s21 =	sadd.s32 s3, s18;
	s23 =	sand.u32 $0x1FFFFFF0, s20;
	s25 =	spop (v2sf)  }
0x253: {  	(v2sf) =	vpush v2, $0xB;
	[tilespmem:s30], [sflag:$0x1] =	stream.linear.gather [hbm4b:s21+s2], $0x80, $0x38;
	[tilespmem:$0x10800] =	vst v63  }
0x254: {  	s26 =	sadd.s32 s3, s23;
	s31 =	spop (v2sf);
	s30 =	sand.u32 $0x1FFFFFF0, s25  }
0x255: {  	(v2sf) =	vpush v2, $0xC;
	[tilespmem:s15], [sflag:$0x1] =	stream.linear.gather [hbm4b:s26+s2], $0x80, $0x38;
	[tilespmem:$0x10800] =	vst v63  }
0x256: {  	s19 =	sand.u32 $0x1FFFFFF0, s31;
	s20 =	spop (v2sf);
	s18 =	sadd.s32 s3, s30  }
0x257: {  	(v2sf) =	vpush v2, $0xD;
	[tilespmem:s17], [sflag:$0x1] =	stream.linear.gather [hbm4b:s18+s2], $0x80, $0x38;
	[tilespmem:$0x10800] =	vst v63  }
0x258: {  	s21 =	sadd.s32 s3, s19;
	s23 =	sand.u32 $0x1FFFFFF0, s20;
	s25 =	spop (v2sf)  }
0x259: {  	(v2sf) =	vpush v2, $0xE;
	[tilespmem:s14], [sflag:$0x1] =	stream.linear.gather [hbm4b:s21+s2], $0x80, $0x38;
	[tilespmem:$0x10800] =	vst v63  }
0x25a: {  	s26 =	sadd.s32 s3, s23;
	s30 =	sand.u32 $0x1FFFFFF0, s25;
	s31 =	spop (v2sf)  }
0x25b: {  	(v2sf) =	vpush v2, $0xF;
	[tilespmem:s13], [sflag:$0x1] =	stream.linear.gather [hbm4b:s26+s2], $0x80, $0x38;
	[tilespmem:$0x10800] =	vst v63  }
0x25c: {  	s15 =	sadd.s32 s3, s30;
	s16 =	sand.u32 $0x1FFFFFF0, s31;
	s17 =	spop (v2sf)  }
0x25d: {  	[tilespmem:s11], [sflag:$0x1] =	stream.linear.gather [hbm4b:s15+s2], $0x80, $0x38;
	[tilespmem:$0x10800] =	vst v63  }
0x25e: {  	s18 =	sadd.s32 s3, s16;
	s19 =	sand.u32 $0x1FFFFFF0, s17;
	s20 =	spop (v2sf)  }
0x25f: {  	[tilespmem:s12], [sflag:$0x1] =	stream.linear.gather [hbm4b:s18+s2], $0x80, $0x38;
	[tilespmem:$0x10800] =	vst v63  }
0x260: {  	s21 =	sadd.s32 s3, s19;
	s23 =	sand.u32 $0x1FFFFFF0, s20;
	s25 =	spop (v2sf)  }
0x261: {  	[tilespmem:s4], [sflag:$0x1] =	stream.linear.gather [hbm4b:s21+s2], $0x80, $0x38;
	[tilespmem:$0x10800] =	vst v63  }
0x262: {  	s26 =	sadd.s32 s3, s23;
	s30 =	sand.u32 $0x1FFFFFF0, s25;
	s31 =	spop (v2sf)  }
0x263: {  	[tilespmem:s5], [sflag:$0x1] =	stream.linear.gather [hbm4b:s26+s2], $0x80, $0x38;
	[tilespmem:$0x10800] =	vst v63  }
0x264: {  	s1 =	sadd.s32 s3, s30;
	s4 =	sand.u32 $0x1FFFFFF0, s31;
	s5 =	spop (v2sf)  }
0x265: {  	[tilespmem:s6], [sflag:$0x1] =	stream.linear.gather [hbm4b:s1+s2], $0x80, $0x38;
	[tilespmem:$0x10800] =	vst v63  }
0x266: {  	s11 =	sadd.s32 s3, s4;
	s12 =	sand.u32 $0x1FFFFFF0, s5;
	s13 =	spop (v2sf)  }
0x267: {  	[tilespmem:s10], [sflag:$0x1] =	stream.linear.gather [hbm4b:s11+s2], $0x80, $0x38;
	[tilespmem:$0x10800] =	vst v63  }
0x268: {  	s14 =	sadd.s32 s3, s12;
	s15 =	sand.u32 $0x1FFFFFF0, s13;
	s16 =	spop (v2sf)  }
0x269: {  	[tilespmem:s9], [sflag:$0x1] =	stream.linear.gather [hbm4b:s14+s2], $0x80, $0x38;
	[tilespmem:$0x10800] =	vst v63  }
0x26a: {  	s17 =	sadd.s32 s3, s15;
	s18 =	sand.u32 $0x1FFFFFF0, s16;
	s19 =	spop (v2sf)  }
0x26b: {  	[tilespmem:s8], [sflag:$0x1] =	stream.linear.gather [hbm4b:s17+s2], $0x80, $0x38;
	[tilespmem:$0x10800] =	vst v63  }
0x26c: {  	s20 =	sadd.s32 $0xD00, s7;
	s1 =	sadd.s32 s3, s18;
	s4 =	sand.u32 $0x1FFFFFF0, s19  }
0x26d: {  	[tilespmem:s20], [sflag:$0x1] =	stream.linear.gather [hbm4b:s1+s2], $0x80, $0x38;
	[tilespmem:$0x10800] =	vst v63  }
0x26e: {  	s21 =	sadd.s32 $0xD80, s7;
	s23 =	sadd.s32 s3, s4  }
0x26f: {  	[tilespmem:s21], [sflag:$0x1] =	stream.linear.gather [hbm4b:s23+s2], $0x80, $0x38;
	[tilespmem:$0x10800] =	vst v63  }
0x270: {  	_ =	swait.ge [sflag:s22], $0x8000  }
0x271: {  	[sflag:s22] =	ssyncset.done $0x0  }
0x272: {  	[sflag:s22] =	ssyncadd.s32 $0xFFFF8000  }
0x273: {  	_ =	swait.ge [sflag:s22], $0x4000  }
0x274: {  	[sflag:s22] =	ssyncset.done $0x0  }
0x275: {  	[sflag:s22] =	ssyncadd.s32 $0xFFFFC000  }
0x276: {  	s25 =	simm.s32 $0x200;
	s26 =	simm.s32 $0x0;
	_ =	swait.ge [sflag:s22], $0x4000  }
0x277: {  	s0 =	sand.u32 $0x300, s25;
	s30 =	sand.u32 $0x70, s26;
	[sflag:s22] =	ssyncset.done $0x0  }
0x278: {  	s0 =	sor.u32 s30, s0;
	[sflag:s22] =	ssyncadd.s32 $0xFFFFC000  }
0x279: {  	v2 =	vld [tilespmem:s0+$0x80];
	_ =	sdelay $0x2  }
0x27a: {  	v3 =	vmov s26  }
0x27b: {  	v3 =	vshll.u32 v3, $0x7  }
0x27c: {  	v3 =	vor.u32 v1, v3;
	v2 =	vshll.u32 v2, $0x5  }
0x27d: {  	v4 =	vor.u32 $0x1, v3;
	v2 =	vand.u32 $0x60, v2  }
0x27e: {  	v2 =	vor.u32 v3, v2  }
0x27f: {  	v6 =	vor.u32 $0x2, v3  }
0x280: {  	v5 =	vor.u32 $0x1, v2  }
0x281: {  	v10 =	vor.u32 $0x3, v3;
	v7 =	vld.idx.msk [tilespmem:v3+s28+$0x0], $0xffff  }
0x282: {  	v4 =	vld.idx.msk [tilespmem:v4+s28+$0x0], $0xffff;
	v8 =	vor.u32 $0x2, v2  }
0x283: {  	v12 =	vor.u32 $0x4, v3;
	v9 =	vld.idx.msk [tilespmem:v2+s24+$0x0], $0xffff  }
0x284: {  	v6 =	vld.idx.msk [tilespmem:v6+s28+$0x0], $0xffff;
	v11 =	vor.u32 $0x3, v2  }
0x285: {  	v14 =	vor.u32 $0x5, v3;
	v5 =	vld.idx.msk [tilespmem:v5+s24+$0x0], $0xffff  }
0x286: {  	v10 =	vld.idx.msk [tilespmem:v10+s28+$0x0], $0xffff;
	v13 =	vor.u32 $0x4, v2  }
0x287: {  	v15 =	vor.u32 $0x5, v2;
	v8 =	vld.idx.msk [tilespmem:v8+s24+$0x0], $0xffff  }
0x288: {  	v31 =	vor.u32 $0x6, v3;
	v12 =	vld.idx.msk [tilespmem:v12+s28+$0x0], $0xffff;
	v7 =	vmul.f32 v9, v7  }
0x289: {  	v16 =	vor.u32 $0x6, v2;
	v30 =	vld.idx.msk [tilespmem:v11+s24+$0x0], $0xffff  }
0x28a: {  	v14 =	vld.idx.msk [tilespmem:v14+s28+$0x0], $0xffff;
	v17 =	vor.u32 $0x7, v2;
	v4 =	vmul.f32 v5, v4;
	v7 =	vadd.f32 $0.0e+00, v7  }
0x28b: {  	v35 =	vor.u32 $0x8, v2;
	v5 =	vld.idx.msk [tilespmem:v13+s24+$0x0], $0xffff  }
0x28c: {  	v32 =	vor.u32 $0x7, v3;
	v33 =	vld.idx.msk [tilespmem:v15+s24+$0x0], $0xffff;
	v6 =	vmul.f32 v8, v6;
	v4 =	vadd.f32 v4, v7  }
0x28d: {  	v39 =	vor.u32 $0x9, v2;
	v11 =	vld.idx.msk [tilespmem:v31+s28+$0x0], $0xffff  }
0x28e: {  	v34 =	vor.u32 $0x8, v3;
	v37 =	vld.idx.msk [tilespmem:v16+s24+$0x0], $0xffff;
	v36 =	vmul.f32 v30, v10;
	v4 =	vadd.f32 v6, v4  }
0x28f: {  	v42 =	vor.u32 $0xA, v2;
	v40 =	vld.idx.msk [tilespmem:v17+s24+$0x0], $0xffff  }
0x290: {  	v38 =	vor.u32 $0x9, v3;
	v43 =	vld.idx.msk [tilespmem:v35+s24+$0x0], $0xffff;
	v5 =	vmul.f32 v5, v12;
	v4 =	vadd.f32 v36, v4  }
0x291: {  	v45 =	vor.u32 $0xB, v2;
	v13 =	vld.idx.msk [tilespmem:v32+s28+$0x0], $0xffff  }
0x292: {  	v41 =	vor.u32 $0xA, v3;
	v46 =	vld.idx.msk [tilespmem:v39+s24+$0x0], $0xffff;
	v4 =	vadd.f32 v5, v4;
	v5 =	vmul.f32 v33, v14  }
0x293: {  	v48 =	vor.u32 $0xC, v2;
	v8 =	vld.idx.msk [tilespmem:v34+s28+$0x0], $0xffff  }
0x294: {  	v44 =	vor.u32 $0xB, v3;
	v49 =	vld.idx.msk [tilespmem:v42+s24+$0x0], $0xffff;
	v4 =	vadd.f32 v5, v4;
	v5 =	vmul.f32 v37, v11  }
0x295: {  	v51 =	vor.u32 $0xD, v2;
	v10 =	vld.idx.msk [tilespmem:v38+s28+$0x0], $0xffff  }
0x296: {  	v47 =	vor.u32 $0xC, v3;
	v52 =	vld.idx.msk [tilespmem:v45+s24+$0x0], $0xffff;
	v4 =	vadd.f32 v5, v4;
	v5 =	vmul.f32 v40, v13  }
0x297: {  	v54 =	vor.u32 $0xE, v2;
	v12 =	vld.idx.msk [tilespmem:v41+s28+$0x0], $0xffff  }
0x298: {  	v50 =	vor.u32 $0xD, v3;
	v55 =	vld.idx.msk [tilespmem:v48+s24+$0x0], $0xffff;
	v4 =	vadd.f32 v5, v4;
	v5 =	vmul.f32 v43, v8  }
0x299: {  	v57 =	vor.u32 $0xF, v2;
	v14 =	vld.idx.msk [tilespmem:v44+s28+$0x0], $0xffff  }
0x29a: {  	v53 =	vor.u32 $0xE, v3;
	v58 =	vld.idx.msk [tilespmem:v51+s24+$0x0], $0xffff;
	v4 =	vadd.f32 v5, v4;
	v5 =	vmul.f32 v46, v10  }
0x29b: {  	v60 =	vor.u32 $0x10, v2;
	v11 =	vld.idx.msk [tilespmem:v47+s28+$0x0], $0xffff  }
0x29c: {  	v56 =	vor.u32 $0xF, v3;
	v61 =	vld.idx.msk [tilespmem:v54+s24+$0x0], $0xffff;
	v4 =	vadd.f32 v5, v4;
	v5 =	vmul.f32 v49, v12  }
0x29d: {  	v63 =	vor.u32 $0x11, v2;
	v13 =	vld.idx.msk [tilespmem:v50+s28+$0x0], $0xffff  }
0x29e: {  	v59 =	vor.u32 $0x10, v3;
	v20 =	vld.idx.msk [tilespmem:v57+s24+$0x0], $0xffff;
	v4 =	vadd.f32 v5, v4;
	v5 =	vmul.f32 v52, v14  }
0x29f: {  	v22 =	vor.u32 $0x12, v2;
	v8 =	vld.idx.msk [tilespmem:v53+s28+$0x0], $0xffff  }
0x2a0: {  	v62 =	vor.u32 $0x11, v3;
	v23 =	vld.idx.msk [tilespmem:v60+s24+$0x0], $0xffff;
	v4 =	vadd.f32 v5, v4;
	v5 =	vmul.f32 v55, v11  }
0x2a1: {  	v28 =	vor.u32 $0x14, v2;
	v10 =	vld.idx.msk [tilespmem:v56+s28+$0x0], $0xffff  }
0x2a2: {  	v21 =	vor.u32 $0x12, v3;
	v26 =	vld.idx.msk [tilespmem:v63+s24+$0x0], $0xffff;
	v4 =	vadd.f32 v5, v4;
	v5 =	vmul.f32 v58, v13  }
0x2a3: {  	v25 =	vor.u32 $0x13, v2;
	v12 =	vld.idx.msk [tilespmem:v59+s28+$0x0], $0xffff  }
0x2a4: {  	v24 =	vor.u32 $0x13, v3;
	v29 =	vld.idx.msk [tilespmem:v22+s24+$0x0], $0xffff;
	v4 =	vadd.f32 v5, v4;
	v5 =	vmul.f32 v61, v8  }
0x2a5: {  	v31 =	vor.u32 $0x15, v2;
	v14 =	vld.idx.msk [tilespmem:v62+s28+$0x0], $0xffff  }
0x2a6: {  	v27 =	vor.u32 $0x14, v3;
	v35 =	vld.idx.msk [tilespmem:v28+s24+$0x0], $0xffff;
	v4 =	vadd.f32 v5, v4;
	v5 =	vmul.f32 v20, v10  }
0x2a7: {  	v54 =	vor.u32 $0x1D, v3;
	v11 =	vld.idx.msk [tilespmem:v21+s28+$0x0], $0xffff  }
0x2a8: {  	v30 =	vor.u32 $0x15, v3;
	v32 =	vld.idx.msk [tilespmem:v25+s24+$0x0], $0xffff;
	v4 =	vadd.f32 v5, v4;
	v5 =	vmul.f32 v23, v12  }
0x2a9: {  	v34 =	vor.u32 $0x16, v2;
	v13 =	vld.idx.msk [tilespmem:v24+s28+$0x0], $0xffff  }
0x2aa: {  	v38 =	vld.idx.msk [tilespmem:v31+s24+$0x0], $0xffff;
	v33 =	vor.u32 $0x16, v3;
	v4 =	vadd.f32 v5, v4;
	v5 =	vmul.f32 v26, v14  }
0x2ab: {  	v37 =	vor.u32 $0x17, v2;
	v8 =	vld.idx.msk [tilespmem:v27+s28+$0x0], $0xffff  }
0x2ac: {  	v60 =	vld.idx.msk [tilespmem:v54+s28+$0x0], $0xffff;
	v36 =	vor.u32 $0x17, v3;
	v4 =	vadd.f32 v5, v4;
	v5 =	vmul.f32 v29, v11  }
0x2ad: {  	v40 =	vor.u32 $0x18, v2;
	v10 =	vld.idx.msk [tilespmem:v30+s28+$0x0], $0xffff  }
0x2ae: {  	v39 =	vor.u32 $0x18, v3;
	v41 =	vld.idx.msk [tilespmem:v34+s24+$0x0], $0xffff;
	v4 =	vadd.f32 v5, v4;
	v5 =	vmul.f32 v32, v13  }
0x2af: {  	v43 =	vor.u32 $0x19, v2;
	v12 =	vld.idx.msk [tilespmem:v33+s28+$0x0], $0xffff  }
0x2b0: {  	v42 =	vor.u32 $0x19, v3;
	v44 =	vld.idx.msk [tilespmem:v37+s24+$0x0], $0xffff;
	v4 =	vadd.f32 v5, v4;
	v5 =	vmul.f32 v35, v8  }
0x2b1: {  	v46 =	vor.u32 $0x1A, v2;
	v14 =	vld.idx.msk [tilespmem:v36+s28+$0x0], $0xffff  }
0x2b2: {  	v45 =	vor.u32 $0x1A, v3;
	v47 =	vld.idx.msk [tilespmem:v40+s24+$0x0], $0xffff;
	v4 =	vadd.f32 v5, v4;
	v5 =	vmul.f32 v38, v10  }
0x2b3: {  	v49 =	vor.u32 $0x1B, v2;
	v11 =	vld.idx.msk [tilespmem:v39+s28+$0x0], $0xffff  }
0x2b4: {  	v48 =	vor.u32 $0x1B, v3;
	v50 =	vld.idx.msk [tilespmem:v43+s24+$0x0], $0xffff;
	v4 =	vadd.f32 v5, v4;
	v5 =	vmul.f32 v41, v12  }
0x2b5: {  	v52 =	vor.u32 $0x1C, v2;
	v13 =	vld.idx.msk [tilespmem:v42+s28+$0x0], $0xffff  }
0x2b6: {  	v51 =	vor.u32 $0x1C, v3;
	v53 =	vld.idx.msk [tilespmem:v46+s24+$0x0], $0xffff;
	v4 =	vadd.f32 v5, v4;
	v5 =	vmul.f32 v44, v14  }
0x2b7: {  	v57 =	vor.u32 $0x1E, v3;
	v3 =	vor.u32 $0x1F, v3;
	v8 =	vld.idx.msk [tilespmem:v45+s28+$0x0], $0xffff  }
0x2b8: {  	v55 =	vor.u32 $0x1D, v2;
	v56 =	vld.idx.msk [tilespmem:v49+s24+$0x0], $0xffff;
	v4 =	vadd.f32 v5, v4;
	v5 =	vmul.f32 v47, v11  }
0x2b9: {  	v10 =	vld.idx.msk [tilespmem:v48+s28+$0x0], $0xffff  }
0x2ba: {  	v58 =	vor.u32 $0x1E, v2;
	v59 =	vld.idx.msk [tilespmem:v52+s24+$0x0], $0xffff;
	v4 =	vadd.f32 v5, v4;
	v5 =	vmul.f32 v50, v13  }
0x2bb: {  	v2 =	vor.u32 $0x1F, v2;
	v12 =	vld.idx.msk [tilespmem:v51+s28+$0x0], $0xffff  }
0x2bc: {  	v3 =	vld.idx.msk [tilespmem:v3+s28+$0x0], $0xffff;
	v4 =	vadd.f32 v5, v4;
	v5 =	vmul.f32 v53, v8  }
0x2bd: {  	v61 =	vld.idx.msk [tilespmem:v55+s24+$0x0], $0xffff  }
0x2be: {  	v62 =	vld.idx.msk [tilespmem:v57+s28+$0x0], $0xffff;
	v4 =	vadd.f32 v5, v4;
	v5 =	vmul.f32 v56, v10  }
0x2bf: {  	v63 =	vld.idx.msk [tilespmem:v58+s24+$0x0], $0xffff  }
0x2c0: {  	v2 =	vld.idx.msk [tilespmem:v2+s24+$0x0], $0xffff;
	v4 =	vadd.f32 v5, v4;
	v5 =	vmul.f32 v59, v12;
	_ =	sdelay $0x1  }
0x2c1: {  	v4 =	vadd.f32 v5, v4;
	v5 =	vmul.f32 v61, v60;
	_ =	sdelay $0x1  }
0x2c2: {  	s31 =	simm.s32 $0x100;
	v4 =	vadd.f32 v5, v4;
	v5 =	vmul.f32 v63, v62  }
0x2c3: {  	v3 =	vmul.f32 v2, v3;
	v2 =	vor.u32 s31, v0  }
0x2c4: {  	v4 =	vadd.f32 v5, v4  }
0x2c5: {  	s7 =	simm.s32 $0x10  }
0x2c6: {  	s16 =	simm.s32 $0x220;
	s15 =	simm.s32 $0x110;
	s17 =	simm.s32 $0x240;
	v3 =	vadd.f32 v3, v4  }
.LBB2_8:
0x2c7: {  	p0 =	sne.s32 s17, $0x3E0;
	s0 =	sand.u32 $0x70, s7;
	s1 =	sand.u32 $0x300, s16  }
0x2c8: {  	s16 =	smov.u32 s17;
	s0 =	sor.u32 s0, s1;
	[tilespmem:v2+s29+$0x0] =	vst.idx.msk $0xffff, v3  }
0x2c9: {  	v2 =	vld [tilespmem:s0+$0x80];
	_ =	sdelay $0x3  }
0x2ca: {  	v3 =	vmov s7  }
0x2cb: {  	v3 =	vshll.u32 v3, $0x7;
	v2 =	vshll.u32 v2, $0x5  }
0x2cc: {  	v3 =	vor.u32 v1, v3;
	v2 =	vand.u32 $0x60, v2  }
0x2cd: {  	v2 =	vor.u32 v3, v2  }
0x2ce: {  	v4 =	vor.u32 $0x1, v3  }
0x2cf: {  	v5 =	vor.u32 $0x1, v2  }
0x2d0: {  	v6 =	vor.u32 $0x2, v3  }
0x2d1: {  	v8 =	vor.u32 $0x2, v2;
	v7 =	vld.idx.msk [tilespmem:v3+s28+$0x0], $0xffff  }
0x2d2: {  	v10 =	vor.u32 $0x3, v3;
	v9 =	vld.idx.msk [tilespmem:v2+s24+$0x0], $0xffff  }
0x2d3: {  	v11 =	vor.u32 $0x3, v2;
	v4 =	vld.idx.msk [tilespmem:v4+s28+$0x0], $0xffff  }
0x2d4: {  	v12 =	vor.u32 $0x4, v3;
	v5 =	vld.idx.msk [tilespmem:v5+s24+$0x0], $0xffff  }
0x2d5: {  	v13 =	vor.u32 $0x4, v2;
	v6 =	vld.idx.msk [tilespmem:v6+s28+$0x0], $0xffff  }
0x2d6: {  	v14 =	vor.u32 $0x5, v3;
	v8 =	vld.idx.msk [tilespmem:v8+s24+$0x0], $0xffff  }
0x2d7: {  	v15 =	vor.u32 $0x5, v2;
	v10 =	vld.idx.msk [tilespmem:v10+s28+$0x0], $0xffff  }
0x2d8: {  	v7 =	vmul.f32 v9, v7;
	v9 =	vld.idx.msk [tilespmem:v11+s24+$0x0], $0xffff;
	v11 =	vor.u32 $0x6, v3  }
0x2d9: {  	v16 =	vor.u32 $0x6, v2;
	v12 =	vld.idx.msk [tilespmem:v12+s28+$0x0], $0xffff  }
0x2da: {  	v7 =	vadd.f32 $0.0e+00, v7;
	v4 =	vmul.f32 v5, v4;
	v5 =	vld.idx.msk [tilespmem:v13+s24+$0x0], $0xffff;
	v13 =	vor.u32 $0x7, v3  }
0x2db: {  	v17 =	vor.u32 $0x7, v2;
	v14 =	vld.idx.msk [tilespmem:v14+s28+$0x0], $0xffff  }
0x2dc: {  	v4 =	vadd.f32 v4, v7;
	v6 =	vmul.f32 v8, v6;
	v8 =	vor.u32 $0x8, v3;
	v7 =	vld.idx.msk [tilespmem:v15+s24+$0x0], $0xffff  }
0x2dd: {  	v15 =	vor.u32 $0x8, v2;
	v11 =	vld.idx.msk [tilespmem:v11+s28+$0x0], $0xffff  }
0x2de: {  	v4 =	vadd.f32 v6, v4;
	v6 =	vmul.f32 v9, v10;
	v10 =	vor.u32 $0x9, v3;
	v9 =	vld.idx.msk [tilespmem:v16+s24+$0x0], $0xffff  }
0x2df: {  	v16 =	vor.u32 $0x9, v2;
	v13 =	vld.idx.msk [tilespmem:v13+s28+$0x0], $0xffff  }
0x2e0: {  	v4 =	vadd.f32 v6, v4;
	v5 =	vmul.f32 v5, v12;
	v12 =	vor.u32 $0xA, v3;
	v6 =	vld.idx.msk [tilespmem:v17+s24+$0x0], $0xffff  }
0x2e1: {  	v17 =	vor.u32 $0xA, v2;
	v8 =	vld.idx.msk [tilespmem:v8+s28+$0x0], $0xffff  }
0x2e2: {  	v4 =	vadd.f32 v5, v4;
	v5 =	vmul.f32 v7, v14;
	v14 =	vor.u32 $0xB, v3;
	v7 =	vld.idx.msk [tilespmem:v15+s24+$0x0], $0xffff  }
0x2e3: {  	v15 =	vor.u32 $0xB, v2;
	v10 =	vld.idx.msk [tilespmem:v10+s28+$0x0], $0xffff  }
0x2e4: {  	v4 =	vadd.f32 v5, v4;
	v5 =	vmul.f32 v9, v11;
	v11 =	vor.u32 $0xC, v3;
	v9 =	vld.idx.msk [tilespmem:v16+s24+$0x0], $0xffff  }
0x2e5: {  	v16 =	vor.u32 $0xC, v2;
	v12 =	vld.idx.msk [tilespmem:v12+s28+$0x0], $0xffff  }
0x2e6: {  	v4 =	vadd.f32 v5, v4;
	v5 =	vmul.f32 v6, v13;
	v13 =	vor.u32 $0xD, v3;
	v6 =	vld.idx.msk [tilespmem:v17+s24+$0x0], $0xffff  }
0x2e7: {  	v17 =	vor.u32 $0xD, v2;
	v14 =	vld.idx.msk [tilespmem:v14+s28+$0x0], $0xffff  }
0x2e8: {  	v4 =	vadd.f32 v5, v4;
	v5 =	vmul.f32 v7, v8;
	v8 =	vor.u32 $0xE, v3;
	v7 =	vld.idx.msk [tilespmem:v15+s24+$0x0], $0xffff  }
0x2e9: {  	v15 =	vor.u32 $0xE, v2;
	v11 =	vld.idx.msk [tilespmem:v11+s28+$0x0], $0xffff  }
0x2ea: {  	v4 =	vadd.f32 v5, v4;
	v5 =	vmul.f32 v9, v10;
	v10 =	vor.u32 $0xF, v3;
	v9 =	vld.idx.msk [tilespmem:v16+s24+$0x0], $0xffff  }
0x2eb: {  	v16 =	vor.u32 $0xF, v2;
	v13 =	vld.idx.msk [tilespmem:v13+s28+$0x0], $0xffff  }
0x2ec: {  	v4 =	vadd.f32 v5, v4;
	v5 =	vmul.f32 v6, v12;
	v12 =	vor.u32 $0x10, v3;
	v6 =	vld.idx.msk [tilespmem:v17+s24+$0x0], $0xffff  }
0x2ed: {  	v17 =	vor.u32 $0x10, v2;
	v8 =	vld.idx.msk [tilespmem:v8+s28+$0x0], $0xffff  }
0x2ee: {  	v4 =	vadd.f32 v5, v4;
	v5 =	vmul.f32 v7, v14;
	v14 =	vor.u32 $0x11, v3;
	v7 =	vld.idx.msk [tilespmem:v15+s24+$0x0], $0xffff  }
0x2ef: {  	v15 =	vor.u32 $0x11, v2;
	v10 =	vld.idx.msk [tilespmem:v10+s28+$0x0], $0xffff  }
0x2f0: {  	v4 =	vadd.f32 v5, v4;
	v5 =	vmul.f32 v9, v11;
	v11 =	vor.u32 $0x12, v3;
	v9 =	vld.idx.msk [tilespmem:v16+s24+$0x0], $0xffff  }
0x2f1: {  	v16 =	vor.u32 $0x12, v2;
	v12 =	vld.idx.msk [tilespmem:v12+s28+$0x0], $0xffff  }
0x2f2: {  	v4 =	vadd.f32 v5, v4;
	v5 =	vmul.f32 v6, v13;
	v13 =	vor.u32 $0x13, v3;
	v6 =	vld.idx.msk [tilespmem:v17+s24+$0x0], $0xffff  }
0x2f3: {  	v17 =	vor.u32 $0x13, v2;
	v14 =	vld.idx.msk [tilespmem:v14+s28+$0x0], $0xffff  }
0x2f4: {  	v4 =	vadd.f32 v5, v4;
	v5 =	vmul.f32 v7, v8;
	v8 =	vor.u32 $0x14, v3;
	v7 =	vld.idx.msk [tilespmem:v15+s24+$0x0], $0xffff  }
0x2f5: {  	v15 =	vor.u32 $0x14, v2;
	v11 =	vld.idx.msk [tilespmem:v11+s28+$0x0], $0xffff  }
0x2f6: {  	v4 =	vadd.f32 v5, v4;
	v5 =	vmul.f32 v9, v10;
	v10 =	vor.u32 $0x15, v3;
	v9 =	vld.idx.msk [tilespmem:v16+s24+$0x0], $0xffff  }
0x2f7: {  	v16 =	vor.u32 $0x15, v2;
	v13 =	vld.idx.msk [tilespmem:v13+s28+$0x0], $0xffff  }
0x2f8: {  	v4 =	vadd.f32 v5, v4;
	v5 =	vmul.f32 v6, v12;
	v12 =	vor.u32 $0x16, v3;
	v6 =	vld.idx.msk [tilespmem:v17+s24+$0x0], $0xffff  }
0x2f9: {  	v17 =	vor.u32 $0x16, v2;
	v8 =	vld.idx.msk [tilespmem:v8+s28+$0x0], $0xffff  }
0x2fa: {  	v4 =	vadd.f32 v5, v4;
	v5 =	vmul.f32 v7, v14;
	v14 =	vor.u32 $0x17, v3;
	v7 =	vld.idx.msk [tilespmem:v15+s24+$0x0], $0xffff  }
0x2fb: {  	v15 =	vor.u32 $0x17, v2;
	v10 =	vld.idx.msk [tilespmem:v10+s28+$0x0], $0xffff  }
0x2fc: {  	v4 =	vadd.f32 v5, v4;
	v5 =	vmul.f32 v9, v11;
	v11 =	vor.u32 $0x18, v3;
	v9 =	vld.idx.msk [tilespmem:v16+s24+$0x0], $0xffff  }
0x2fd: {  	v16 =	vor.u32 $0x18, v2;
	v12 =	vld.idx.msk [tilespmem:v12+s28+$0x0], $0xffff  }
0x2fe: {  	v4 =	vadd.f32 v5, v4;
	v5 =	vmul.f32 v6, v13;
	v13 =	vor.u32 $0x19, v3;
	v6 =	vld.idx.msk [tilespmem:v17+s24+$0x0], $0xffff  }
0x2ff: {  	v17 =	vor.u32 $0x19, v2;
	v14 =	vld.idx.msk [tilespmem:v14+s28+$0x0], $0xffff  }
0x300: {  	v4 =	vadd.f32 v5, v4;
	v5 =	vmul.f32 v7, v8;
	v8 =	vor.u32 $0x1A, v3;
	v7 =	vld.idx.msk [tilespmem:v15+s24+$0x0], $0xffff  }
0x301: {  	v15 =	vor.u32 $0x1A, v2;
	v11 =	vld.idx.msk [tilespmem:v11+s28+$0x0], $0xffff  }
0x302: {  	v4 =	vadd.f32 v5, v4;
	v5 =	vmul.f32 v9, v10;
	v10 =	vor.u32 $0x1B, v3;
	v9 =	vld.idx.msk [tilespmem:v16+s24+$0x0], $0xffff  }
0x303: {  	v16 =	vor.u32 $0x1B, v2;
	v13 =	vld.idx.msk [tilespmem:v13+s28+$0x0], $0xffff  }
0x304: {  	v4 =	vadd.f32 v5, v4;
	v5 =	vmul.f32 v6, v12;
	v12 =	vor.u32 $0x1C, v3;
	v6 =	vld.idx.msk [tilespmem:v17+s24+$0x0], $0xffff  }
0x305: {  	v17 =	vor.u32 $0x1C, v2;
	v8 =	vld.idx.msk [tilespmem:v8+s28+$0x0], $0xffff  }
0x306: {  	v4 =	vadd.f32 v5, v4;
	v5 =	vmul.f32 v7, v14;
	v14 =	vor.u32 $0x1D, v3;
	v7 =	vld.idx.msk [tilespmem:v15+s24+$0x0], $0xffff  }
0x307: {  	v15 =	vor.u32 $0x1D, v2;
	v10 =	vld.idx.msk [tilespmem:v10+s28+$0x0], $0xffff  }
0x308: {  	v4 =	vadd.f32 v5, v4;
	v5 =	vmul.f32 v9, v11;
	v11 =	vor.u32 $0x1E, v3;
	v9 =	vld.idx.msk [tilespmem:v16+s24+$0x0], $0xffff  }
0x309: {  	v16 =	vor.u32 $0x1E, v2;
	v12 =	vld.idx.msk [tilespmem:v12+s28+$0x0], $0xffff  }
0x30a: {  	v3 =	vor.u32 $0x1F, v3;
	v4 =	vadd.f32 v5, v4;
	v5 =	vmul.f32 v6, v13;
	v6 =	vld.idx.msk [tilespmem:v17+s24+$0x0], $0xffff  }
0x30b: {  	v2 =	vor.u32 $0x1F, v2;
	v13 =	vld.idx.msk [tilespmem:v14+s28+$0x0], $0xffff  }
0x30c: {  	v4 =	vadd.f32 v5, v4;
	v5 =	vmul.f32 v7, v8;
	v7 =	vld.idx.msk [tilespmem:v15+s24+$0x0], $0xffff  }
0x30d: {  	v8 =	vld.idx.msk [tilespmem:v11+s28+$0x0], $0xffff  }
0x30e: {  	v4 =	vadd.f32 v5, v4;
	v5 =	vmul.f32 v9, v10;
	v9 =	vld.idx.msk [tilespmem:v16+s24+$0x0], $0xffff  }
0x30f: {  	v3 =	vld.idx.msk [tilespmem:v3+s28+$0x0], $0xffff  }
0x310: {  	v4 =	vadd.f32 v5, v4;
	v5 =	vmul.f32 v6, v12;
	v6 =	vld.idx.msk [tilespmem:v2+s24+$0x0], $0xffff;
	_ =	sdelay $0x1  }
0x311: {  	v2 =	vadd.f32 v5, v4;
	v4 =	vmul.f32 v7, v13;
	_ =	sdelay $0x1  }
.Ltmp3:
0x312: {  	v4 =	vadd.f32 v4, v2;
	v5 =	vmul.f32 v9, v8;
	(pc) =	sbr.rel @p0 .LBB2_8-.Ltmp3, $4  }
0x313: {  	v2 =	vor.u32 s15, v0  }
0x314: {  	v4 =	vadd.f32 v5, v4;
	v3 =	vmul.f32 v6, v3  }
0x315: {  	s15 =	sadd.s32 $0x10, s15  }
0x316: {  	s17 =	sadd.s32 $0x20, s17;
	s7 =	sadd.s32 $0xFFFFFF00, s15;
	v3 =	vadd.f32 v3, v4  }
0x317: {  	_ =	sdelay $0x2  }
0x318: {  	s0 =	sand.u32 $0x70, s7;
	s1 =	sand.u32 $0x300, s16  }
0x319: {  	s0 =	sor.u32 s0, s1;
	[tilespmem:v2+s29+$0x0] =	vst.idx.msk $0xffff, v3  }
0x31a: {  	v2 =	vld [tilespmem:s0+$0x80];
	_ =	sdelay $0x3  }
0x31b: {  	v3 =	vmov s7  }
0x31c: {  	v3 =	vshll.u32 v3, $0x7;
	v2 =	vshll.u32 v2, $0x5  }
0x31d: {  	v3 =	vor.u32 v1, v3;
	v2 =	vand.u32 $0x60, v2  }
0x31e: {  	v2 =	vor.u32 v3, v2  }
0x31f: {  	v4 =	vor.u32 $0x1, v3  }
0x320: {  	v5 =	vor.u32 $0x1, v2  }
0x321: {  	v6 =	vor.u32 $0x2, v3  }
0x322: {  	v7 =	vld.idx.msk [tilespmem:v3+s28+$0x0], $0xffff;
	v8 =	vor.u32 $0x2, v2  }
0x323: {  	v10 =	vor.u32 $0x3, v3;
	v9 =	vld.idx.msk [tilespmem:v2+s24+$0x0], $0xffff  }
0x324: {  	v4 =	vld.idx.msk [tilespmem:v4+s28+$0x0], $0xffff;
	v11 =	vor.u32 $0x3, v2  }
0x325: {  	v12 =	vor.u32 $0x4, v3;
	v5 =	vld.idx.msk [tilespmem:v5+s24+$0x0], $0xffff  }
0x326: {  	v6 =	vld.idx.msk [tilespmem:v6+s28+$0x0], $0xffff;
	v13 =	vor.u32 $0x4, v2  }
0x327: {  	v14 =	vor.u32 $0x5, v3;
	v8 =	vld.idx.msk [tilespmem:v8+s24+$0x0], $0xffff  }
0x328: {  	v10 =	vld.idx.msk [tilespmem:v10+s28+$0x0], $0xffff;
	v15 =	vor.u32 $0x5, v2;
	v7 =	vmul.f32 v9, v7  }
0x329: {  	v47 =	vor.u32 $0x6, v3;
	v46 =	vld.idx.msk [tilespmem:v11+s24+$0x0], $0xffff  }
0x32a: {  	v12 =	vld.idx.msk [tilespmem:v12+s28+$0x0], $0xffff;
	v16 =	vor.u32 $0x6, v2;
	v4 =	vmul.f32 v5, v4;
	v7 =	vadd.f32 $0.0e+00, v7  }
0x32b: {  	v49 =	vor.u32 $0x7, v3;
	v48 =	vld.idx.msk [tilespmem:v13+s24+$0x0], $0xffff  }
0x32c: {  	v14 =	vld.idx.msk [tilespmem:v14+s28+$0x0], $0xffff;
	v17 =	vor.u32 $0x7, v2;
	v6 =	vmul.f32 v8, v6;
	v4 =	vadd.f32 v4, v7  }
0x32d: {  	v52 =	vor.u32 $0x8, v2;
	v50 =	vld.idx.msk [tilespmem:v15+s24+$0x0], $0xffff  }
0x32e: {  	v51 =	vor.u32 $0x8, v3;
	v11 =	vld.idx.msk [tilespmem:v47+s28+$0x0], $0xffff;
	v53 =	vmul.f32 v46, v10;
	v4 =	vadd.f32 v6, v4  }
0x32f: {  	v56 =	vor.u32 $0x9, v2;
	v54 =	vld.idx.msk [tilespmem:v16+s24+$0x0], $0xffff  }
0x330: {  	v55 =	vor.u32 $0x9, v3;
	v13 =	vld.idx.msk [tilespmem:v49+s28+$0x0], $0xffff;
	v5 =	vmul.f32 v48, v12;
	v4 =	vadd.f32 v53, v4  }
0x331: {  	v59 =	vor.u32 $0xA, v2;
	v57 =	vld.idx.msk [tilespmem:v17+s24+$0x0], $0xffff  }
0x332: {  	v58 =	vor.u32 $0xA, v3;
	v61 =	vld.idx.msk [tilespmem:v52+s24+$0x0], $0xffff;
	v60 =	vmul.f32 v50, v14;
	v4 =	vadd.f32 v5, v4  }
0x333: {  	v63 =	vor.u32 $0xB, v2;
	v8 =	vld.idx.msk [tilespmem:v51+s28+$0x0], $0xffff  }
0x334: {  	v62 =	vor.u32 $0xB, v3;
	v21 =	vld.idx.msk [tilespmem:v56+s24+$0x0], $0xffff;
	v20 =	vmul.f32 v54, v11;
	v4 =	vadd.f32 v60, v4  }
0x335: {  	v23 =	vor.u32 $0xC, v2;
	v10 =	vld.idx.msk [tilespmem:v55+s28+$0x0], $0xffff  }
0x336: {  	v22 =	vor.u32 $0xC, v3;
	v25 =	vld.idx.msk [tilespmem:v59+s24+$0x0], $0xffff;
	v24 =	vmul.f32 v57, v13;
	v4 =	vadd.f32 v20, v4  }
0x337: {  	v27 =	vor.u32 $0xD, v2;
	v12 =	vld.idx.msk [tilespmem:v58+s28+$0x0], $0xffff  }
0x338: {  	v26 =	vor.u32 $0xD, v3;
	v29 =	vld.idx.msk [tilespmem:v63+s24+$0x0], $0xffff;
	v28 =	vmul.f32 v61, v8;
	v4 =	vadd.f32 v24, v4  }
0x339: {  	v31 =	vor.u32 $0xE, v2;
	v14 =	vld.idx.msk [tilespmem:v62+s28+$0x0], $0xffff  }
0x33a: {  	v30 =	vor.u32 $0xE, v3;
	v33 =	vld.idx.msk [tilespmem:v23+s24+$0x0], $0xffff;
	v32 =	vmul.f32 v21, v10;
	v4 =	vadd.f32 v28, v4  }
0x33b: {  	v35 =	vor.u32 $0xF, v2;
	v11 =	vld.idx.msk [tilespmem:v22+s28+$0x0], $0xffff  }
0x33c: {  	v34 =	vor.u32 $0xF, v3;
	v37 =	vld.idx.msk [tilespmem:v27+s24+$0x0], $0xffff;
	v36 =	vmul.f32 v25, v12;
	v4 =	vadd.f32 v32, v4  }
0x33d: {  	v39 =	vor.u32 $0x10, v2;
	v13 =	vld.idx.msk [tilespmem:v26+s28+$0x0], $0xffff  }
0x33e: {  	v38 =	vor.u32 $0x10, v3;
	v41 =	vld.idx.msk [tilespmem:v31+s24+$0x0], $0xffff;
	v40 =	vmul.f32 v29, v14;
	v4 =	vadd.f32 v36, v4  }
0x33f: {  	v42 =	vor.u32 $0x11, v3;
	v8 =	vld.idx.msk [tilespmem:v30+s28+$0x0], $0xffff  }
0x340: {  	v43 =	vor.u32 $0x11, v2;
	v45 =	vld.idx.msk [tilespmem:v35+s24+$0x0], $0xffff;
	v44 =	vmul.f32 v33, v11;
	v4 =	vadd.f32 v40, v4  }
0x341: {  	v47 =	vor.u32 $0x12, v2;
	v10 =	vld.idx.msk [tilespmem:v34+s28+$0x0], $0xffff  }
0x342: {  	v49 =	vld.idx.msk [tilespmem:v39+s24+$0x0], $0xffff;
	v46 =	vor.u32 $0x12, v3;
	v48 =	vmul.f32 v37, v13;
	v4 =	vadd.f32 v44, v4  }
0x343: {  	v50 =	vor.u32 $0x13, v3;
	v12 =	vld.idx.msk [tilespmem:v38+s28+$0x0], $0xffff  }
0x344: {  	v51 =	vor.u32 $0x13, v2;
	v14 =	vld.idx.msk [tilespmem:v42+s28+$0x0], $0xffff;
	v52 =	vmul.f32 v41, v8;
	v4 =	vadd.f32 v48, v4  }
0x345: {  	v55 =	vor.u32 $0x14, v2;
	v53 =	vld.idx.msk [tilespmem:v43+s24+$0x0], $0xffff  }
0x346: {  	v54 =	vor.u32 $0x14, v3;
	v57 =	vld.idx.msk [tilespmem:v47+s24+$0x0], $0xffff;
	v56 =	vmul.f32 v45, v10;
	v4 =	vadd.f32 v52, v4  }
0x347: {  	v59 =	vor.u32 $0x15, v2;
	v11 =	vld.idx.msk [tilespmem:v46+s28+$0x0], $0xffff  }
0x348: {  	v58 =	vor.u32 $0x15, v3;
	v13 =	vld.idx.msk [tilespmem:v50+s28+$0x0], $0xffff;
	v60 =	vmul.f32 v49, v12;
	v4 =	vadd.f32 v56, v4  }
0x349: {  	v63 =	vor.u32 $0x16, v2;
	v61 =	vld.idx.msk [tilespmem:v51+s24+$0x0], $0xffff  }
0x34a: {  	v62 =	vor.u32 $0x16, v3;
	v21 =	vld.idx.msk [tilespmem:v55+s24+$0x0], $0xffff;
	v20 =	vmul.f32 v53, v14;
	v4 =	vadd.f32 v60, v4  }
0x34b: {  	v23 =	vor.u32 $0x17, v2;
	v8 =	vld.idx.msk [tilespmem:v54+s28+$0x0], $0xffff  }
0x34c: {  	v22 =	vor.u32 $0x17, v3;
	v25 =	vld.idx.msk [tilespmem:v59+s24+$0x0], $0xffff;
	v24 =	vmul.f32 v57, v11;
	v4 =	vadd.f32 v20, v4  }
0x34d: {  	v27 =	vor.u32 $0x18, v2;
	v10 =	vld.idx.msk [tilespmem:v58+s28+$0x0], $0xffff  }
0x34e: {  	v26 =	vor.u32 $0x18, v3;
	v29 =	vld.idx.msk [tilespmem:v63+s24+$0x0], $0xffff;
	v28 =	vmul.f32 v61, v13;
	v4 =	vadd.f32 v24, v4  }
0x34f: {  	v31 =	vor.u32 $0x19, v2;
	v12 =	vld.idx.msk [tilespmem:v62+s28+$0x0], $0xffff  }
0x350: {  	v30 =	vor.u32 $0x19, v3;
	v33 =	vld.idx.msk [tilespmem:v23+s24+$0x0], $0xffff;
	v32 =	vmul.f32 v21, v8;
	v4 =	vadd.f32 v28, v4  }
0x351: {  	v35 =	vor.u32 $0x1A, v2;
	v14 =	vld.idx.msk [tilespmem:v22+s28+$0x0], $0xffff  }
0x352: {  	v34 =	vor.u32 $0x1A, v3;
	v37 =	vld.idx.msk [tilespmem:v27+s24+$0x0], $0xffff;
	v36 =	vmul.f32 v25, v10;
	v4 =	vadd.f32 v32, v4  }
0x353: {  	v39 =	vor.u32 $0x1B, v2;
	v11 =	vld.idx.msk [tilespmem:v26+s28+$0x0], $0xffff  }
0x354: {  	v38 =	vor.u32 $0x1B, v3;
	v41 =	vld.idx.msk [tilespmem:v31+s24+$0x0], $0xffff;
	v40 =	vmul.f32 v29, v12;
	v4 =	vadd.f32 v36, v4  }
0x355: {  	v43 =	vor.u32 $0x1C, v2;
	v13 =	vld.idx.msk [tilespmem:v30+s28+$0x0], $0xffff  }
0x356: {  	v42 =	vor.u32 $0x1C, v3;
	v45 =	vld.idx.msk [tilespmem:v35+s24+$0x0], $0xffff;
	v44 =	vmul.f32 v33, v14;
	v4 =	vadd.f32 v40, v4  }
0x357: {  	v46 =	vor.u32 $0x1D, v3;
	v8 =	vld.idx.msk [tilespmem:v34+s28+$0x0], $0xffff  }
0x358: {  	v47 =	vor.u32 $0x1D, v2;
	v49 =	vld.idx.msk [tilespmem:v39+s24+$0x0], $0xffff;
	v48 =	vmul.f32 v37, v11;
	v4 =	vadd.f32 v44, v4  }
0x359: {  	v51 =	vor.u32 $0x1E, v2;
	v10 =	vld.idx.msk [tilespmem:v38+s28+$0x0], $0xffff  }
0x35a: {  	v50 =	vor.u32 $0x1E, v3;
	v53 =	vld.idx.msk [tilespmem:v43+s24+$0x0], $0xffff;
	v52 =	vmul.f32 v41, v13;
	v4 =	vadd.f32 v48, v4  }
0x35b: {  	v3 =	vor.u32 $0x1F, v3;
	v12 =	vld.idx.msk [tilespmem:v42+s28+$0x0], $0xffff  }
0x35c: {  	v2 =	vor.u32 $0x1F, v2;
	v54 =	vld.idx.msk [tilespmem:v46+s28+$0x0], $0xffff;
	v55 =	vmul.f32 v45, v8;
	v4 =	vadd.f32 v52, v4  }
0x35d: {  	v56 =	vld.idx.msk [tilespmem:v47+s24+$0x0], $0xffff  }
0x35e: {  	v59 =	vld.idx.msk [tilespmem:v51+s24+$0x0], $0xffff;
	v58 =	vmul.f32 v49, v10;
	v4 =	vadd.f32 v55, v4  }
0x35f: {  	v57 =	vld.idx.msk [tilespmem:v50+s28+$0x0], $0xffff  }
0x360: {  	v3 =	vld.idx.msk [tilespmem:v3+s28+$0x0], $0xffff;
	v60 =	vmul.f32 v53, v12;
	v4 =	vadd.f32 v58, v4  }
0x361: {  	v2 =	vld.idx.msk [tilespmem:v2+s24+$0x0], $0xffff  }
0x362: {  	v61 =	vmul.f32 v56, v54;
	v4 =	vadd.f32 v60, v4;
	_ =	sdelay $0x1  }
0x363: {  	v62 =	vmul.f32 v59, v57;
	v4 =	vadd.f32 v61, v4  }
0x364: {  	v63 =	vor.u32 s15, v0  }
0x365: {  	v2 =	vmul.f32 v2, v3;
	v4 =	vadd.f32 v62, v4;
	_ =	sdelay $0x1  }
0x366: {  	v2 =	vadd.f32 v2, v4;
	_ =	sdelay $0x1  }
0x367: {  	s26 =	rddreg [dreg:$0x8];
	s30 =	simm.s32 $0x2;
	[tilespmem:v63+s29+$0x0] =	vst.idx.msk $0xffff, v2  }
0x368: {  	[hbm4b:s26+s2] =	stream.linear.scatter [tilespmem:s29], [sflag:$0x2], $0x200, $0x38;
	[tilespmem:$0x10800] =	vst v63  }
0x369: {  	_ =	swait.ge [sflag:s30], $0x200  }
0x36a: {  	s4 =	rddreg [dreg:$0x10]  }
0x36b: {  	s31 =	rddreg [dreg:$0x9];
	s4 =	sadd.s32 $0x1, s4  }
0x36c: {  	p0 =	sne.s32 s4, s31  }
.Ltmp4:
0x36d: {  	_ = 	snop;
	(pc) =	sbr.rel @p0 .LBB2_1-.Ltmp4, $3  }
0x36e: {  	_ =	sdelay $0x1  }
0x36f: {  	[sflag:s30] =	ssyncset.done $0x0  }
0x370: {  	[sflag:s30] =	ssyncadd.s32 $0xFFFFFE00  }
0x371: {  	_ =	sfence.sel $0x180000  }
0x372: {  	[bflag:$0x0] =	sbarrier.arrive $0xFFFF  }
0x373: {  	_ =	strace $0x90000047  }
0x374: {  	s0 =	stileid.u32;
	[bflag:$0x2] =	sbarrier.arrive $0xFFFF  }
0x375: {  	p0 =	sne.s32 s0, $0x0;
	s0 =	rddreg [dreg:$0x4]  }
0x376: {  	s0 =	sadd.s32 @!p0 $0x100000, s0  }
0x377: {  	[sflag:s0] =	ssyncadd.tile.s32 @!p0 $0x1;
	_ =	shalt  }
.Lfunc_end2:
_tile_overlayer_lowered:
.L_overlay_start_2:
0x378: {  	(tag) =	ssettag $0x2  }
0x379: {  	s0 =	rddreg [dreg:$0x0];
	s2 =	stileid.u32  }
0x37a: {  	s1 =	rddreg [dreg:$0x1];
	p0 =	sne.s32 s2, $0x0  }
0x37b: {  	s3 =	rddreg [dreg:$0x2];
	[bflag:$0x3] =	sbarrier.arrive $0xFFFF;
	s2 =	simm.s32 @!p0 $0x1C02  }
0x37c: {  	[timem:s3], [sflag:s2] =	dma.local @!p0 [hbm:s0], s1  }
0x37d: {  	s0 =	simm.s32 @!p0 $0x2  }
0x37e: {  	_ =	swait.ge @!p0 [sflag:s0], s1  }
0x37f: {  	s1 =	ssub.s32 @!p0 $0x0, s1;
	[sflag:s0] =	ssyncset.done @!p0 $0x0  }
0x380: {  	[sflag:s0] =	ssyncadd.s32 @!p0 s1  }
0x381: {  	[bflag:$0x3] =	sbarrier.arrive $0xFFFF  }
0x382: {  	_ =	shalt  }

</sc_bundles>
